<compile_context>
chip_gen: v7x
topology: tpu7x:2x2x1
jax: 0.10.2.dev20260603
libtpu: 0.0.44.dev20260713+nightly
codegen_flags: <defaults>
</compile_context>

<pallas_src>
import functools

import jax
import jax.numpy as jnp
from jax.experimental import pallas as pl
from jax.experimental.pallas import tpu as pltpu
from jax.experimental.pallas import tpu_sc as plsc

S = 2048
B = 2
M = 2048
D = 768
H = 12
DH = 64
F = 2048
E = 64
TOPK = 2
T = S * B
C = (TOPK * T) // E
EC = E * C
BH = B * H

f32 = jnp.float32
bf16 = jnp.bfloat16


def _proj_body(x_ref, w_ref, b_ref, o_ref, *, n0, n1, out_dtype):
    w = w_ref[n0:n1, :]
    y = jax.lax.dot_general(x_ref[...], w, (((1,), (1,)), ((), ())),
                            preferred_element_type=f32) + b_ref[...]
    o_ref[...] = y.astype(out_dtype)


def _proj(x, w, b, n0, n1, out_dtype=f32, blk=512):
    n = x.shape[0]
    nout = n1 - n0
    return pl.pallas_call(
        functools.partial(_proj_body, n0=n0, n1=n1, out_dtype=out_dtype),
        grid=(n // blk,),
        in_specs=[
            pl.BlockSpec((blk, x.shape[1]), lambda i: (i, 0)),
            pl.BlockSpec(w.shape, lambda i: (0, 0)),
            pl.BlockSpec((1, nout), lambda i: (0, 0)),
        ],
        out_specs=pl.BlockSpec((blk, nout), lambda i: (i, 0)),
        out_shape=jax.ShapeDtypeStruct((n, nout), out_dtype),
    )(x, w, b[None, n0:n1])


_SQB = 512


def _attn_body(q_ref, k_ref, v_ref, o_ref):
    skv = k_ref.shape[1]
    ones = jnp.ones((skv, DH), bf16)
    q = q_ref[0] * bf16(0.125)
    k = k_ref[0]
    v = v_ref[0]
    outs = []
    for h in range(2):
        sl = slice(h * DH, (h + 1) * DH)
        s = jax.lax.dot_general(q[:, sl], k[:, sl],
                                (((1,), (1,)), ((), ())),
                                preferred_element_type=f32)
        p = jnp.exp(s).astype(bf16)
        vv = jnp.concatenate([v[:, sl], ones], axis=1)
        acc = jax.lax.dot_general(p, vv, (((1,), (0,)), ((), ())),
                                  preferred_element_type=f32)
        outs.append(acc[:, :DH] / acc[:, DH:DH + 1])
    o_ref[0] = jnp.concatenate(outs, axis=1)


def _attention(qarr, kvarr, qo, ko, vo):
    skv = kvarr.shape[1]
    return pl.pallas_call(
        _attn_body,
        grid=(B, H // 2, S // _SQB),
        in_specs=[
            pl.BlockSpec((1, _SQB, 128), lambda b, h, i: (b, i, qo + h)),
            pl.BlockSpec((1, skv, 128), lambda b, h, i: (b, 0, ko + h)),
            pl.BlockSpec((1, skv, 128), lambda b, h, i: (b, 0, vo + h)),
        ],
        out_specs=pl.BlockSpec((1, _SQB, 128), lambda b, h, i: (b, i, h)),
        out_shape=jax.ShapeDtypeStruct((B, S, D), f32),
    )(qarr, kvarr, kvarr)


def _oproj_ln_body(a_ref, w_ref, b_ref, x_ref, g_ref, bb_ref, o_ref):
    y = (jax.lax.dot_general(a_ref[...], w_ref[...], (((1,), (1,)), ((), ())),
                             preferred_element_type=f32)
         + b_ref[...] + x_ref[...])
    mu = jnp.mean(y, axis=-1, keepdims=True)
    yc = y - mu
    var = jnp.mean(yc * yc, axis=-1, keepdims=True)
    o_ref[...] = yc * jax.lax.rsqrt(var + 1e-5) * g_ref[...] + bb_ref[...]


def _oproj_ln(a, w, b, x, g, bb, blk=512):
    row = pl.BlockSpec((blk, D), lambda i: (i, 0))
    vec = pl.BlockSpec((1, D), lambda i: (0, 0))
    return pl.pallas_call(
        _oproj_ln_body,
        grid=(T // blk,),
        in_specs=[row, pl.BlockSpec((D, D), lambda i: (0, 0)), vec, row,
                  vec, vec],
        out_specs=row,
        out_shape=jax.ShapeDtypeStruct((T, D), f32),
    )(a, w, b[None, :], x, g[None, :], bb[None, :])


_RBLK = 512


def _route_body(x_ref, wg_ref, i1_ref, i2_ref, g1_ref, g2_ref, l1_ref,
                r2_ref, tot_ref, cnt_ref):
    step = pl.program_id(0)

    @pl.when(step == 0)
    def _():
        cnt_ref[...] = jnp.zeros_like(cnt_ref)

    logits = jnp.dot(x_ref[...], wg_ref[...], preferred_element_type=f32)
    mx = jnp.max(logits, axis=-1, keepdims=True)
    ex = jnp.exp(logits - mx)
    gates = ex / jnp.sum(ex, axis=-1, keepdims=True)

    lane = jax.lax.broadcasted_iota(jnp.int32, (_RBLK, E), 1)
    g1 = jnp.max(gates, axis=-1, keepdims=True)
    i1 = jnp.min(jnp.where(gates == g1, lane, E), axis=-1, keepdims=True)
    oh1 = (lane == i1).astype(bf16)
    gates2 = gates * (1.0 - oh1.astype(f32))
    g2 = jnp.max(gates2, axis=-1, keepdims=True)
    i2 = jnp.min(jnp.where(gates2 == g2, lane, E), axis=-1, keepdims=True)
    oh2 = (lane == i2).astype(bf16)
    den = g1 + g2 + 1e-9

    r = jax.lax.broadcasted_iota(jnp.int32, (_RBLK, _RBLK), 0)
    c = jax.lax.broadcasted_iota(jnp.int32, (_RBLK, _RBLK), 1)
    tril = (r > c).astype(bf16)
    csum1 = jax.lax.dot_general(tril, oh1, (((1,), (0,)), ((), ())),
                                preferred_element_type=f32)
    csum2 = jax.lax.dot_general(tril, oh2, (((1,), (0,)), ((), ())),
                                preferred_element_type=f32)

    oh1f = oh1.astype(f32)
    oh2f = oh2.astype(f32)
    loc1 = jnp.sum((csum1 + cnt_ref[0:1, :]) * oh1f, axis=-1, keepdims=True)
    rank2 = jnp.sum((csum2 + cnt_ref[1:2, :]) * oh2f, axis=-1, keepdims=True)
    cnt_ref[0:1, :] += jnp.sum(oh1f, axis=0, keepdims=True)
    cnt_ref[1:2, :] += jnp.sum(oh2f, axis=0, keepdims=True)
    tot_ref[...] = cnt_ref[0:1, :]

    i1_ref[...] = i1
    i2_ref[...] = i2
    g1_ref[...] = g1 / den
    g2_ref[...] = g2 / den
    l1_ref[...] = loc1
    r2_ref[...] = rank2


def _route_a(x2d, wg):
    tok = pl.BlockSpec((_RBLK, 1), lambda i: (i, 0))
    return pl.pallas_call(
        _route_body,
        grid=(T // _RBLK,),
        in_specs=[
            pl.BlockSpec((_RBLK, D), lambda i: (i, 0)),
            pl.BlockSpec((D, E), lambda i: (0, 0)),
        ],
        out_specs=[tok, tok, tok, tok, tok, tok,
                   pl.BlockSpec((1, E), lambda i: (0, 0))],
        out_shape=[
            jax.ShapeDtypeStruct((T, 1), jnp.int32),
            jax.ShapeDtypeStruct((T, 1), jnp.int32),
            jax.ShapeDtypeStruct((T, 1), f32),
            jax.ShapeDtypeStruct((T, 1), f32),
            jax.ShapeDtypeStruct((T, 1), f32),
            jax.ShapeDtypeStruct((T, 1), f32),
            jax.ShapeDtypeStruct((1, E), f32),
        ],
        scratch_shapes=[pltpu.VMEM((2, E), f32)],
    )(x2d, wg)


def _route_b_body(i1_ref, i2_ref, g1_ref, g2_ref, l1_ref, r2_ref, tot_ref,
                  ss_ref, gs_ref, w1_ref, w2_ref):
    i1 = i1_ref[...]
    i2 = i2_ref[...]
    l1 = l1_ref[...]
    t = jax.lax.broadcasted_iota(jnp.int32, (T, 1), 0)

    kept1 = l1 < C
    slot1 = i1 * C + l1.astype(jnp.int32)
    ss1 = jnp.where(kept1, slot1, EC + t)
    gs1 = jnp.where(kept1, slot1, 0)
    w1_ref[...] = jnp.where(kept1, g1_ref[...], 0.0)

    lane = jax.lax.broadcasted_iota(jnp.int32, (T, E), 1)
    oh2 = lane == i2
    tot_i2 = jnp.sum(jnp.where(oh2, tot_ref[...], 0.0), axis=-1,
                     keepdims=True)
    loc2 = r2_ref[...] + tot_i2
    kept2 = loc2 < C
    slot2 = i2 * C + loc2.astype(jnp.int32)
    ss2 = jnp.where(kept2, slot2, EC + T + t)
    gs2 = jnp.where(kept2, slot2, 0)
    w2_ref[...] = jnp.where(kept2, g2_ref[...], 0.0)

    ss = jnp.concatenate([ss1, ss2], axis=0)
    gs = jnp.concatenate([gs1, gs2], axis=0)
    ss_ref[...] = jnp.concatenate([2 * ss, 2 * ss + 1], axis=1)
    gs_ref[...] = jnp.concatenate([2 * gs, 2 * gs + 1], axis=1)


def _route_b(i1, i2, g1, g2, l1, r2, tot):
    tok = pl.BlockSpec((T, 1), lambda: (0, 0))
    pair = pl.BlockSpec((2 * T, 2), lambda: (0, 0))
    return pl.pallas_call(
        _route_b_body,
        in_specs=[tok, tok, tok, tok, tok, tok,
                  pl.BlockSpec((1, E), lambda: (0, 0))],
        out_specs=[pair, pair, tok, tok],
        out_shape=[
            jax.ShapeDtypeStruct((2 * T, 2), jnp.int32),
            jax.ShapeDtypeStruct((2 * T, 2), jnp.int32),
            jax.ShapeDtypeStruct((T, 1), f32),
            jax.ShapeDtypeStruct((T, 1), f32),
        ],
    )(i1, i2, g1, g2, l1, r2, tot)


_XE_ROWS = EC + 2 * T
_HD = D // 2
_WIN = 128


def _sc_dispatch(x2d, sslots_h):
    mesh = plsc.VectorSubcoreMesh(core_axis_name="c", subcore_axis_name="s")
    xh = x2d.reshape(2 * T, _HD)
    nblk = 2 * T // _WIN

    @pl.kernel(out_type=jax.ShapeDtypeStruct((2 * _XE_ROWS, _HD), f32),
               mesh=mesh)
    def k(x_hbm, s_hbm, o_hbm):
        def body(x_vmem, i_vmem):
            pltpu.sync_copy(x_vmem, o_hbm.at[i_vmem.at[0]])

        pltpu.emit_pipeline(
            body,
            grid=(4 * T // _WIN,),
            in_specs=[
                pl.BlockSpec((_WIN, _HD), lambda i: (jax.lax.rem(i, nblk), 0)),
                pl.BlockSpec((1, _WIN), lambda i: (0, i)),
            ],
            out_specs=[],
            core_axis_name=("c", "s"),
            dimension_semantics=(pltpu.PARALLEL,),
        )(x_hbm, s_hbm)

    return k(xh, sslots_h).reshape(_XE_ROWS, D)


def _sc_combine_gather(ye, gslots_h):
    mesh = plsc.VectorSubcoreMesh(core_axis_name="c", subcore_axis_name="s")
    yh = ye.reshape(2 * EC, _HD)

    @pl.kernel(out_type=jax.ShapeDtypeStruct((4 * T, _HD), f32),
               mesh=mesh)
    def k(y_hbm, s_hbm, o_hbm):
        def body(i_vmem, o_vmem):
            pltpu.sync_copy(y_hbm.at[i_vmem.at[0]], o_vmem)

        pltpu.emit_pipeline(
            body,
            grid=(4 * T // _WIN,),
            in_specs=[pl.BlockSpec((1, _WIN), lambda i: (0, i))],
            out_specs=[pl.BlockSpec((_WIN, _HD), lambda i: (i, 0))],
            core_axis_name=("c", "s"),
            dimension_semantics=(pltpu.PARALLEL,),
        )(s_hbm, o_hbm)

    return k(yh, gslots_h).reshape(2 * T, D)


def _ffn_body(xe_ref, w1_ref, b1_ref, w2_ref, b2_ref, o_ref):
    x = xe_ref[...].astype(bf16)
    h = jnp.dot(x, w1_ref[0].astype(bf16), preferred_element_type=f32) \
        + b1_ref[0]
    h = jnp.maximum(h, 0.0)
    o_ref[...] = jnp.dot(h.astype(bf16), w2_ref[0].astype(bf16),
                         preferred_element_type=f32) + b2_ref[0]


def _ffn(xe, w1, b1, w2, b2):
    return pl.pallas_call(
        _ffn_body,
        grid=(E,),
        in_specs=[
            pl.BlockSpec((C, D), lambda e: (e, 0)),
            pl.BlockSpec((1, D, F), lambda e: (e, 0, 0)),
            pl.BlockSpec((1, 1, F), lambda e: (e, 0, 0)),
            pl.BlockSpec((1, F, D), lambda e: (e, 0, 0)),
            pl.BlockSpec((1, 1, D), lambda e: (e, 0, 0)),
        ],
        out_specs=pl.BlockSpec((C, D), lambda e: (e, 0)),
        out_shape=jax.ShapeDtypeStruct((EC, D), f32),
    )(xe, w1, b1[:, None, :], w2, b2[:, None, :])


def _final_body(x_ref, y1_ref, y2_ref, w1_ref, w2_ref, g_ref, b_ref, o_ref):
    w1 = w1_ref[...]
    w2 = w2_ref[...]
    moe = (jnp.where(w1 > 0, w1 * y1_ref[...], 0.0)
           + jnp.where(w2 > 0, w2 * y2_ref[...], 0.0))
    y = x_ref[...] + moe
    mu = jnp.mean(y, axis=-1, keepdims=True)
    yc = y - mu
    var = jnp.mean(yc * yc, axis=-1, keepdims=True)
    o_ref[...] = yc * jax.lax.rsqrt(var + 1e-5) * g_ref[...] + b_ref[...]


def _final(x2, y12, w1, w2, g, b, blk=512):
    row = pl.BlockSpec((blk, D), lambda i: (i, 0))
    return pl.pallas_call(
        _final_body,
        grid=(T // blk,),
        in_specs=[
            row,
            row,
            pl.BlockSpec((blk, D), lambda i: (i + T // blk, 0)),
            pl.BlockSpec((blk, 1), lambda i: (i, 0)),
            pl.BlockSpec((blk, 1), lambda i: (i, 0)),
            pl.BlockSpec((1, D), lambda i: (0, 0)),
            pl.BlockSpec((1, D), lambda i: (0, 0)),
        ],
        out_specs=row,
        out_shape=jax.ShapeDtypeStruct((T, D), f32),
    )(x2, y12, y12, w1, w2, g[None, :], b[None, :])


def kernel(tgt, memory, Wqkv_s, bqkv_s, Wo_s, bo_s, Wqkv_c, bqkv_c, Wo_c,
           bo_c, Wg, W1, b1e, W2, b2e, ln1_g, ln1_b, ln2_g, ln2_b, ln3_g,
           ln3_b):
    x0 = tgt.reshape(T, D)
    m2d = memory.reshape(M * B, D)

    qkv = _proj(x0, Wqkv_s, bqkv_s, 0, 3 * D, out_dtype=bf16)
    qkv3 = qkv.reshape(S, B, 3 * D).transpose(1, 0, 2)
    a = _attention(qkv3, qkv3, 0, 6, 12)
    a2d = a.transpose(1, 0, 2).reshape(T, D)
    x1 = _oproj_ln(a2d, Wo_s, bo_s, x0, ln1_g, ln1_b)

    qc = _proj(x1, Wqkv_c, bqkv_c, 0, D, out_dtype=bf16)
    kvc = _proj(m2d, Wqkv_c, bqkv_c, D, 3 * D, out_dtype=bf16)
    ac = _attention(qc.reshape(S, B, D).transpose(1, 0, 2),
                    kvc.reshape(M, B, 2 * D).transpose(1, 0, 2), 0, 0, 6)
    ac2d = ac.transpose(1, 0, 2).reshape(T, D)
    x2 = _oproj_ln(ac2d, Wo_c, bo_c, x1, ln2_g, ln2_b)

    i1, i2, g1, g2, l1, r2, tot = _route_a(x2, Wg)
    ss, gs, w1, w2 = _route_b(i1, i2, g1, g2, l1, r2, tot)

    xe = _sc_dispatch(x2, ss.reshape(1, 4 * T))
    ye = _ffn(xe, W1, b1e, W2, b2e)
    y12 = _sc_combine_gather(ye, gs.reshape(1, 4 * T))

    out = _final(x2, y12, w1, w2, ln3_g, ln3_b)
    return out.reshape(S, B, D)

# --- scband reference (transcript-rebuilt; emitter-appended) ---
"""Pipeline reference for scband-transformer-mo-edecoder-layer-49108656063223 (READ-ONLY COPY).

The authoritative reference and input builder live on the scoring server;
editing this copy changes nothing except your own understanding.
"""

import jax, jax.numpy as jnp
import numpy as np

S = 2048
B = 2
M = 2048
D_MODEL = 768
NHEAD = 12
D_FF = 2048
NEXPERTS = 64
TOPK = 2


def setup_inputs(seed: int = 0) -> dict:
    key = jax.random.key(seed)
    ks = jax.random.split(key, 16)

    def w(k, shape, s=0.02):
        return jax.random.normal(k, shape, dtype=jnp.float32) * s

    inp = {
        "tgt": jax.random.normal(ks[0], (S, B, D_MODEL), dtype=jnp.float32),
        "memory": jax.random.normal(ks[1], (M, B, D_MODEL), dtype=jnp.float32),
        # self-attention (torch MultiheadAttention packed in_proj layout)
        "Wqkv_s": w(ks[2], (3 * D_MODEL, D_MODEL)),
        "bqkv_s": jnp.zeros((3 * D_MODEL,), dtype=jnp.float32),
        "Wo_s": w(ks[3], (D_MODEL, D_MODEL)),
        "bo_s": jnp.zeros((D_MODEL,), dtype=jnp.float32),
        # cross-attention
        "Wqkv_c": w(ks[4], (3 * D_MODEL, D_MODEL)),
        "bqkv_c": jnp.zeros((3 * D_MODEL,), dtype=jnp.float32),
        "Wo_c": w(ks[5], (D_MODEL, D_MODEL)),
        "bo_c": jnp.zeros((D_MODEL,), dtype=jnp.float32),
        # top-2 gate
        "Wg": w(ks[6], (D_MODEL, NEXPERTS)),
        # merged FFN experts
        "W1": w(ks[7], (NEXPERTS, D_MODEL, D_FF)),
        "b1e": jnp.zeros((NEXPERTS, D_FF), dtype=jnp.float32),
        "W2": w(ks[8], (NEXPERTS, D_FF, D_MODEL)),
        "b2e": jnp.zeros((NEXPERTS, D_MODEL), dtype=jnp.float32),
        # layernorms
        "ln1_g": jnp.ones((D_MODEL,), dtype=jnp.float32),
        "ln1_b": jnp.zeros((D_MODEL,), dtype=jnp.float32),
        "ln2_g": jnp.ones((D_MODEL,), dtype=jnp.float32),
        "ln2_b": jnp.zeros((D_MODEL,), dtype=jnp.float32),
        "ln3_g": jnp.ones((D_MODEL,), dtype=jnp.float32),
        "ln3_b": jnp.zeros((D_MODEL,), dtype=jnp.float32),
    }
    return inp


def _layernorm(x, g, b):
    mu = jnp.mean(x, axis=-1, keepdims=True)
    var = jnp.var(x, axis=-1, keepdims=True)
    return (x - mu) / jnp.sqrt(var + 1e-5) * g + b


def _mha(q_in, k_in, v_in, Wqkv, bqkv, Wo, bo):
    d = D_MODEL
    h = NHEAD
    dh = d // h
    Wq, Wk, Wv = Wqkv[:d], Wqkv[d:2 * d], Wqkv[2 * d:]
    bq, bk, bv = bqkv[:d], bqkv[d:2 * d], bqkv[2 * d:]
    q = q_in @ Wq.T + bq
    k = k_in @ Wk.T + bk
    v = v_in @ Wv.T + bv

    def split(t):
        s_, b_ = t.shape[0], t.shape[1]
        return t.reshape(s_, b_, h, dh).transpose(1, 2, 0, 3)

    qh, kh, vh = split(q), split(k), split(v)
    scores = (qh @ kh.transpose(0, 1, 3, 2)) / np.sqrt(dh)
    att = jax.nn.softmax(scores, axis=-1)
    oh = att @ vh  # [B, h, Sq, dh]
    o = oh.transpose(2, 0, 1, 3).reshape(q_in.shape[0], q_in.shape[1], d)
    return o @ Wo.T + bo


def _moe(x2d, Wg, W1, b1e, W2, b2e):
    T = x2d.shape[0]
    E = NEXPERTS
    C = (TOPK * T) // E  # capacity per expert
    logits = x2d @ Wg
    gates = jax.nn.softmax(logits, axis=-1)
    i1 = jnp.argmax(gates, axis=-1)
    m1 = jax.nn.one_hot(i1, E, dtype=x2d.dtype)
    gates_no1 = gates * (1.0 - m1)
    i2 = jnp.argmax(gates_no1, axis=-1)
    m2 = jax.nn.one_hot(i2, E, dtype=x2d.dtype)
    g1 = jnp.sum(gates * m1, axis=-1)
    g2 = jnp.sum(gates * m2, axis=-1)
    den = g1 + g2 + 1e-9
    g1 = g1 / den
    g2 = g2 / den
    loc1 = jnp.cumsum(m1, axis=0) - 1.0
    m1k = m1 * (loc1 < C).astype(x2d.dtype)
    loc2 = jnp.cumsum(m2, axis=0) - 1.0 + jnp.sum(m1, axis=0, keepdims=True)
    m2k = m2 * (loc2 < C).astype(x2d.dtype)
    p1 = jnp.sum(loc1 * m1k, axis=-1).astype(jnp.int32)
    p2 = jnp.sum(loc2 * m2k, axis=-1).astype(jnp.int32)
    c1 = g1[:, None, None] * m1k[:, :, None] * jax.nn.one_hot(p1, C, dtype=x2d.dtype)[:, None, :]
    c2 = g2[:, None, None] * m2k[:, :, None] * jax.nn.one_hot(p2, C, dtype=x2d.dtype)[:, None, :]
    combine = c1 + c2  # [T, E, C]
    dispatch = (combine > 0).astype(x2d.dtype)
    xe = jnp.einsum('td,tec->ecd', x2d, dispatch)
    hdn = jax.nn.relu(jnp.einsum('ecd,edf->ecf', xe, W1) + b1e[:, None, :])
    ye = jnp.einsum('ecf,efd->ecd', hdn, W2) + b2e[:, None, :]
    return jnp.einsum('ecd,tec->td', ye, combine)


def reference(tgt, memory, Wqkv_s, bqkv_s, Wo_s, bo_s, Wqkv_c, bqkv_c, Wo_c, bo_c,
              Wg, W1, b1e, W2, b2e, ln1_g, ln1_b, ln2_g, ln2_b, ln3_g, ln3_b):
    x = tgt
    x = _layernorm(x + _mha(x, x, x, Wqkv_s, bqkv_s, Wo_s, bo_s), ln1_g, ln1_b)
    x = _layernorm(x + _mha(x, memory, memory, Wqkv_c, bqkv_c, Wo_c, bo_c), ln2_g, ln2_b)
    s_, b_, d_ = x.shape
    x2d = x.reshape(s_ * b_, d_)
    moe_out = _moe(x2d, Wg, W1, b1e, W2, b2e).reshape(s_, b_, d_)
    x = _layernorm(x + moe_out, ln3_g, ln3_b)
    return x

if __name__ == "__main__":
    import jax
    _d = setup_inputs()
    print(jax.jit(kernel)(*tuple(_d.values())))

</pallas_src>

<mosaic_0001>
#map = affine_map<(d0, d1) -> (0, 0)>
module attributes {stable_mosaic.version = 14 : i64} {
  func.func @k(%arg0: i32, %arg1: i32, %arg2: memref<8192x384xf32, #tpu.memory_space<hbm>>, %arg3: memref<1x16384xi32, #tpu.memory_space<hbm>>, %arg4: memref<32768x384xf32, #tpu.memory_space<hbm>>) attributes {dimension_semantics = [#tpu.dimension_semantics<core_parallel>, #tpu.dimension_semantics<subcore_parallel>], iteration_bounds = array<i64: 2, 16>, scalar_prefetch = 0 : i64, scratch_operands = 0 : i64, tpu.core_type = #tpu.core_type<sc_vector_subcore>, window_params = [{transform_indices = #map}, {transform_indices = #map}, {transform_indices = #map}]} {
    %mul3A = arith.constant 1 : i32
    %mul3A_0 = arith.muli %arg1, %mul3A : i32
    %add3A = arith.constant 0 : i32
    %add3A_1 = arith.addi %add3A, %mul3A_0 : i32
    %mul3A_2 = arith.constant 16 : i32
    %mul3A_3 = arith.muli %arg0, %mul3A_2 : i32
    %add3A_4 = arith.addi %add3A_1, %mul3A_3 : i32
    %mul3A_5 = arith.constant 4 : i32
    %mul3A_6 = arith.muli %add3A_4, %mul3A_5 : i32
    "tpu.region"() ({
      %run_scoped3A = memref.alloca() : memref<2x128x384xf32, #tpu.memory_space<vmem>>
      %run_scoped3A_7 = tpu.sem_alloc : memref<2x!tpu.dma_semaphore, #tpu.memory_space<semaphore_mem>>
      %run_scoped3A_8 = memref.alloca() : memref<2x1x128xi32, #tpu.memory_space<vmem>>
      %run_scoped3A_9 = tpu.sem_alloc : memref<2x!tpu.dma_semaphore, #tpu.memory_space<semaphore_mem>>
      %add3A_10 = arith.constant 0 : i32
      %add3A_11 = arith.addi %add3A_10, %mul3A_6 : i32
      %select_n3A = arith.constant true
      %select_n3A_12 = arith.constant 0 : i32
      %select_n3A_13 = arith.constant -1 : i32
      %select_n3A_14 = arith.select %select_n3A, %select_n3A_13, %select_n3A_12 : i32
      %eq3A = arith.constant -1 : i32
      %eq3A_15 = arith.cmpi eq, %select_n3A_14, %eq3A : i32
      %select_n3A_16 = arith.constant 3 : i32
      %select_n3A_17 = arith.select %eq3A_15, %select_n3A_16, %select_n3A_14 : i32
      %add3A_18 = arith.addi %select_n3A_17, %mul3A_6 : i32
      %select_n3A_19 = arith.constant true
      %select_n3A_20 = arith.constant 0 : i32
      %select_n3A_21 = arith.constant 1 : i32
      %select_n3A_22 = arith.select %select_n3A_19, %select_n3A_21, %select_n3A_20 : i32
      %eq3A_23 = arith.constant 4 : i32
      %eq3A_24 = arith.cmpi eq, %select_n3A_22, %eq3A_23 : i32
      %select_n3A_25 = arith.constant 0 : i32
      %select_n3A_26 = arith.select %eq3A_24, %select_n3A_25, %select_n3A_22 : i32
      %add3A_27 = arith.addi %select_n3A_26, %mul3A_6 : i32
      %add3A_28 = arith.constant 1 : i32
      %add3A_29 = arith.addi %select_n3A_26, %add3A_28 : i32
      %select_n3A_30 = arith.constant true
      %select_n3A_31 = arith.select %select_n3A_30, %add3A_29, %select_n3A_26 : i32
      %eq3A_32 = arith.constant 4 : i32
      %eq3A_33 = arith.cmpi eq, %select_n3A_31, %eq3A_32 : i32
      %select_n3A_34 = arith.constant 0 : i32
      %select_n3A_35 = arith.select %eq3A_33, %select_n3A_34, %select_n3A_31 : i32
      %add3A_36 = arith.addi %select_n3A_35, %mul3A_6 : i32
      "tpu.trace_start"() <{level = 10 : i32, message = "ep_initialize_0"}> : () -> ()
      %rem3A = arith.constant 0 : i32
      %rem3A_37 = arith.constant 2 : i32
      %rem3A_38 = arith.remui %rem3A, %rem3A_37 : i32
      %rem3A_39 = arith.constant 64 : i32
      %rem3A_40 = arith.remsi %add3A_11, %rem3A_39 : i32
      %mul3A_41 = arith.constant 128 : i32
      %mul3A_42 = arith.muli %mul3A_41, %rem3A_40 : i32
      %dma_start3A = arith.constant 0 : i32
      %dma_start3A_43 = arith.constant 0 : i32
      %dma_start3A_44 = tpu.memref_slice %run_scoped3A[%rem3A_38, %dma_start3A, %dma_start3A_43] : memref<2x128x384xf32, #tpu.memory_space<vmem>> -> memref<1x128x384xf32, #tpu.memory_space<vmem>>
      %dma_start3A_45 = tpu.memref_squeeze %dma_start3A_44 : memref<1x128x384xf32, #tpu.memory_space<vmem>> -> memref<128x384xf32, #tpu.memory_space<vmem>>
      %dma_start3A_46 = arith.constant 0 : i32
      %dma_start3A_47 = tpu.memref_slice %arg2[%mul3A_42, %dma_start3A_46] : memref<8192x384xf32, #tpu.memory_space<hbm>> -> memref<128x384xf32, #tpu.memory_space<hbm>>
      %dma_start3A_48 = tpu.memref_slice %run_scoped3A_7[%rem3A_38] : memref<2x!tpu.dma_semaphore, #tpu.memory_space<semaphore_mem>> -> memref<1x!tpu.dma_semaphore, #tpu.memory_space<semaphore_mem>>
      %dma_start3A_49 = tpu.memref_squeeze %dma_start3A_48 : memref<1x!tpu.dma_semaphore, #tpu.memory_space<semaphore_mem>> -> memref<!tpu.dma_semaphore, #tpu.memory_space<semaphore_mem>>
      %dma_start3A_50 = arith.constant 0 : i32
      %dma_start3A_51 = arith.constant 0 : i32
      %dma_start3A_52 = tpu.memref_slice %run_scoped3A[%rem3A_38, %dma_start3A_50, %dma_start3A_51] : memref<2x128x384xf32, #tpu.memory_space<vmem>> -> memref<1x128x384xf32, #tpu.memory_space<vmem>>
      %dma_start3A_53 = tpu.memref_squeeze %dma_start3A_52 : memref<1x128x384xf32, #tpu.memory_space<vmem>> -> memref<128x384xf32, #tpu.memory_space<vmem>>
      %dma_start3A_54 = arith.constant 0 : i32
      %dma_start3A_55 = tpu.memref_slice %arg2[%mul3A_42, %dma_start3A_54] : memref<8192x384xf32, #tpu.memory_space<hbm>> -> memref<128x384xf32, #tpu.memory_space<hbm>>
      tpu.enqueue_dma source(%dma_start3A_55 : memref<128x384xf32, #tpu.memory_space<hbm>>) target(%dma_start3A_53 : memref<128x384xf32, #tpu.memory_space<vmem>>) target_semaphore(%dma_start3A_49 : memref<!tpu.dma_semaphore, #tpu.memory_space<semaphore_mem>>)
      %add3A_56 = arith.constant 0 : i32
      %add3A_57 = arith.constant 1 : i32
      %add3A_58 = arith.addi %add3A_56, %add3A_57 : i32
      %select_n3A_59 = arith.constant true
      %select_n3A_60 = arith.constant 0 : i32
      %select_n3A_61 = arith.select %select_n3A_59, %add3A_58, %select_n3A_60 : i32
      %rem3A_62 = arith.constant 0 : i32
      %rem3A_63 = arith.constant 2 : i32
      %rem3A_64 = arith.remui %rem3A_62, %rem3A_63 : i32
      %mul3A_65 = arith.constant 128 : i32
      %mul3A_66 = arith.muli %mul3A_65, %add3A_11 : i32
      %dma_start3A_67 = arith.constant 0 : i32
      %dma_start3A_68 = arith.constant 0 : i32
      %dma_start3A_69 = tpu.memref_slice %run_scoped3A_8[%rem3A_64, %dma_start3A_67, %dma_start3A_68] : memref<2x1x128xi32, #tpu.memory_space<vmem>> -> memref<1x1x128xi32, #tpu.memory_space<vmem>>
      %dma_start3A_70 = tpu.memref_squeeze %dma_start3A_69 : memref<1x1x128xi32, #tpu.memory_space<vmem>> -> memref<1x128xi32, #tpu.memory_space<vmem>>
      %dma_start3A_71 = arith.constant 0 : i32
      %dma_start3A_72 = tpu.memref_slice %arg3[%dma_start3A_71, %mul3A_66] : memref<1x16384xi32, #tpu.memory_space<hbm>> -> memref<1x128xi32, #tpu.memory_space<hbm>>
      %dma_start3A_73 = tpu.memref_slice %run_scoped3A_9[%rem3A_64] : memref<2x!tpu.dma_semaphore, #tpu.memory_space<semaphore_mem>> -> memref<1x!tpu.dma_semaphore, #tpu.memory_space<semaphore_mem>>
      %dma_start3A_74 = tpu.memref_squeeze %dma_start3A_73 : memref<1x!tpu.dma_semaphore, #tpu.memory_space<semaphore_mem>> -> memref<!tpu.dma_semaphore, #tpu.memory_space<semaphore_mem>>
      %dma_start3A_75 = arith.constant 0 : i32
      %dma_start3A_76 = arith.constant 0 : i32
      %dma_start3A_77 = tpu.memref_slice %run_scoped3A_8[%rem3A_64, %dma_start3A_75, %dma_start3A_76] : memref<2x1x128xi32, #tpu.memory_space<vmem>> -> memref<1x1x128xi32, #tpu.memory_space<vmem>>
      %dma_start3A_78 = tpu.memref_squeeze %dma_start3A_77 : memref<1x1x128xi32, #tpu.memory_space<vmem>> -> memref<1x128xi32, #tpu.memory_space<vmem>>
      %dma_start3A_79 = arith.constant 0 : i32
      %dma_start3A_80 = tpu.memref_slice %arg3[%dma_start3A_79, %mul3A_66] : memref<1x16384xi32, #tpu.memory_space<hbm>> -> memref<1x128xi32, #tpu.memory_space<hbm>>
      tpu.enqueue_dma source(%dma_start3A_80 : memref<1x128xi32, #tpu.memory_space<hbm>>) target(%dma_start3A_78 : memref<1x128xi32, #tpu.memory_space<vmem>>) target_semaphore(%dma_start3A_74 : memref<!tpu.dma_semaphore, #tpu.memory_space<semaphore_mem>>)
      %add3A_81 = arith.constant 0 : i32
      %add3A_82 = arith.constant 1 : i32
      %add3A_83 = arith.addi %add3A_81, %add3A_82 : i32
      %select_n3A_84 = arith.constant true
      %select_n3A_85 = arith.constant 0 : i32
      %select_n3A_86 = arith.select %select_n3A_84, %add3A_83, %select_n3A_85 : i32
      "tpu.trace_stop"() : () -> ()
      %scan3A = arith.constant 0 : i32
      %scan3A_87 = arith.constant 0 : i32
      %scan3A_88 = arith.constant 0 : i32
      %scan3A_89 = arith.constant 0 : i32
      %scan3A_90 = arith.constant 4 : i32
      %scan3A_91 = arith.addi %scan3A_89, %scan3A_90 : i32
      %scan3A_92 = arith.constant 1 : i32
      %scan3A_93:5 = scf.for %scan3A_130 = %scan3A_89 to %scan3A_91 step %scan3A_92 iter_args(%scan3A_131 = %select_n3A_61, %scan3A_132 = %scan3A, %scan3A_133 = %select_n3A_86, %scan3A_134 = %scan3A_87, %scan3A_135 = %scan3A_88) -> (i32, i32, i32, i32, i32)  : i32 {
        %eq3A_136 = arith.constant 0 : i32
        %eq3A_137 = arith.cmpi eq, %scan3A_130, %eq3A_136 : i32
        %eq3A_138 = arith.constant 3 : i32
        %eq3A_139 = arith.cmpi eq, %scan3A_130, %eq3A_138 : i32
        %add3A_140 = arith.addi %scan3A_135, %mul3A_6 : i32
        %sub3A_141 = arith.constant 1 : i32
        %sub3A_142 = arith.subi %scan3A_135, %sub3A_141 : i32
        %select_n3A_143 = arith.constant true
        %select_n3A_144 = arith.select %select_n3A_143, %sub3A_142, %scan3A_135 : i32
        %eq3A_145 = arith.constant -1 : i32
        %eq3A_146 = arith.cmpi eq, %select_n3A_144, %eq3A_145 : i32
        %select_n3A_147 = arith.constant 3 : i32
        %select_n3A_148 = arith.select %eq3A_146, %select_n3A_147, %select_n3A_144 : i32
        %add3A_149 = arith.addi %select_n3A_148, %mul3A_6 : i32
        %add3A_150 = arith.constant 1 : i32
        %add3A_151 = arith.addi %scan3A_135, %add3A_150 : i32
        %select_n3A_152 = arith.constant true
        %select_n3A_153 = arith.select %select_n3A_152, %add3A_151, %scan3A_135 : i32
        %eq3A_154 = arith.constant 4 : i32
        %eq3A_155 = arith.cmpi eq, %select_n3A_153, %eq3A_154 : i32
        %select_n3A_156 = arith.constant 0 : i32
        %select_n3A_157 = arith.select %eq3A_155, %select_n3A_156, %select_n3A_153 : i32
        %add3A_158 = arith.addi %select_n3A_157, %mul3A_6 : i32
        %add3A_159 = arith.constant 1 : i32
        %add3A_160 = arith.addi %select_n3A_157, %add3A_159 : i32
        %select_n3A_161 = arith.constant true
        %select_n3A_162 = arith.select %select_n3A_161, %add3A_160, %select_n3A_157 : i32
        %eq3A_163 = arith.constant 4 : i32
        %eq3A_164 = arith.cmpi eq, %select_n3A_162, %eq3A_163 : i32
        %select_n3A_165 = arith.constant 0 : i32
        %select_n3A_166 = arith.select %eq3A_164, %select_n3A_165, %select_n3A_162 : i32
        %add3A_167 = arith.addi %select_n3A_166, %mul3A_6 : i32
        %rem3A_168 = arith.constant 64 : i32
        %rem3A_169 = arith.remsi %add3A_140, %rem3A_168 : i32
        %rem3A_170 = arith.constant 64 : i32
        %rem3A_171 = arith.remsi %add3A_158, %rem3A_170 : i32
        %ne3A = arith.cmpi ne, %rem3A_169, %rem3A_171 : i32
        %or3A = arith.constant false
        %or3A_172 = arith.ori %or3A, %ne3A : i1
        %or3A_173 = arith.constant false
        %or3A_174 = arith.ori %or3A_172, %or3A_173 : i1
        %ge3A = arith.constant 3 : i32
        %ge3A_175 = arith.cmpi sge, %scan3A_130, %ge3A : i32
        %not3A = arith.constant true
        %not3A_176 = arith.xori %ge3A_175, %not3A : i1
        %and3A = arith.andi %or3A_174, %not3A_176 : i1
        %convert_element_type3A = arith.extui %and3A : i1 to i32
        %cond3A = arith.constant 0 : i32
        %cond3A_177 = arith.cmpi ne, %convert_element_type3A, %cond3A : i32
        scf.if %cond3A_177 {
          "tpu.trace_start"() <{level = 10 : i32, message = "ep_copy_in"}> : () -> ()
          %rem3A_304 = arith.constant 2 : i32
          %rem3A_305 = arith.remui %scan3A_131, %rem3A_304 : i32
          %rem3A_306 = arith.constant 64 : i32
          %rem3A_307 = arith.remsi %add3A_158, %rem3A_306 : i32
          %mul3A_308 = arith.constant 128 : i32
          %mul3A_309 = arith.muli %mul3A_308, %rem3A_307 : i32
          %dma_start3A_310 = arith.constant 0 : i32
          %dma_start3A_311 = arith.constant 0 : i32
          %dma_start3A_312 = tpu.memref_slice %run_scoped3A[%rem3A_305, %dma_start3A_310, %dma_start3A_311] : memref<2x128x384xf32, #tpu.memory_space<vmem>> -> memref<1x128x384xf32, #tpu.memory_space<vmem>>
          %dma_start3A_313 = tpu.memref_squeeze %dma_start3A_312 : memref<1x128x384xf32, #tpu.memory_space<vmem>> -> memref<128x384xf32, #tpu.memory_space<vmem>>
          %dma_start3A_314 = arith.constant 0 : i32
          %dma_start3A_315 = tpu.memref_slice %arg2[%mul3A_309, %dma_start3A_314] : memref<8192x384xf32, #tpu.memory_space<hbm>> -> memref<128x384xf32, #tpu.memory_space<hbm>>
          %dma_start3A_316 = tpu.memref_slice %run_scoped3A_7[%rem3A_305] : memref<2x!tpu.dma_semaphore, #tpu.memory_space<semaphore_mem>> -> memref<1x!tpu.dma_semaphore, #tpu.memory_space<semaphore_mem>>
          %dma_start3A_317 = tpu.memref_squeeze %dma_start3A_316 : memref<1x!tpu.dma_semaphore, #tpu.memory_space<semaphore_mem>> -> memref<!tpu.dma_semaphore, #tpu.memory_space<semaphore_mem>>
          %dma_start3A_318 = arith.constant 0 : i32
          %dma_start3A_319 = arith.constant 0 : i32
          %dma_start3A_320 = tpu.memref_slice %run_scoped3A[%rem3A_305, %dma_start3A_318, %dma_start3A_319] : memref<2x128x384xf32, #tpu.memory_space<vmem>> -> memref<1x128x384xf32, #tpu.memory_space<vmem>>
          %dma_start3A_321 = tpu.memref_squeeze %dma_start3A_320 : memref<1x128x384xf32, #tpu.memory_space<vmem>> -> memref<128x384xf32, #tpu.memory_space<vmem>>
          %dma_start3A_322 = arith.constant 0 : i32
          %dma_start3A_323 = tpu.memref_slice %arg2[%mul3A_309, %dma_start3A_322] : memref<8192x384xf32, #tpu.memory_space<hbm>> -> memref<128x384xf32, #tpu.memory_space<hbm>>
          tpu.enqueue_dma source(%dma_start3A_323 : memref<128x384xf32, #tpu.memory_space<hbm>>) target(%dma_start3A_321 : memref<128x384xf32, #tpu.memory_space<vmem>>) target_semaphore(%dma_start3A_317 : memref<!tpu.dma_semaphore, #tpu.memory_space<semaphore_mem>>)
          "tpu.trace_stop"() : () -> ()
        } else {
        }
        %and3A_178 = arith.constant true
        %and3A_179 = arith.andi %and3A, %and3A_178 : i1
        %add3A_180 = arith.constant 1 : i32
        %add3A_181 = arith.addi %scan3A_131, %add3A_180 : i32
        %select_n3A_182 = arith.select %and3A_179, %add3A_181, %scan3A_131 : i32
        %ne3A_183 = arith.cmpi ne, %add3A_140, %add3A_158 : i32
        %or3A_184 = arith.constant false
        %or3A_185 = arith.ori %or3A_184, %ne3A_183 : i1
        %ge3A_186 = arith.constant 3 : i32
        %ge3A_187 = arith.cmpi sge, %scan3A_130, %ge3A_186 : i32
        %not3A_188 = arith.constant true
        %not3A_189 = arith.xori %ge3A_187, %not3A_188 : i1
        %and3A_190 = arith.andi %or3A_185, %not3A_189 : i1
        %convert_element_type3A_191 = arith.extui %and3A_190 : i1 to i32
        %cond3A_192 = arith.constant 0 : i32
        %cond3A_193 = arith.cmpi ne, %convert_element_type3A_191, %cond3A_192 : i32
        scf.if %cond3A_193 {
          "tpu.trace_start"() <{level = 10 : i32, message = "ep_copy_in"}> : () -> ()
          %rem3A_304 = arith.constant 2 : i32
          %rem3A_305 = arith.remui %scan3A_133, %rem3A_304 : i32
          %mul3A_306 = arith.constant 128 : i32
          %mul3A_307 = arith.muli %mul3A_306, %add3A_158 : i32
          %dma_start3A_308 = arith.constant 0 : i32
          %dma_start3A_309 = arith.constant 0 : i32
          %dma_start3A_310 = tpu.memref_slice %run_scoped3A_8[%rem3A_305, %dma_start3A_308, %dma_start3A_309] : memref<2x1x128xi32, #tpu.memory_space<vmem>> -> memref<1x1x128xi32, #tpu.memory_space<vmem>>
          %dma_start3A_311 = tpu.memref_squeeze %dma_start3A_310 : memref<1x1x128xi32, #tpu.memory_space<vmem>> -> memref<1x128xi32, #tpu.memory_space<vmem>>
          %dma_start3A_312 = arith.constant 0 : i32
          %dma_start3A_313 = tpu.memref_slice %arg3[%dma_start3A_312, %mul3A_307] : memref<1x16384xi32, #tpu.memory_space<hbm>> -> memref<1x128xi32, #tpu.memory_space<hbm>>
          %dma_start3A_314 = tpu.memref_slice %run_scoped3A_9[%rem3A_305] : memref<2x!tpu.dma_semaphore, #tpu.memory_space<semaphore_mem>> -> memref<1x!tpu.dma_semaphore, #tpu.memory_space<semaphore_mem>>
          %dma_start3A_315 = tpu.memref_squeeze %dma_start3A_314 : memref<1x!tpu.dma_semaphore, #tpu.memory_space<semaphore_mem>> -> memref<!tpu.dma_semaphore, #tpu.memory_space<semaphore_mem>>
          %dma_start3A_316 = arith.constant 0 : i32
          %dma_start3A_317 = arith.constant 0 : i32
          %dma_start3A_318 = tpu.memref_slice %run_scoped3A_8[%rem3A_305, %dma_start3A_316, %dma_start3A_317] : memref<2x1x128xi32, #tpu.memory_space<vmem>> -> memref<1x1x128xi32, #tpu.memory_space<vmem>>
          %dma_start3A_319 = tpu.memref_squeeze %dma_start3A_318 : memref<1x1x128xi32, #tpu.memory_space<vmem>> -> memref<1x128xi32, #tpu.memory_space<vmem>>
          %dma_start3A_320 = arith.constant 0 : i32
          %dma_start3A_321 = tpu.memref_slice %arg3[%dma_start3A_320, %mul3A_307] : memref<1x16384xi32, #tpu.memory_space<hbm>> -> memref<1x128xi32, #tpu.memory_space<hbm>>
          tpu.enqueue_dma source(%dma_start3A_321 : memref<1x128xi32, #tpu.memory_space<hbm>>) target(%dma_start3A_319 : memref<1x128xi32, #tpu.memory_space<vmem>>) target_semaphore(%dma_start3A_315 : memref<!tpu.dma_semaphore, #tpu.memory_space<semaphore_mem>>)
          "tpu.trace_stop"() : () -> ()
        } else {
        }
        %and3A_194 = arith.constant true
        %and3A_195 = arith.andi %and3A_190, %and3A_194 : i1
        %add3A_196 = arith.constant 1 : i32
        %add3A_197 = arith.addi %scan3A_133, %add3A_196 : i32
        %select_n3A_198 = arith.select %and3A_195, %add3A_197, %scan3A_133 : i32
        %rem3A_199 = arith.constant 64 : i32
        %rem3A_200 = arith.remsi %add3A_140, %rem3A_199 : i32
        %rem3A_201 = arith.constant 64 : i32
        %rem3A_202 = arith.remsi %add3A_149, %rem3A_201 : i32
        %ne3A_203 = arith.cmpi ne, %rem3A_200, %rem3A_202 : i32
        %or3A_204 = arith.constant false
        %or3A_205 = arith.ori %or3A_204, %ne3A_203 : i1
        %or3A_206 = arith.constant false
        %or3A_207 = arith.ori %or3A_205, %or3A_206 : i1
        %or3A_208 = arith.ori %or3A_207, %eq3A_137 : i1
        %convert_element_type3A_209 = arith.extui %or3A_208 : i1 to i32
        %cond3A_210 = arith.constant 0 : i32
        %cond3A_211 = arith.cmpi ne, %convert_element_type3A_209, %cond3A_210 : i32
        scf.if %cond3A_211 {
          "tpu.trace_start"() <{level = 10 : i32, message = "ep_wait_in"}> : () -> ()
          %rem3A_304 = arith.constant 64 : i32
          %rem3A_305 = arith.remsi %add3A_140, %rem3A_304 : i32
          %mul3A_306 = arith.constant 128 : i32
          %mul3A_307 = arith.muli %mul3A_306, %rem3A_305 : i32
          %rem3A_308 = arith.constant 2 : i32
          %rem3A_309 = arith.remui %scan3A_132, %rem3A_308 : i32
          %dma_wait3A = arith.constant 0 : i32
          %dma_wait3A_310 = arith.constant 0 : i32
          %dma_wait3A_311 = tpu.memref_slice %run_scoped3A[%rem3A_309, %dma_wait3A, %dma_wait3A_310] : memref<2x128x384xf32, #tpu.memory_space<vmem>> -> memref<1x128x384xf32, #tpu.memory_space<vmem>>
          %dma_wait3A_312 = tpu.memref_squeeze %dma_wait3A_311 : memref<1x128x384xf32, #tpu.memory_space<vmem>> -> memref<128x384xf32, #tpu.memory_space<vmem>>
          %dma_wait3A_313 = arith.constant 0 : i32
          %dma_wait3A_314 = tpu.memref_slice %arg2[%mul3A_307, %dma_wait3A_313] : memref<8192x384xf32, #tpu.memory_space<hbm>> -> memref<128x384xf32, #tpu.memory_space<hbm>>
          %dma_wait3A_315 = tpu.memref_slice %run_scoped3A_7[%rem3A_309] : memref<2x!tpu.dma_semaphore, #tpu.memory_space<semaphore_mem>> -> memref<1x!tpu.dma_semaphore, #tpu.memory_space<semaphore_mem>>
          %dma_wait3A_316 = tpu.memref_squeeze %dma_wait3A_315 : memref<1x!tpu.dma_semaphore, #tpu.memory_space<semaphore_mem>> -> memref<!tpu.dma_semaphore, #tpu.memory_space<semaphore_mem>>
          %dma_wait3A_317 = arith.constant 0 : i32
          %dma_wait3A_318 = arith.constant 0 : i32
          %dma_wait3A_319 = tpu.memref_slice %run_scoped3A[%rem3A_309, %dma_wait3A_317, %dma_wait3A_318] : memref<2x128x384xf32, #tpu.memory_space<vmem>> -> memref<1x128x384xf32, #tpu.memory_space<vmem>>
          %dma_wait3A_320 = tpu.memref_squeeze %dma_wait3A_319 : memref<1x128x384xf32, #tpu.memory_space<vmem>> -> memref<128x384xf32, #tpu.memory_space<vmem>>
          %dma_wait3A_321 = arith.constant 0 : i32
          %dma_wait3A_322 = tpu.memref_slice %arg2[%mul3A_307, %dma_wait3A_321] : memref<8192x384xf32, #tpu.memory_space<hbm>> -> memref<128x384xf32, #tpu.memory_space<hbm>>
          tpu.wait_dma2 semaphore(%dma_wait3A_316 : memref<!tpu.dma_semaphore, #tpu.memory_space<semaphore_mem>>) src(%dma_wait3A_322 : memref<128x384xf32, #tpu.memory_space<hbm>>) dst(%dma_wait3A_320 : memref<128x384xf32, #tpu.memory_space<vmem>>)
          "tpu.trace_stop"() : () -> ()
        } else {
        }
        %ne3A_212 = arith.cmpi ne, %add3A_140, %add3A_149 : i32
        %or3A_213 = arith.constant false
        %or3A_214 = arith.ori %or3A_213, %ne3A_212 : i1
        %or3A_215 = arith.ori %or3A_214, %eq3A_137 : i1
        %convert_element_type3A_216 = arith.extui %or3A_215 : i1 to i32
        %cond3A_217 = arith.constant 0 : i32
        %cond3A_218 = arith.cmpi ne, %convert_element_type3A_216, %cond3A_217 : i32
        scf.if %cond3A_218 {
          "tpu.trace_start"() <{level = 10 : i32, message = "ep_wait_in"}> : () -> ()
          %mul3A_304 = arith.constant 128 : i32
          %mul3A_305 = arith.muli %mul3A_304, %add3A_140 : i32
          %rem3A_306 = arith.constant 2 : i32
          %rem3A_307 = arith.remui %scan3A_134, %rem3A_306 : i32
          %dma_wait3A = arith.constant 0 : i32
          %dma_wait3A_308 = arith.constant 0 : i32
          %dma_wait3A_309 = tpu.memref_slice %run_scoped3A_8[%rem3A_307, %dma_wait3A, %dma_wait3A_308] : memref<2x1x128xi32, #tpu.memory_space<vmem>> -> memref<1x1x128xi32, #tpu.memory_space<vmem>>
          %dma_wait3A_310 = tpu.memref_squeeze %dma_wait3A_309 : memref<1x1x128xi32, #tpu.memory_space<vmem>> -> memref<1x128xi32, #tpu.memory_space<vmem>>
          %dma_wait3A_311 = arith.constant 0 : i32
          %dma_wait3A_312 = tpu.memref_slice %arg3[%dma_wait3A_311, %mul3A_305] : memref<1x16384xi32, #tpu.memory_space<hbm>> -> memref<1x128xi32, #tpu.memory_space<hbm>>
          %dma_wait3A_313 = tpu.memref_slice %run_scoped3A_9[%rem3A_307] : memref<2x!tpu.dma_semaphore, #tpu.memory_space<semaphore_mem>> -> memref<1x!tpu.dma_semaphore, #tpu.memory_space<semaphore_mem>>
          %dma_wait3A_314 = tpu.memref_squeeze %dma_wait3A_313 : memref<1x!tpu.dma_semaphore, #tpu.memory_space<semaphore_mem>> -> memref<!tpu.dma_semaphore, #tpu.memory_space<semaphore_mem>>
          %dma_wait3A_315 = arith.constant 0 : i32
          %dma_wait3A_316 = arith.constant 0 : i32
          %dma_wait3A_317 = tpu.memref_slice %run_scoped3A_8[%rem3A_307, %dma_wait3A_315, %dma_wait3A_316] : memref<2x1x128xi32, #tpu.memory_space<vmem>> -> memref<1x1x128xi32, #tpu.memory_space<vmem>>
          %dma_wait3A_318 = tpu.memref_squeeze %dma_wait3A_317 : memref<1x1x128xi32, #tpu.memory_space<vmem>> -> memref<1x128xi32, #tpu.memory_space<vmem>>
          %dma_wait3A_319 = arith.constant 0 : i32
          %dma_wait3A_320 = tpu.memref_slice %arg3[%dma_wait3A_319, %mul3A_305] : memref<1x16384xi32, #tpu.memory_space<hbm>> -> memref<1x128xi32, #tpu.memory_space<hbm>>
          tpu.wait_dma2 semaphore(%dma_wait3A_314 : memref<!tpu.dma_semaphore, #tpu.memory_space<semaphore_mem>>) src(%dma_wait3A_320 : memref<1x128xi32, #tpu.memory_space<hbm>>) dst(%dma_wait3A_318 : memref<1x128xi32, #tpu.memory_space<vmem>>)
          "tpu.trace_stop"() : () -> ()
        } else {
        }
        %rem3A_219 = arith.constant 2 : i32
        %rem3A_220 = arith.remui %scan3A_132, %rem3A_219 : i32
        %rem3A_221 = arith.constant 2 : i32
        %rem3A_222 = arith.remui %scan3A_134, %rem3A_221 : i32
        %run_scoped3A_223 = arith.constant 0 : i32
        "tpu.trace_start"() <{level = 10 : i32, message = "ep_run_kernel"}> : () -> ()
        "tpu.region"() ({
          %run_scoped3A_304 = tpu.sem_alloc : memref<!tpu.dma_semaphore, #tpu.memory_space<semaphore_mem>>
          %dma_start3A_305 = arith.constant 0 : i32
          %dma_start3A_306 = arith.constant 0 : i32
          %dma_start3A_307 = tpu.memref_slice %run_scoped3A[%rem3A_220, %dma_start3A_305, %dma_start3A_306] : memref<2x128x384xf32, #tpu.memory_space<vmem>> -> memref<1x128x384xf32, #tpu.memory_space<vmem>>
          %dma_start3A_308 = tpu.memref_squeeze %dma_start3A_307 : memref<1x128x384xf32, #tpu.memory_space<vmem>> -> memref<128x384xf32, #tpu.memory_space<vmem>>
          %dma_start3A_309 = arith.constant 0 : i32
          %dma_start3A_310 = arith.constant 0 : i32
          %dma_start3A_311 = tpu.memref_slice %run_scoped3A_8[%rem3A_222, %dma_start3A_309, %dma_start3A_310] : memref<2x1x128xi32, #tpu.memory_space<vmem>> -> memref<1x1x128xi32, #tpu.memory_space<vmem>>
          %dma_start3A_312 = tpu.memref_squeeze %dma_start3A_311 : memref<1x1x128xi32, #tpu.memory_space<vmem>> -> memref<1x128xi32, #tpu.memory_space<vmem>>
          %dma_start3A_313 = arith.constant 0 : i32
          %dma_start3A_314 = tpu.memref_slice %dma_start3A_312[%run_scoped3A_223, %dma_start3A_313] : memref<1x128xi32, #tpu.memory_space<vmem>> -> memref<1x128xi32, #tpu.memory_space<vmem>>
          %dma_start3A_315 = tpu.memref_squeeze %dma_start3A_314 : memref<1x128xi32, #tpu.memory_space<vmem>> -> memref<128xi32, #tpu.memory_space<vmem>>
          %dma_start3A_316 = arith.constant 0 : i32
          %dma_start3A_317 = arith.constant 0 : i32
          %dma_start3A_318 = tpu.memref_slice %arg4[%dma_start3A_316, %dma_start3A_317] : memref<32768x384xf32, #tpu.memory_space<hbm>> -> memref<32768x384xf32, #tpu.memory_space<hbm>>
          tpu.enqueue_indirect_dma source(%dma_start3A_308 : memref<128x384xf32, #tpu.memory_space<vmem>>) target(%dma_start3A_318 : memref<32768x384xf32, #tpu.memory_space<hbm>>) offsets(%dma_start3A_315 : memref<128xi32, #tpu.memory_space<vmem>>) semaphore(%run_scoped3A_304 : memref<!tpu.dma_semaphore, #tpu.memory_space<semaphore_mem>>)
          %dma_wait3A = arith.constant 0 : i32
          %dma_wait3A_319 = arith.constant 0 : i32
          %dma_wait3A_320 = tpu.memref_slice %run_scoped3A[%rem3A_220, %dma_wait3A, %dma_wait3A_319] : memref<2x128x384xf32, #tpu.memory_space<vmem>> -> memref<1x128x384xf32, #tpu.memory_space<vmem>>
          %dma_wait3A_321 = tpu.memref_squeeze %dma_wait3A_320 : memref<1x128x384xf32, #tpu.memory_space<vmem>> -> memref<128x384xf32, #tpu.memory_space<vmem>>
          %dma_wait3A_322 = arith.constant 0 : i32
          %dma_wait3A_323 = arith.constant 0 : i32
          %dma_wait3A_324 = tpu.memref_slice %run_scoped3A_8[%rem3A_222, %dma_wait3A_322, %dma_wait3A_323] : memref<2x1x128xi32, #tpu.memory_space<vmem>> -> memref<1x1x128xi32, #tpu.memory_space<vmem>>
          %dma_wait3A_325 = tpu.memref_squeeze %dma_wait3A_324 : memref<1x1x128xi32, #tpu.memory_space<vmem>> -> memref<1x128xi32, #tpu.memory_space<vmem>>
          %dma_wait3A_326 = arith.constant 0 : i32
          %dma_wait3A_327 = tpu.memref_slice %dma_wait3A_325[%run_scoped3A_223, %dma_wait3A_326] : memref<1x128xi32, #tpu.memory_space<vmem>> -> memref<1x128xi32, #tpu.memory_space<vmem>>
          %dma_wait3A_328 = tpu.memref_squeeze %dma_wait3A_327 : memref<1x128xi32, #tpu.memory_space<vmem>> -> memref<128xi32, #tpu.memory_space<vmem>>
          %dma_wait3A_329 = arith.constant 0 : i32
          %dma_wait3A_330 = arith.constant 0 : i32
          %dma_wait3A_331 = tpu.memref_slice %arg4[%dma_wait3A_329, %dma_wait3A_330] : memref<32768x384xf32, #tpu.memory_space<hbm>> -> memref<32768x384xf32, #tpu.memory_space<hbm>>
          tpu.wait_indirect_dma semaphore(%run_scoped3A_304 : memref<!tpu.dma_semaphore, #tpu.memory_space<semaphore_mem>>) src(%dma_wait3A_321 : memref<128x384xf32, #tpu.memory_space<vmem>>) dst(%dma_wait3A_331 : memref<32768x384xf32, #tpu.memory_space<hbm>>)
          tpu.yield
        }) : () -> ()
        "tpu.trace_stop"() : () -> ()
        %rem3A_224 = arith.constant 64 : i32
        %rem3A_225 = arith.remsi %add3A_140, %rem3A_224 : i32
        %rem3A_226 = arith.constant 64 : i32
        %rem3A_227 = arith.remsi %add3A_158, %rem3A_226 : i32
        %ne3A_228 = arith.cmpi ne, %rem3A_225, %rem3A_227 : i32
        %or3A_229 = arith.constant false
        %or3A_230 = arith.ori %or3A_229, %ne3A_228 : i1
        %or3A_231 = arith.constant false
        %or3A_232 = arith.ori %or3A_230, %or3A_231 : i1
        %or3A_233 = arith.ori %or3A_232, %eq3A_139 : i1
        %convert_element_type3A_234 = arith.extui %or3A_233 : i1 to i32
        %cond3A_235 = arith.constant 0 : i32
        %cond3A_236 = arith.cmpi ne, %convert_element_type3A_234, %cond3A_235 : i32
        scf.if %cond3A_236 {
        } else {
        }
        %and3A_237 = arith.constant false
        %and3A_238 = arith.andi %or3A_233, %and3A_237 : i1
        %ne3A_239 = arith.cmpi ne, %add3A_140, %add3A_158 : i32
        %or3A_240 = arith.constant false
        %or3A_241 = arith.ori %or3A_240, %ne3A_239 : i1
        %or3A_242 = arith.ori %or3A_241, %eq3A_139 : i1
        %convert_element_type3A_243 = arith.extui %or3A_242 : i1 to i32
        %cond3A_244 = arith.constant 0 : i32
        %cond3A_245 = arith.cmpi ne, %convert_element_type3A_243, %cond3A_244 : i32
        scf.if %cond3A_245 {
        } else {
        }
        %and3A_246 = arith.constant false
        %and3A_247 = arith.andi %or3A_242, %and3A_246 : i1
        %rem3A_248 = arith.constant 64 : i32
        %rem3A_249 = arith.remsi %add3A_140, %rem3A_248 : i32
        %rem3A_250 = arith.constant 64 : i32
        %rem3A_251 = arith.remsi %add3A_149, %rem3A_250 : i32
        %ne3A_252 = arith.cmpi ne, %rem3A_249, %rem3A_251 : i32
        %or3A_253 = arith.constant false
        %or3A_254 = arith.ori %or3A_253, %ne3A_252 : i1
        %or3A_255 = arith.constant false
        %or3A_256 = arith.ori %or3A_254, %or3A_255 : i1
        %not3A_257 = arith.constant true
        %not3A_258 = arith.xori %eq3A_137, %not3A_257 : i1
        %and3A_259 = arith.andi %or3A_256, %not3A_258 : i1
        %convert_element_type3A_260 = arith.extui %and3A_259 : i1 to i32
        %cond3A_261 = arith.constant 0 : i32
        %cond3A_262 = arith.cmpi ne, %convert_element_type3A_260, %cond3A_261 : i32
        scf.if %cond3A_262 {
        } else {
        }
        %and3A_263 = arith.constant false
        %and3A_264 = arith.andi %and3A_259, %and3A_263 : i1
        %ne3A_265 = arith.cmpi ne, %add3A_140, %add3A_149 : i32
        %or3A_266 = arith.constant false
        %or3A_267 = arith.ori %or3A_266, %ne3A_265 : i1
        %not3A_268 = arith.constant true
        %not3A_269 = arith.xori %eq3A_137, %not3A_268 : i1
        %and3A_270 = arith.andi %or3A_267, %not3A_269 : i1
        %convert_element_type3A_271 = arith.extui %and3A_270 : i1 to i32
        %cond3A_272 = arith.constant 0 : i32
        %cond3A_273 = arith.cmpi ne, %convert_element_type3A_271, %cond3A_272 : i32
        scf.if %cond3A_273 {
        } else {
        }
        %and3A_274 = arith.constant false
        %and3A_275 = arith.andi %and3A_270, %and3A_274 : i1
        %rem3A_276 = arith.constant 64 : i32
        %rem3A_277 = arith.remsi %add3A_140, %rem3A_276 : i32
        %rem3A_278 = arith.constant 64 : i32
        %rem3A_279 = arith.remsi %add3A_158, %rem3A_278 : i32
        %ne3A_280 = arith.cmpi ne, %rem3A_277, %rem3A_279 : i32
        %or3A_281 = arith.constant false
        %or3A_282 = arith.ori %or3A_281, %ne3A_280 : i1
        %or3A_283 = arith.constant false
        %or3A_284 = arith.ori %or3A_282, %or3A_283 : i1
        %or3A_285 = arith.ori %or3A_284, %eq3A_139 : i1
        %add3A_286 = arith.constant 1 : i32
        %add3A_287 = arith.addi %scan3A_132, %add3A_286 : i32
        %select_n3A_288 = arith.select %or3A_285, %add3A_287, %scan3A_132 : i32
        %ne3A_289 = arith.cmpi ne, %add3A_140, %add3A_158 : i32
        %or3A_290 = arith.constant false
        %or3A_291 = arith.ori %or3A_290, %ne3A_289 : i1
        %or3A_292 = arith.ori %or3A_291, %eq3A_139 : i1
        %add3A_293 = arith.constant 1 : i32
        %add3A_294 = arith.addi %scan3A_134, %add3A_293 : i32
        %select_n3A_295 = arith.select %or3A_292, %add3A_294, %scan3A_134 : i32
        %add3A_296 = arith.constant 1 : i32
        %add3A_297 = arith.addi %scan3A_135, %add3A_296 : i32
        %select_n3A_298 = arith.constant true
        %select_n3A_299 = arith.select %select_n3A_298, %add3A_297, %scan3A_135 : i32
        %eq3A_300 = arith.constant 4 : i32
        %eq3A_301 = arith.cmpi eq, %select_n3A_299, %eq3A_300 : i32
        %select_n3A_302 = arith.constant 0 : i32
        %select_n3A_303 = arith.select %eq3A_301, %select_n3A_302, %select_n3A_299 : i32
        scf.yield %select_n3A_182, %select_n3A_288, %select_n3A_198, %select_n3A_295, %select_n3A_303 : i32, i32, i32, i32, i32
      }
      %scan3A_94 = arith.constant 4 : i32
      %sub3A = arith.constant 1 : i32
      %sub3A_95 = arith.subi %scan3A_93#4, %sub3A : i32
      %select_n3A_96 = arith.constant true
      %select_n3A_97 = arith.select %select_n3A_96, %sub3A_95, %scan3A_93#4 : i32
      %eq3A_98 = arith.constant -1 : i32
      %eq3A_99 = arith.cmpi eq, %select_n3A_97, %eq3A_98 : i32
      %select_n3A_100 = arith.constant 3 : i32
      %select_n3A_101 = arith.select %eq3A_99, %select_n3A_100, %select_n3A_97 : i32
      %add3A_102 = arith.addi %select_n3A_101, %mul3A_6 : i32
      %sub3A_103 = arith.constant 1 : i32
      %sub3A_104 = arith.subi %select_n3A_101, %sub3A_103 : i32
      %select_n3A_105 = arith.constant true
      %select_n3A_106 = arith.select %select_n3A_105, %sub3A_104, %select_n3A_101 : i32
      %eq3A_107 = arith.constant -1 : i32
      %eq3A_108 = arith.cmpi eq, %select_n3A_106, %eq3A_107 : i32
      %select_n3A_109 = arith.constant 3 : i32
      %select_n3A_110 = arith.select %eq3A_108, %select_n3A_109, %select_n3A_106 : i32
      %add3A_111 = arith.addi %select_n3A_110, %mul3A_6 : i32
      %add3A_112 = arith.constant 1 : i32
      %add3A_113 = arith.addi %select_n3A_101, %add3A_112 : i32
      %select_n3A_114 = arith.constant true
      %select_n3A_115 = arith.select %select_n3A_114, %add3A_113, %select_n3A_101 : i32
      %eq3A_116 = arith.constant 4 : i32
      %eq3A_117 = arith.cmpi eq, %select_n3A_115, %eq3A_116 : i32
      %select_n3A_118 = arith.constant 0 : i32
      %select_n3A_119 = arith.select %eq3A_117, %select_n3A_118, %select_n3A_115 : i32
      %add3A_120 = arith.addi %select_n3A_119, %mul3A_6 : i32
      %add3A_121 = arith.constant 1 : i32
      %add3A_122 = arith.addi %select_n3A_119, %add3A_121 : i32
      %select_n3A_123 = arith.constant true
      %select_n3A_124 = arith.select %select_n3A_123, %add3A_122, %select_n3A_119 : i32
      %eq3A_125 = arith.constant 4 : i32
      %eq3A_126 = arith.cmpi eq, %select_n3A_124, %eq3A_125 : i32
      %select_n3A_127 = arith.constant 0 : i32
      %select_n3A_128 = arith.select %eq3A_126, %select_n3A_127, %select_n3A_124 : i32
      %add3A_129 = arith.addi %select_n3A_128, %mul3A_6 : i32
      tpu.yield
    }) : () -> ()
    return
  }
}

#map = affine_map<(d0, d1) -> (0, 0)>
module attributes {stable_mosaic.version = 14 : i64} {
  func.func @k(%arg0: i32, %arg1: i32, %arg2: memref<16384x384xf32, #tpu.memory_space<hbm>>, %arg3: memref<1x16384xi32, #tpu.memory_space<hbm>>, %arg4: memref<16384x384xf32, #tpu.memory_space<hbm>>) attributes {dimension_semantics = [#tpu.dimension_semantics<core_parallel>, #tpu.dimension_semantics<subcore_parallel>], iteration_bounds = array<i64: 2, 16>, scalar_prefetch = 0 : i64, scratch_operands = 0 : i64, tpu.core_type = #tpu.core_type<sc_vector_subcore>, window_params = [{transform_indices = #map}, {transform_indices = #map}, {transform_indices = #map}]} {
    %mul3A = arith.constant 1 : i32
    %mul3A_0 = arith.muli %arg1, %mul3A : i32
    %add3A = arith.constant 0 : i32
    %add3A_1 = arith.addi %add3A, %mul3A_0 : i32
    %mul3A_2 = arith.constant 16 : i32
    %mul3A_3 = arith.muli %arg0, %mul3A_2 : i32
    %add3A_4 = arith.addi %add3A_1, %mul3A_3 : i32
    %mul3A_5 = arith.constant 4 : i32
    %mul3A_6 = arith.muli %add3A_4, %mul3A_5 : i32
    "tpu.region"() ({
      %run_scoped3A = memref.alloca() : memref<2x1x128xi32, #tpu.memory_space<vmem>>
      %run_scoped3A_7 = tpu.sem_alloc : memref<2x!tpu.dma_semaphore, #tpu.memory_space<semaphore_mem>>
      %run_scoped3A_8 = memref.alloca() : memref<2x128x384xf32, #tpu.memory_space<vmem>>
      %run_scoped3A_9 = tpu.sem_alloc : memref<2x!tpu.dma_semaphore, #tpu.memory_space<semaphore_mem>>
      %add3A_10 = arith.constant 0 : i32
      %add3A_11 = arith.addi %add3A_10, %mul3A_6 : i32
      %select_n3A = arith.constant true
      %select_n3A_12 = arith.constant 0 : i32
      %select_n3A_13 = arith.constant -1 : i32
      %select_n3A_14 = arith.select %select_n3A, %select_n3A_13, %select_n3A_12 : i32
      %eq3A = arith.constant -1 : i32
      %eq3A_15 = arith.cmpi eq, %select_n3A_14, %eq3A : i32
      %select_n3A_16 = arith.constant 3 : i32
      %select_n3A_17 = arith.select %eq3A_15, %select_n3A_16, %select_n3A_14 : i32
      %add3A_18 = arith.addi %select_n3A_17, %mul3A_6 : i32
      %select_n3A_19 = arith.constant true
      %select_n3A_20 = arith.constant 0 : i32
      %select_n3A_21 = arith.constant 1 : i32
      %select_n3A_22 = arith.select %select_n3A_19, %select_n3A_21, %select_n3A_20 : i32
      %eq3A_23 = arith.constant 4 : i32
      %eq3A_24 = arith.cmpi eq, %select_n3A_22, %eq3A_23 : i32
      %select_n3A_25 = arith.constant 0 : i32
      %select_n3A_26 = arith.select %eq3A_24, %select_n3A_25, %select_n3A_22 : i32
      %add3A_27 = arith.addi %select_n3A_26, %mul3A_6 : i32
      %add3A_28 = arith.constant 1 : i32
      %add3A_29 = arith.addi %select_n3A_26, %add3A_28 : i32
      %select_n3A_30 = arith.constant true
      %select_n3A_31 = arith.select %select_n3A_30, %add3A_29, %select_n3A_26 : i32
      %eq3A_32 = arith.constant 4 : i32
      %eq3A_33 = arith.cmpi eq, %select_n3A_31, %eq3A_32 : i32
      %select_n3A_34 = arith.constant 0 : i32
      %select_n3A_35 = arith.select %eq3A_33, %select_n3A_34, %select_n3A_31 : i32
      %add3A_36 = arith.addi %select_n3A_35, %mul3A_6 : i32
      "tpu.trace_start"() <{level = 10 : i32, message = "ep_initialize_0"}> : () -> ()
      %rem3A = arith.constant 0 : i32
      %rem3A_37 = arith.constant 2 : i32
      %rem3A_38 = arith.remui %rem3A, %rem3A_37 : i32
      %mul3A_39 = arith.constant 128 : i32
      %mul3A_40 = arith.muli %mul3A_39, %add3A_11 : i32
      %dma_start3A = arith.constant 0 : i32
      %dma_start3A_41 = arith.constant 0 : i32
      %dma_start3A_42 = tpu.memref_slice %run_scoped3A[%rem3A_38, %dma_start3A, %dma_start3A_41] : memref<2x1x128xi32, #tpu.memory_space<vmem>> -> memref<1x1x128xi32, #tpu.memory_space<vmem>>
      %dma_start3A_43 = tpu.memref_squeeze %dma_start3A_42 : memref<1x1x128xi32, #tpu.memory_space<vmem>> -> memref<1x128xi32, #tpu.memory_space<vmem>>
      %dma_start3A_44 = arith.constant 0 : i32
      %dma_start3A_45 = tpu.memref_slice %arg3[%dma_start3A_44, %mul3A_40] : memref<1x16384xi32, #tpu.memory_space<hbm>> -> memref<1x128xi32, #tpu.memory_space<hbm>>
      %dma_start3A_46 = tpu.memref_slice %run_scoped3A_7[%rem3A_38] : memref<2x!tpu.dma_semaphore, #tpu.memory_space<semaphore_mem>> -> memref<1x!tpu.dma_semaphore, #tpu.memory_space<semaphore_mem>>
      %dma_start3A_47 = tpu.memref_squeeze %dma_start3A_46 : memref<1x!tpu.dma_semaphore, #tpu.memory_space<semaphore_mem>> -> memref<!tpu.dma_semaphore, #tpu.memory_space<semaphore_mem>>
      %dma_start3A_48 = arith.constant 0 : i32
      %dma_start3A_49 = arith.constant 0 : i32
      %dma_start3A_50 = tpu.memref_slice %run_scoped3A[%rem3A_38, %dma_start3A_48, %dma_start3A_49] : memref<2x1x128xi32, #tpu.memory_space<vmem>> -> memref<1x1x128xi32, #tpu.memory_space<vmem>>
      %dma_start3A_51 = tpu.memref_squeeze %dma_start3A_50 : memref<1x1x128xi32, #tpu.memory_space<vmem>> -> memref<1x128xi32, #tpu.memory_space<vmem>>
      %dma_start3A_52 = arith.constant 0 : i32
      %dma_start3A_53 = tpu.memref_slice %arg3[%dma_start3A_52, %mul3A_40] : memref<1x16384xi32, #tpu.memory_space<hbm>> -> memref<1x128xi32, #tpu.memory_space<hbm>>
      tpu.enqueue_dma source(%dma_start3A_53 : memref<1x128xi32, #tpu.memory_space<hbm>>) target(%dma_start3A_51 : memref<1x128xi32, #tpu.memory_space<vmem>>) target_semaphore(%dma_start3A_47 : memref<!tpu.dma_semaphore, #tpu.memory_space<semaphore_mem>>)
      %add3A_54 = arith.constant 0 : i32
      %add3A_55 = arith.constant 1 : i32
      %add3A_56 = arith.addi %add3A_54, %add3A_55 : i32
      %select_n3A_57 = arith.constant true
      %select_n3A_58 = arith.constant 0 : i32
      %select_n3A_59 = arith.select %select_n3A_57, %add3A_56, %select_n3A_58 : i32
      "tpu.trace_stop"() : () -> ()
      %scan3A = arith.constant 0 : i32
      %scan3A_60 = arith.constant 0 : i32
      %scan3A_61 = arith.constant 0 : i32
      %scan3A_62 = arith.constant 0 : i32
      %scan3A_63 = arith.constant 0 : i32
      %scan3A_64 = arith.constant 4 : i32
      %scan3A_65 = arith.addi %scan3A_63, %scan3A_64 : i32
      %scan3A_66 = arith.constant 1 : i32
      %scan3A_67:5 = scf.for %scan3A_121 = %scan3A_63 to %scan3A_65 step %scan3A_66 iter_args(%scan3A_122 = %select_n3A_59, %scan3A_123 = %scan3A, %scan3A_124 = %scan3A_60, %scan3A_125 = %scan3A_61, %scan3A_126 = %scan3A_62) -> (i32, i32, i32, i32, i32)  : i32 {
        %eq3A_127 = arith.constant 0 : i32
        %eq3A_128 = arith.cmpi eq, %scan3A_121, %eq3A_127 : i32
        %eq3A_129 = arith.constant 3 : i32
        %eq3A_130 = arith.cmpi eq, %scan3A_121, %eq3A_129 : i32
        %add3A_131 = arith.addi %scan3A_126, %mul3A_6 : i32
        %sub3A_132 = arith.constant 1 : i32
        %sub3A_133 = arith.subi %scan3A_126, %sub3A_132 : i32
        %select_n3A_134 = arith.constant true
        %select_n3A_135 = arith.select %select_n3A_134, %sub3A_133, %scan3A_126 : i32
        %eq3A_136 = arith.constant -1 : i32
        %eq3A_137 = arith.cmpi eq, %select_n3A_135, %eq3A_136 : i32
        %select_n3A_138 = arith.constant 3 : i32
        %select_n3A_139 = arith.select %eq3A_137, %select_n3A_138, %select_n3A_135 : i32
        %add3A_140 = arith.addi %select_n3A_139, %mul3A_6 : i32
        %add3A_141 = arith.constant 1 : i32
        %add3A_142 = arith.addi %scan3A_126, %add3A_141 : i32
        %select_n3A_143 = arith.constant true
        %select_n3A_144 = arith.select %select_n3A_143, %add3A_142, %scan3A_126 : i32
        %eq3A_145 = arith.constant 4 : i32
        %eq3A_146 = arith.cmpi eq, %select_n3A_144, %eq3A_145 : i32
        %select_n3A_147 = arith.constant 0 : i32
        %select_n3A_148 = arith.select %eq3A_146, %select_n3A_147, %select_n3A_144 : i32
        %add3A_149 = arith.addi %select_n3A_148, %mul3A_6 : i32
        %add3A_150 = arith.constant 1 : i32
        %add3A_151 = arith.addi %select_n3A_148, %add3A_150 : i32
        %select_n3A_152 = arith.constant true
        %select_n3A_153 = arith.select %select_n3A_152, %add3A_151, %select_n3A_148 : i32
        %eq3A_154 = arith.constant 4 : i32
        %eq3A_155 = arith.cmpi eq, %select_n3A_153, %eq3A_154 : i32
        %select_n3A_156 = arith.constant 0 : i32
        %select_n3A_157 = arith.select %eq3A_155, %select_n3A_156, %select_n3A_153 : i32
        %add3A_158 = arith.addi %select_n3A_157, %mul3A_6 : i32
        %ne3A = arith.cmpi ne, %add3A_131, %add3A_149 : i32
        %or3A = arith.constant false
        %or3A_159 = arith.ori %or3A, %ne3A : i1
        %ge3A = arith.constant 3 : i32
        %ge3A_160 = arith.cmpi sge, %scan3A_121, %ge3A : i32
        %not3A = arith.constant true
        %not3A_161 = arith.xori %ge3A_160, %not3A : i1
        %and3A = arith.andi %or3A_159, %not3A_161 : i1
        %convert_element_type3A = arith.extui %and3A : i1 to i32
        %cond3A = arith.constant 0 : i32
        %cond3A_162 = arith.cmpi ne, %convert_element_type3A, %cond3A : i32
        scf.if %cond3A_162 {
          "tpu.trace_start"() <{level = 10 : i32, message = "ep_copy_in"}> : () -> ()
          %rem3A_264 = arith.constant 2 : i32
          %rem3A_265 = arith.remui %scan3A_122, %rem3A_264 : i32
          %mul3A_266 = arith.constant 128 : i32
          %mul3A_267 = arith.muli %mul3A_266, %add3A_149 : i32
          %dma_start3A_268 = arith.constant 0 : i32
          %dma_start3A_269 = arith.constant 0 : i32
          %dma_start3A_270 = tpu.memref_slice %run_scoped3A[%rem3A_265, %dma_start3A_268, %dma_start3A_269] : memref<2x1x128xi32, #tpu.memory_space<vmem>> -> memref<1x1x128xi32, #tpu.memory_space<vmem>>
          %dma_start3A_271 = tpu.memref_squeeze %dma_start3A_270 : memref<1x1x128xi32, #tpu.memory_space<vmem>> -> memref<1x128xi32, #tpu.memory_space<vmem>>
          %dma_start3A_272 = arith.constant 0 : i32
          %dma_start3A_273 = tpu.memref_slice %arg3[%dma_start3A_272, %mul3A_267] : memref<1x16384xi32, #tpu.memory_space<hbm>> -> memref<1x128xi32, #tpu.memory_space<hbm>>
          %dma_start3A_274 = tpu.memref_slice %run_scoped3A_7[%rem3A_265] : memref<2x!tpu.dma_semaphore, #tpu.memory_space<semaphore_mem>> -> memref<1x!tpu.dma_semaphore, #tpu.memory_space<semaphore_mem>>
          %dma_start3A_275 = tpu.memref_squeeze %dma_start3A_274 : memref<1x!tpu.dma_semaphore, #tpu.memory_space<semaphore_mem>> -> memref<!tpu.dma_semaphore, #tpu.memory_space<semaphore_mem>>
          %dma_start3A_276 = arith.constant 0 : i32
          %dma_start3A_277 = arith.constant 0 : i32
          %dma_start3A_278 = tpu.memref_slice %run_scoped3A[%rem3A_265, %dma_start3A_276, %dma_start3A_277] : memref<2x1x128xi32, #tpu.memory_space<vmem>> -> memref<1x1x128xi32, #tpu.memory_space<vmem>>
          %dma_start3A_279 = tpu.memref_squeeze %dma_start3A_278 : memref<1x1x128xi32, #tpu.memory_space<vmem>> -> memref<1x128xi32, #tpu.memory_space<vmem>>
          %dma_start3A_280 = arith.constant 0 : i32
          %dma_start3A_281 = tpu.memref_slice %arg3[%dma_start3A_280, %mul3A_267] : memref<1x16384xi32, #tpu.memory_space<hbm>> -> memref<1x128xi32, #tpu.memory_space<hbm>>
          tpu.enqueue_dma source(%dma_start3A_281 : memref<1x128xi32, #tpu.memory_space<hbm>>) target(%dma_start3A_279 : memref<1x128xi32, #tpu.memory_space<vmem>>) target_semaphore(%dma_start3A_275 : memref<!tpu.dma_semaphore, #tpu.memory_space<semaphore_mem>>)
          "tpu.trace_stop"() : () -> ()
        } else {
        }
        %and3A_163 = arith.constant true
        %and3A_164 = arith.andi %and3A, %and3A_163 : i1
        %add3A_165 = arith.constant 1 : i32
        %add3A_166 = arith.addi %scan3A_122, %add3A_165 : i32
        %select_n3A_167 = arith.select %and3A_164, %add3A_166, %scan3A_122 : i32
        %ne3A_168 = arith.cmpi ne, %add3A_131, %add3A_149 : i32
        %or3A_169 = arith.constant false
        %or3A_170 = arith.ori %or3A_169, %ne3A_168 : i1
        %or3A_171 = arith.constant false
        %or3A_172 = arith.ori %or3A_170, %or3A_171 : i1
        %ge3A_173 = arith.constant 3 : i32
        %ge3A_174 = arith.cmpi sge, %scan3A_121, %ge3A_173 : i32
        %not3A_175 = arith.constant true
        %not3A_176 = arith.xori %ge3A_174, %not3A_175 : i1
        %and3A_177 = arith.andi %or3A_172, %not3A_176 : i1
        %ne3A_178 = arith.cmpi ne, %add3A_131, %add3A_140 : i32
        %or3A_179 = arith.constant false
        %or3A_180 = arith.ori %or3A_179, %ne3A_178 : i1
        %or3A_181 = arith.ori %or3A_180, %eq3A_128 : i1
        %convert_element_type3A_182 = arith.extui %or3A_181 : i1 to i32
        %cond3A_183 = arith.constant 0 : i32
        %cond3A_184 = arith.cmpi ne, %convert_element_type3A_182, %cond3A_183 : i32
        scf.if %cond3A_184 {
          "tpu.trace_start"() <{level = 10 : i32, message = "ep_wait_in"}> : () -> ()
          %mul3A_264 = arith.constant 128 : i32
          %mul3A_265 = arith.muli %mul3A_264, %add3A_131 : i32
          %rem3A_266 = arith.constant 2 : i32
          %rem3A_267 = arith.remui %scan3A_123, %rem3A_266 : i32
          %dma_wait3A_268 = arith.constant 0 : i32
          %dma_wait3A_269 = arith.constant 0 : i32
          %dma_wait3A_270 = tpu.memref_slice %run_scoped3A[%rem3A_267, %dma_wait3A_268, %dma_wait3A_269] : memref<2x1x128xi32, #tpu.memory_space<vmem>> -> memref<1x1x128xi32, #tpu.memory_space<vmem>>
          %dma_wait3A_271 = tpu.memref_squeeze %dma_wait3A_270 : memref<1x1x128xi32, #tpu.memory_space<vmem>> -> memref<1x128xi32, #tpu.memory_space<vmem>>
          %dma_wait3A_272 = arith.constant 0 : i32
          %dma_wait3A_273 = tpu.memref_slice %arg3[%dma_wait3A_272, %mul3A_265] : memref<1x16384xi32, #tpu.memory_space<hbm>> -> memref<1x128xi32, #tpu.memory_space<hbm>>
          %dma_wait3A_274 = tpu.memref_slice %run_scoped3A_7[%rem3A_267] : memref<2x!tpu.dma_semaphore, #tpu.memory_space<semaphore_mem>> -> memref<1x!tpu.dma_semaphore, #tpu.memory_space<semaphore_mem>>
          %dma_wait3A_275 = tpu.memref_squeeze %dma_wait3A_274 : memref<1x!tpu.dma_semaphore, #tpu.memory_space<semaphore_mem>> -> memref<!tpu.dma_semaphore, #tpu.memory_space<semaphore_mem>>
          %dma_wait3A_276 = arith.constant 0 : i32
          %dma_wait3A_277 = arith.constant 0 : i32
          %dma_wait3A_278 = tpu.memref_slice %run_scoped3A[%rem3A_267, %dma_wait3A_276, %dma_wait3A_277] : memref<2x1x128xi32, #tpu.memory_space<vmem>> -> memref<1x1x128xi32, #tpu.memory_space<vmem>>
          %dma_wait3A_279 = tpu.memref_squeeze %dma_wait3A_278 : memref<1x1x128xi32, #tpu.memory_space<vmem>> -> memref<1x128xi32, #tpu.memory_space<vmem>>
          %dma_wait3A_280 = arith.constant 0 : i32
          %dma_wait3A_281 = tpu.memref_slice %arg3[%dma_wait3A_280, %mul3A_265] : memref<1x16384xi32, #tpu.memory_space<hbm>> -> memref<1x128xi32, #tpu.memory_space<hbm>>
          tpu.wait_dma2 semaphore(%dma_wait3A_275 : memref<!tpu.dma_semaphore, #tpu.memory_space<semaphore_mem>>) src(%dma_wait3A_281 : memref<1x128xi32, #tpu.memory_space<hbm>>) dst(%dma_wait3A_279 : memref<1x128xi32, #tpu.memory_space<vmem>>)
          "tpu.trace_stop"() : () -> ()
        } else {
        }
        %ne3A_185 = arith.cmpi ne, %add3A_131, %add3A_140 : i32
        %or3A_186 = arith.constant false
        %or3A_187 = arith.ori %or3A_186, %ne3A_185 : i1
        %or3A_188 = arith.constant false
        %or3A_189 = arith.ori %or3A_187, %or3A_188 : i1
        %or3A_190 = arith.ori %or3A_189, %eq3A_128 : i1
        %convert_element_type3A_191 = arith.extui %or3A_190 : i1 to i32
        %cond3A_192 = arith.constant 0 : i32
        %cond3A_193 = arith.cmpi ne, %convert_element_type3A_191, %cond3A_192 : i32
        scf.if %cond3A_193 {
        } else {
        }
        %rem3A_194 = arith.constant 2 : i32
        %rem3A_195 = arith.remui %scan3A_123, %rem3A_194 : i32
        %rem3A_196 = arith.constant 2 : i32
        %rem3A_197 = arith.remui %scan3A_124, %rem3A_196 : i32
        %run_scoped3A_198 = arith.constant 0 : i32
        "tpu.trace_start"() <{level = 10 : i32, message = "ep_run_kernel"}> : () -> ()
        "tpu.region"() ({
          %run_scoped3A_264 = tpu.sem_alloc : memref<!tpu.dma_semaphore, #tpu.memory_space<semaphore_mem>>
          %dma_start3A_265 = arith.constant 0 : i32
          %dma_start3A_266 = arith.constant 0 : i32
          %dma_start3A_267 = tpu.memref_slice %run_scoped3A_8[%rem3A_197, %dma_start3A_265, %dma_start3A_266] : memref<2x128x384xf32, #tpu.memory_space<vmem>> -> memref<1x128x384xf32, #tpu.memory_space<vmem>>
          %dma_start3A_268 = tpu.memref_squeeze %dma_start3A_267 : memref<1x128x384xf32, #tpu.memory_space<vmem>> -> memref<128x384xf32, #tpu.memory_space<vmem>>
          %dma_start3A_269 = arith.constant 0 : i32
          %dma_start3A_270 = arith.constant 0 : i32
          %dma_start3A_271 = tpu.memref_slice %run_scoped3A[%rem3A_195, %dma_start3A_269, %dma_start3A_270] : memref<2x1x128xi32, #tpu.memory_space<vmem>> -> memref<1x1x128xi32, #tpu.memory_space<vmem>>
          %dma_start3A_272 = tpu.memref_squeeze %dma_start3A_271 : memref<1x1x128xi32, #tpu.memory_space<vmem>> -> memref<1x128xi32, #tpu.memory_space<vmem>>
          %dma_start3A_273 = arith.constant 0 : i32
          %dma_start3A_274 = tpu.memref_slice %dma_start3A_272[%run_scoped3A_198, %dma_start3A_273] : memref<1x128xi32, #tpu.memory_space<vmem>> -> memref<1x128xi32, #tpu.memory_space<vmem>>
          %dma_start3A_275 = tpu.memref_squeeze %dma_start3A_274 : memref<1x128xi32, #tpu.memory_space<vmem>> -> memref<128xi32, #tpu.memory_space<vmem>>
          %dma_start3A_276 = arith.constant 0 : i32
          %dma_start3A_277 = arith.constant 0 : i32
          %dma_start3A_278 = tpu.memref_slice %arg2[%dma_start3A_276, %dma_start3A_277] : memref<16384x384xf32, #tpu.memory_space<hbm>> -> memref<16384x384xf32, #tpu.memory_space<hbm>>
          tpu.enqueue_indirect_dma source(%dma_start3A_278 : memref<16384x384xf32, #tpu.memory_space<hbm>>) target(%dma_start3A_268 : memref<128x384xf32, #tpu.memory_space<vmem>>) offsets(%dma_start3A_275 : memref<128xi32, #tpu.memory_space<vmem>>) semaphore(%run_scoped3A_264 : memref<!tpu.dma_semaphore, #tpu.memory_space<semaphore_mem>>)
          %dma_wait3A_279 = arith.constant 0 : i32
          %dma_wait3A_280 = arith.constant 0 : i32
          %dma_wait3A_281 = tpu.memref_slice %run_scoped3A_8[%rem3A_197, %dma_wait3A_279, %dma_wait3A_280] : memref<2x128x384xf32, #tpu.memory_space<vmem>> -> memref<1x128x384xf32, #tpu.memory_space<vmem>>
          %dma_wait3A_282 = tpu.memref_squeeze %dma_wait3A_281 : memref<1x128x384xf32, #tpu.memory_space<vmem>> -> memref<128x384xf32, #tpu.memory_space<vmem>>
          %dma_wait3A_283 = arith.constant 0 : i32
          %dma_wait3A_284 = arith.constant 0 : i32
          %dma_wait3A_285 = tpu.memref_slice %run_scoped3A[%rem3A_195, %dma_wait3A_283, %dma_wait3A_284] : memref<2x1x128xi32, #tpu.memory_space<vmem>> -> memref<1x1x128xi32, #tpu.memory_space<vmem>>
          %dma_wait3A_286 = tpu.memref_squeeze %dma_wait3A_285 : memref<1x1x128xi32, #tpu.memory_space<vmem>> -> memref<1x128xi32, #tpu.memory_space<vmem>>
          %dma_wait3A_287 = arith.constant 0 : i32
          %dma_wait3A_288 = tpu.memref_slice %dma_wait3A_286[%run_scoped3A_198, %dma_wait3A_287] : memref<1x128xi32, #tpu.memory_space<vmem>> -> memref<1x128xi32, #tpu.memory_space<vmem>>
          %dma_wait3A_289 = tpu.memref_squeeze %dma_wait3A_288 : memref<1x128xi32, #tpu.memory_space<vmem>> -> memref<128xi32, #tpu.memory_space<vmem>>
          %dma_wait3A_290 = arith.constant 0 : i32
          %dma_wait3A_291 = arith.constant 0 : i32
          %dma_wait3A_292 = tpu.memref_slice %arg2[%dma_wait3A_290, %dma_wait3A_291] : memref<16384x384xf32, #tpu.memory_space<hbm>> -> memref<16384x384xf32, #tpu.memory_space<hbm>>
          tpu.wait_indirect_dma semaphore(%run_scoped3A_264 : memref<!tpu.dma_semaphore, #tpu.memory_space<semaphore_mem>>) src(%dma_wait3A_292 : memref<16384x384xf32, #tpu.memory_space<hbm>>) dst(%dma_wait3A_282 : memref<128x384xf32, #tpu.memory_space<vmem>>)
          tpu.yield
        }) : () -> ()
        "tpu.trace_stop"() : () -> ()
        %ne3A_199 = arith.cmpi ne, %add3A_131, %add3A_149 : i32
        %or3A_200 = arith.constant false
        %or3A_201 = arith.ori %or3A_200, %ne3A_199 : i1
        %or3A_202 = arith.ori %or3A_201, %eq3A_130 : i1
        %convert_element_type3A_203 = arith.extui %or3A_202 : i1 to i32
        %cond3A_204 = arith.constant 0 : i32
        %cond3A_205 = arith.cmpi ne, %convert_element_type3A_203, %cond3A_204 : i32
        scf.if %cond3A_205 {
        } else {
        }
        %and3A_206 = arith.constant false
        %and3A_207 = arith.andi %or3A_202, %and3A_206 : i1
        %ne3A_208 = arith.cmpi ne, %add3A_131, %add3A_149 : i32
        %or3A_209 = arith.constant false
        %or3A_210 = arith.ori %or3A_209, %ne3A_208 : i1
        %or3A_211 = arith.constant false
        %or3A_212 = arith.ori %or3A_210, %or3A_211 : i1
        %or3A_213 = arith.ori %or3A_212, %eq3A_130 : i1
        %convert_element_type3A_214 = arith.extui %or3A_213 : i1 to i32
        %cond3A_215 = arith.constant 0 : i32
        %cond3A_216 = arith.cmpi ne, %convert_element_type3A_214, %cond3A_215 : i32
        scf.if %cond3A_216 {
          "tpu.trace_start"() <{level = 10 : i32, message = "ep_copy_out"}> : () -> ()
          %rem3A_264 = arith.constant 2 : i32
          %rem3A_265 = arith.remui %scan3A_124, %rem3A_264 : i32
          %mul3A_266 = arith.constant 128 : i32
          %mul3A_267 = arith.muli %mul3A_266, %add3A_131 : i32
          %dma_start3A_268 = arith.constant 0 : i32
          %dma_start3A_269 = arith.constant 0 : i32
          %dma_start3A_270 = tpu.memref_slice %run_scoped3A_8[%rem3A_265, %dma_start3A_268, %dma_start3A_269] : memref<2x128x384xf32, #tpu.memory_space<vmem>> -> memref<1x128x384xf32, #tpu.memory_space<vmem>>
          %dma_start3A_271 = tpu.memref_squeeze %dma_start3A_270 : memref<1x128x384xf32, #tpu.memory_space<vmem>> -> memref<128x384xf32, #tpu.memory_space<vmem>>
          %dma_start3A_272 = arith.constant 0 : i32
          %dma_start3A_273 = tpu.memref_slice %arg4[%mul3A_267, %dma_start3A_272] : memref<16384x384xf32, #tpu.memory_space<hbm>> -> memref<128x384xf32, #tpu.memory_space<hbm>>
          %dma_start3A_274 = tpu.memref_slice %run_scoped3A_9[%rem3A_265] : memref<2x!tpu.dma_semaphore, #tpu.memory_space<semaphore_mem>> -> memref<1x!tpu.dma_semaphore, #tpu.memory_space<semaphore_mem>>
          %dma_start3A_275 = tpu.memref_squeeze %dma_start3A_274 : memref<1x!tpu.dma_semaphore, #tpu.memory_space<semaphore_mem>> -> memref<!tpu.dma_semaphore, #tpu.memory_space<semaphore_mem>>
          %dma_start3A_276 = arith.constant 0 : i32
          %dma_start3A_277 = tpu.memref_slice %arg4[%mul3A_267, %dma_start3A_276] : memref<16384x384xf32, #tpu.memory_space<hbm>> -> memref<128x384xf32, #tpu.memory_space<hbm>>
          %dma_start3A_278 = arith.constant 0 : i32
          %dma_start3A_279 = arith.constant 0 : i32
          %dma_start3A_280 = tpu.memref_slice %run_scoped3A_8[%rem3A_265, %dma_start3A_278, %dma_start3A_279] : memref<2x128x384xf32, #tpu.memory_space<vmem>> -> memref<1x128x384xf32, #tpu.memory_space<vmem>>
          %dma_start3A_281 = tpu.memref_squeeze %dma_start3A_280 : memref<1x128x384xf32, #tpu.memory_space<vmem>> -> memref<128x384xf32, #tpu.memory_space<vmem>>
          tpu.enqueue_dma source(%dma_start3A_281 : memref<128x384xf32, #tpu.memory_space<vmem>>) target(%dma_start3A_277 : memref<128x384xf32, #tpu.memory_space<hbm>>) target_semaphore(%dma_start3A_275 : memref<!tpu.dma_semaphore, #tpu.memory_space<semaphore_mem>>)
          "tpu.trace_stop"() : () -> ()
        } else {
        }
        %and3A_217 = arith.constant true
        %and3A_218 = arith.andi %or3A_213, %and3A_217 : i1
        %add3A_219 = arith.constant 1 : i32
        %add3A_220 = arith.addi %scan3A_124, %add3A_219 : i32
        %select_n3A_221 = arith.select %and3A_218, %add3A_220, %scan3A_124 : i32
        %ne3A_222 = arith.cmpi ne, %add3A_131, %add3A_140 : i32
        %or3A_223 = arith.constant false
        %or3A_224 = arith.ori %or3A_223, %ne3A_222 : i1
        %not3A_225 = arith.constant true
        %not3A_226 = arith.xori %eq3A_128, %not3A_225 : i1
        %and3A_227 = arith.andi %or3A_224, %not3A_226 : i1
        %convert_element_type3A_228 = arith.extui %and3A_227 : i1 to i32
        %cond3A_229 = arith.constant 0 : i32
        %cond3A_230 = arith.cmpi ne, %convert_element_type3A_228, %cond3A_229 : i32
        scf.if %cond3A_230 {
        } else {
        }
        %and3A_231 = arith.constant false
        %and3A_232 = arith.andi %and3A_227, %and3A_231 : i1
        %ne3A_233 = arith.cmpi ne, %add3A_131, %add3A_140 : i32
        %or3A_234 = arith.constant false
        %or3A_235 = arith.ori %or3A_234, %ne3A_233 : i1
        %or3A_236 = arith.constant false
        %or3A_237 = arith.ori %or3A_235, %or3A_236 : i1
        %not3A_238 = arith.constant true
        %not3A_239 = arith.xori %eq3A_128, %not3A_238 : i1
        %and3A_240 = arith.andi %or3A_237, %not3A_239 : i1
        %convert_element_type3A_241 = arith.extui %and3A_240 : i1 to i32
        %cond3A_242 = arith.constant 0 : i32
        %cond3A_243 = arith.cmpi ne, %convert_element_type3A_241, %cond3A_242 : i32
        scf.if %cond3A_243 {
          "tpu.trace_start"() <{level = 10 : i32, message = "ep_wait_out"}> : () -> ()
          %rem3A_264 = arith.constant 2 : i32
          %rem3A_265 = arith.remui %scan3A_125, %rem3A_264 : i32
          %mul3A_266 = arith.constant 128 : i32
          %mul3A_267 = arith.muli %mul3A_266, %add3A_140 : i32
          %dma_wait3A_268 = arith.constant 0 : i32
          %dma_wait3A_269 = arith.constant 0 : i32
          %dma_wait3A_270 = tpu.memref_slice %run_scoped3A_8[%rem3A_265, %dma_wait3A_268, %dma_wait3A_269] : memref<2x128x384xf32, #tpu.memory_space<vmem>> -> memref<1x128x384xf32, #tpu.memory_space<vmem>>
          %dma_wait3A_271 = tpu.memref_squeeze %dma_wait3A_270 : memref<1x128x384xf32, #tpu.memory_space<vmem>> -> memref<128x384xf32, #tpu.memory_space<vmem>>
          %dma_wait3A_272 = arith.constant 0 : i32
          %dma_wait3A_273 = tpu.memref_slice %arg4[%mul3A_267, %dma_wait3A_272] : memref<16384x384xf32, #tpu.memory_space<hbm>> -> memref<128x384xf32, #tpu.memory_space<hbm>>
          %dma_wait3A_274 = tpu.memref_slice %run_scoped3A_9[%rem3A_265] : memref<2x!tpu.dma_semaphore, #tpu.memory_space<semaphore_mem>> -> memref<1x!tpu.dma_semaphore, #tpu.memory_space<semaphore_mem>>
          %dma_wait3A_275 = tpu.memref_squeeze %dma_wait3A_274 : memref<1x!tpu.dma_semaphore, #tpu.memory_space<semaphore_mem>> -> memref<!tpu.dma_semaphore, #tpu.memory_space<semaphore_mem>>
          %dma_wait3A_276 = arith.constant 0 : i32
          %dma_wait3A_277 = tpu.memref_slice %arg4[%mul3A_267, %dma_wait3A_276] : memref<16384x384xf32, #tpu.memory_space<hbm>> -> memref<128x384xf32, #tpu.memory_space<hbm>>
          %dma_wait3A_278 = arith.constant 0 : i32
          %dma_wait3A_279 = arith.constant 0 : i32
          %dma_wait3A_280 = tpu.memref_slice %run_scoped3A_8[%rem3A_265, %dma_wait3A_278, %dma_wait3A_279] : memref<2x128x384xf32, #tpu.memory_space<vmem>> -> memref<1x128x384xf32, #tpu.memory_space<vmem>>
          %dma_wait3A_281 = tpu.memref_squeeze %dma_wait3A_280 : memref<1x128x384xf32, #tpu.memory_space<vmem>> -> memref<128x384xf32, #tpu.memory_space<vmem>>
          tpu.wait_dma2 semaphore(%dma_wait3A_275 : memref<!tpu.dma_semaphore, #tpu.memory_space<semaphore_mem>>) src(%dma_wait3A_281 : memref<128x384xf32, #tpu.memory_space<vmem>>) dst(%dma_wait3A_277 : memref<128x384xf32, #tpu.memory_space<hbm>>)
          "tpu.trace_stop"() : () -> ()
        } else {
        }
        %and3A_244 = arith.constant true
        %and3A_245 = arith.andi %and3A_240, %and3A_244 : i1
        %add3A_246 = arith.constant 1 : i32
        %add3A_247 = arith.addi %scan3A_125, %add3A_246 : i32
        %select_n3A_248 = arith.select %and3A_245, %add3A_247, %scan3A_125 : i32
        %ne3A_249 = arith.cmpi ne, %add3A_131, %add3A_149 : i32
        %or3A_250 = arith.constant false
        %or3A_251 = arith.ori %or3A_250, %ne3A_249 : i1
        %or3A_252 = arith.ori %or3A_251, %eq3A_130 : i1
        %add3A_253 = arith.constant 1 : i32
        %add3A_254 = arith.addi %scan3A_123, %add3A_253 : i32
        %select_n3A_255 = arith.select %or3A_252, %add3A_254, %scan3A_123 : i32
        %add3A_256 = arith.constant 1 : i32
        %add3A_257 = arith.addi %scan3A_126, %add3A_256 : i32
        %select_n3A_258 = arith.constant true
        %select_n3A_259 = arith.select %select_n3A_258, %add3A_257, %scan3A_126 : i32
        %eq3A_260 = arith.constant 4 : i32
        %eq3A_261 = arith.cmpi eq, %select_n3A_259, %eq3A_260 : i32
        %select_n3A_262 = arith.constant 0 : i32
        %select_n3A_263 = arith.select %eq3A_261, %select_n3A_262, %select_n3A_259 : i32
        scf.yield %select_n3A_167, %select_n3A_255, %select_n3A_221, %select_n3A_248, %select_n3A_263 : i32, i32, i32, i32, i32
      }
      %scan3A_68 = arith.constant 4 : i32
      %sub3A = arith.constant 1 : i32
      %sub3A_69 = arith.subi %scan3A_67#4, %sub3A : i32
      %select_n3A_70 = arith.constant true
      %select_n3A_71 = arith.select %select_n3A_70, %sub3A_69, %scan3A_67#4 : i32
      %eq3A_72 = arith.constant -1 : i32
      %eq3A_73 = arith.cmpi eq, %select_n3A_71, %eq3A_72 : i32
      %select_n3A_74 = arith.constant 3 : i32
      %select_n3A_75 = arith.select %eq3A_73, %select_n3A_74, %select_n3A_71 : i32
      %add3A_76 = arith.addi %select_n3A_75, %mul3A_6 : i32
      %sub3A_77 = arith.constant 1 : i32
      %sub3A_78 = arith.subi %select_n3A_75, %sub3A_77 : i32
      %select_n3A_79 = arith.constant true
      %select_n3A_80 = arith.select %select_n3A_79, %sub3A_78, %select_n3A_75 : i32
      %eq3A_81 = arith.constant -1 : i32
      %eq3A_82 = arith.cmpi eq, %select_n3A_80, %eq3A_81 : i32
      %select_n3A_83 = arith.constant 3 : i32
      %select_n3A_84 = arith.select %eq3A_82, %select_n3A_83, %select_n3A_80 : i32
      %add3A_85 = arith.addi %select_n3A_84, %mul3A_6 : i32
      %add3A_86 = arith.constant 1 : i32
      %add3A_87 = arith.addi %select_n3A_75, %add3A_86 : i32
      %select_n3A_88 = arith.constant true
      %select_n3A_89 = arith.select %select_n3A_88, %add3A_87, %select_n3A_75 : i32
      %eq3A_90 = arith.constant 4 : i32
      %eq3A_91 = arith.cmpi eq, %select_n3A_89, %eq3A_90 : i32
      %select_n3A_92 = arith.constant 0 : i32
      %select_n3A_93 = arith.select %eq3A_91, %select_n3A_92, %select_n3A_89 : i32
      %add3A_94 = arith.addi %select_n3A_93, %mul3A_6 : i32
      %add3A_95 = arith.constant 1 : i32
      %add3A_96 = arith.addi %select_n3A_93, %add3A_95 : i32
      %select_n3A_97 = arith.constant true
      %select_n3A_98 = arith.select %select_n3A_97, %add3A_96, %select_n3A_93 : i32
      %eq3A_99 = arith.constant 4 : i32
      %eq3A_100 = arith.cmpi eq, %select_n3A_98, %eq3A_99 : i32
      %select_n3A_101 = arith.constant 0 : i32
      %select_n3A_102 = arith.select %eq3A_100, %select_n3A_101, %select_n3A_98 : i32
      %add3A_103 = arith.addi %select_n3A_102, %mul3A_6 : i32
      "tpu.trace_start"() <{level = 10 : i32, message = "ep_finalize"}> : () -> ()
      %rem3A_104 = arith.constant 2 : i32
      %rem3A_105 = arith.remui %scan3A_67#3, %rem3A_104 : i32
      %mul3A_106 = arith.constant 128 : i32
      %mul3A_107 = arith.muli %mul3A_106, %add3A_76 : i32
      %dma_wait3A = arith.constant 0 : i32
      %dma_wait3A_108 = arith.constant 0 : i32
      %dma_wait3A_109 = tpu.memref_slice %run_scoped3A_8[%rem3A_105, %dma_wait3A, %dma_wait3A_108] : memref<2x128x384xf32, #tpu.memory_space<vmem>> -> memref<1x128x384xf32, #tpu.memory_space<vmem>>
      %dma_wait3A_110 = tpu.memref_squeeze %dma_wait3A_109 : memref<1x128x384xf32, #tpu.memory_space<vmem>> -> memref<128x384xf32, #tpu.memory_space<vmem>>
      %dma_wait3A_111 = arith.constant 0 : i32
      %dma_wait3A_112 = tpu.memref_slice %arg4[%mul3A_107, %dma_wait3A_111] : memref<16384x384xf32, #tpu.memory_space<hbm>> -> memref<128x384xf32, #tpu.memory_space<hbm>>
      %dma_wait3A_113 = tpu.memref_slice %run_scoped3A_9[%rem3A_105] : memref<2x!tpu.dma_semaphore, #tpu.memory_space<semaphore_mem>> -> memref<1x!tpu.dma_semaphore, #tpu.memory_space<semaphore_mem>>
      %dma_wait3A_114 = tpu.memref_squeeze %dma_wait3A_113 : memref<1x!tpu.dma_semaphore, #tpu.memory_space<semaphore_mem>> -> memref<!tpu.dma_semaphore, #tpu.memory_space<semaphore_mem>>
      %dma_wait3A_115 = arith.constant 0 : i32
      %dma_wait3A_116 = tpu.memref_slice %arg4[%mul3A_107, %dma_wait3A_115] : memref<16384x384xf32, #tpu.memory_space<hbm>> -> memref<128x384xf32, #tpu.memory_space<hbm>>
      %dma_wait3A_117 = arith.constant 0 : i32
      %dma_wait3A_118 = arith.constant 0 : i32
      %dma_wait3A_119 = tpu.memref_slice %run_scoped3A_8[%rem3A_105, %dma_wait3A_117, %dma_wait3A_118] : memref<2x128x384xf32, #tpu.memory_space<vmem>> -> memref<1x128x384xf32, #tpu.memory_space<vmem>>
      %dma_wait3A_120 = tpu.memref_squeeze %dma_wait3A_119 : memref<1x128x384xf32, #tpu.memory_space<vmem>> -> memref<128x384xf32, #tpu.memory_space<vmem>>
      tpu.wait_dma2 semaphore(%dma_wait3A_114 : memref<!tpu.dma_semaphore, #tpu.memory_space<semaphore_mem>>) src(%dma_wait3A_120 : memref<128x384xf32, #tpu.memory_space<vmem>>) dst(%dma_wait3A_116 : memref<128x384xf32, #tpu.memory_space<hbm>>)
      "tpu.trace_stop"() : () -> ()
      tpu.yield
    }) : () -> ()
    return
  }
}

module attributes {stable_mosaic.version = 14 : i64} {
  func.func @_proj_body(%arg0: i32, %arg1: memref<512x768xf32, #tpu.memory_space<vmem>>, %arg2: memref<2304x768xf32, #tpu.memory_space<vmem>>, %arg3: memref<1x1536xf32, #tpu.memory_space<vmem>>, %arg4: memref<512x1536xbf16, #tpu.memory_space<vmem>>) attributes {dimension_semantics = [#tpu.dimension_semantics<arbitrary>], iteration_bounds = array<i64: 8>, scalar_prefetch = 0 : i64, scratch_operands = 0 : i64, tpu.core_type = #tpu.core_type<tc>, window_params = [{transform_indices = @transform_0, window_bounds = array<i64: 512, 768>}, {pipeline_mode = #tpu.pipeline_mode<synchronous>, transform_indices = @transform_1, window_bounds = array<i64: 2304, 768>}, {pipeline_mode = #tpu.pipeline_mode<synchronous>, transform_indices = @transform_2, window_bounds = array<i64: 1, 1536>}, {transform_indices = @transform_3, window_bounds = array<i64: 512, 1536>}]} {
    %get3A = arith.constant 768 : index
    %get3A_0 = arith.constant 0 : index
    %get3A_1 = vector.load %arg2[%get3A, %get3A_0] : memref<2304x768xf32, #tpu.memory_space<vmem>>, vector<1536x768xf32>
    %get3A_2 = arith.constant 0 : index
    %get3A_3 = arith.constant 0 : index
    %get3A_4 = vector.load %arg1[%get3A_2, %get3A_3] : memref<512x768xf32, #tpu.memory_space<vmem>>, vector<512x768xf32>
    %dot_general3A = arith.constant dense<0.000000e+00> : vector<512x1536xf32>
    %dot_general3A_5 = tpu.matmul %get3A_4, %get3A_1, %dot_general3A {dimension_numbers = #tpu.dot_dimension_numbers<[1], [1], [0], [0], [0, 0, 1, 0], [], []>, transpose_lhs_hint = false} : vector<512x768xf32>, vector<1536x768xf32>, vector<512x1536xf32> -> vector<512x1536xf32>
    %get3A_6 = arith.constant 0 : index
    %get3A_7 = arith.constant 0 : index
    %get3A_8 = vector.load %arg3[%get3A_6, %get3A_7] : memref<1x1536xf32, #tpu.memory_space<vmem>>, vector<1x1536xf32>
    %add3A = vector.broadcast %get3A_8 : vector<1x1536xf32> to vector<512x1536xf32>
    %add3A_9 = arith.addf %dot_general3A_5, %add3A : vector<512x1536xf32>
    %convert_element_type3A = arith.truncf %add3A_9 : vector<512x1536xf32> to vector<512x1536xbf16>
    %swap3A = arith.constant 0 : index
    %swap3A_10 = arith.constant 0 : index
    %swap3A_11 = vector.load %arg4[%swap3A, %swap3A_10] : memref<512x1536xbf16, #tpu.memory_space<vmem>>, vector<512x1536xbf16>
    tpu.vector_store %arg4[%swap3A, %swap3A_10], %convert_element_type3A {strides = array<i32>} : memref<512x1536xbf16, #tpu.memory_space<vmem>>, vector<512x1536xbf16>,
    return
  }
  func.func @transform_0(%arg0: i32) -> (i32, i32) {
    %c0_i32 = arith.constant 0 : i32
    %c0_i32_0 = arith.constant 0 : i32
    return %arg0, %c0_i32 : i32, i32
  }
  func.func @transform_1(%arg0: i32) -> (i32, i32) {
    %c0_i32 = arith.constant 0 : i32
    %c0_i32_0 = arith.constant 0 : i32
    %c0_i32_1 = arith.constant 0 : i32
    return %c0_i32, %c0_i32_0 : i32, i32
  }
  func.func @transform_2(%arg0: i32) -> (i32, i32) {
    %c0_i32 = arith.constant 0 : i32
    %c0_i32_0 = arith.constant 0 : i32
    %c0_i32_1 = arith.constant 0 : i32
    return %c0_i32, %c0_i32_0 : i32, i32
  }
  func.func @transform_3(%arg0: i32) -> (i32, i32) {
    %c0_i32 = arith.constant 0 : i32
    %c0_i32_0 = arith.constant 0 : i32
    return %arg0, %c0_i32 : i32, i32
  }
}

module attributes {stable_mosaic.version = 14 : i64} {
  func.func @_proj_body(%arg0: i32, %arg1: memref<512x768xf32, #tpu.memory_space<vmem>>, %arg2: memref<2304x768xf32, #tpu.memory_space<vmem>>, %arg3: memref<1x2304xf32, #tpu.memory_space<vmem>>, %arg4: memref<512x2304xbf16, #tpu.memory_space<vmem>>) attributes {dimension_semantics = [#tpu.dimension_semantics<arbitrary>], iteration_bounds = array<i64: 8>, scalar_prefetch = 0 : i64, scratch_operands = 0 : i64, tpu.core_type = #tpu.core_type<tc>, window_params = [{transform_indices = @transform_0, window_bounds = array<i64: 512, 768>}, {pipeline_mode = #tpu.pipeline_mode<synchronous>, transform_indices = @transform_1, window_bounds = array<i64: 2304, 768>}, {pipeline_mode = #tpu.pipeline_mode<synchronous>, transform_indices = @transform_2, window_bounds = array<i64: 1, 2304>}, {transform_indices = @transform_3, window_bounds = array<i64: 512, 2304>}]} {
    %get3A = arith.constant 0 : index
    %get3A_0 = arith.constant 0 : index
    %get3A_1 = vector.load %arg2[%get3A, %get3A_0] : memref<2304x768xf32, #tpu.memory_space<vmem>>, vector<2304x768xf32>
    %get3A_2 = arith.constant 0 : index
    %get3A_3 = arith.constant 0 : index
    %get3A_4 = vector.load %arg1[%get3A_2, %get3A_3] : memref<512x768xf32, #tpu.memory_space<vmem>>, vector<512x768xf32>
    %dot_general3A = arith.constant dense<0.000000e+00> : vector<512x2304xf32>
    %dot_general3A_5 = tpu.matmul %get3A_4, %get3A_1, %dot_general3A {dimension_numbers = #tpu.dot_dimension_numbers<[1], [1], [0], [0], [0, 0, 1, 0], [], []>, transpose_lhs_hint = false} : vector<512x768xf32>, vector<2304x768xf32>, vector<512x2304xf32> -> vector<512x2304xf32>
    %get3A_6 = arith.constant 0 : index
    %get3A_7 = arith.constant 0 : index
    %get3A_8 = vector.load %arg3[%get3A_6, %get3A_7] : memref<1x2304xf32, #tpu.memory_space<vmem>>, vector<1x2304xf32>
    %add3A = vector.broadcast %get3A_8 : vector<1x2304xf32> to vector<512x2304xf32>
    %add3A_9 = arith.addf %dot_general3A_5, %add3A : vector<512x2304xf32>
    %convert_element_type3A = arith.truncf %add3A_9 : vector<512x2304xf32> to vector<512x2304xbf16>
    %swap3A = arith.constant 0 : index
    %swap3A_10 = arith.constant 0 : index
    %swap3A_11 = vector.load %arg4[%swap3A, %swap3A_10] : memref<512x2304xbf16, #tpu.memory_space<vmem>>, vector<512x2304xbf16>
    tpu.vector_store %arg4[%swap3A, %swap3A_10], %convert_element_type3A {strides = array<i32>} : memref<512x2304xbf16, #tpu.memory_space<vmem>>, vector<512x2304xbf16>,
    return
  }
  func.func @transform_0(%arg0: i32) -> (i32, i32) {
    %c0_i32 = arith.constant 0 : i32
    %c0_i32_0 = arith.constant 0 : i32
    return %arg0, %c0_i32 : i32, i32
  }
  func.func @transform_1(%arg0: i32) -> (i32, i32) {
    %c0_i32 = arith.constant 0 : i32
    %c0_i32_0 = arith.constant 0 : i32
    %c0_i32_1 = arith.constant 0 : i32
    return %c0_i32, %c0_i32_0 : i32, i32
  }
  func.func @transform_2(%arg0: i32) -> (i32, i32) {
    %c0_i32 = arith.constant 0 : i32
    %c0_i32_0 = arith.constant 0 : i32
    %c0_i32_1 = arith.constant 0 : i32
    return %c0_i32, %c0_i32_0 : i32, i32
  }
  func.func @transform_3(%arg0: i32) -> (i32, i32) {
    %c0_i32 = arith.constant 0 : i32
    %c0_i32_0 = arith.constant 0 : i32
    return %arg0, %c0_i32 : i32, i32
  }
}

module attributes {stable_mosaic.version = 14 : i64} {
  func.func @_attn_body(%arg0: i32, %arg1: i32, %arg2: i32, %arg3: memref<1x512x128xbf16, #tpu.memory_space<vmem>>, %arg4: memref<1x2048x128xbf16, #tpu.memory_space<vmem>>, %arg5: memref<1x2048x128xbf16, #tpu.memory_space<vmem>>, %arg6: memref<1x512x128xf32, #tpu.memory_space<vmem>>) attributes {dimension_semantics = [#tpu.dimension_semantics<arbitrary>, #tpu.dimension_semantics<arbitrary>, #tpu.dimension_semantics<arbitrary>], iteration_bounds = array<i64: 2, 6, 4>, scalar_prefetch = 0 : i64, scratch_operands = 0 : i64, tpu.core_type = #tpu.core_type<tc>, window_params = [{transform_indices = @transform_0, window_bounds = array<i64: 1, 512, 128>}, {transform_indices = @transform_1, window_bounds = array<i64: 1, 2048, 128>}, {transform_indices = @transform_2, window_bounds = array<i64: 1, 2048, 128>}, {transform_indices = @transform_3, window_bounds = array<i64: 1, 512, 128>}]} {
    %broadcast_in_dim3A = arith.constant 1.000000e+00 : bf16
    %broadcast_in_dim3A_0 = vector.broadcast %broadcast_in_dim3A : bf16 to vector<2048x64xbf16>
    %get3A = arith.constant 0 : index
    %get3A_1 = arith.constant 0 : index
    %get3A_2 = arith.constant 0 : index
    %get3A_3 = vector.load %arg3[%get3A, %get3A_1, %get3A_2] : memref<1x512x128xbf16, #tpu.memory_space<vmem>>, vector<1x512x128xbf16>
    %get3A_4 = vector.shape_cast %get3A_3 : vector<1x512x128xbf16> to vector<512x128xbf16>
    %mul3A = arith.constant 1.250000e-01 : bf16
    %mul3A_5 = vector.broadcast %mul3A : bf16 to vector<512x128xbf16>
    %mul3A_6 = arith.mulf %get3A_4, %mul3A_5 : vector<512x128xbf16>
    %get3A_7 = arith.constant 0 : index
    %get3A_8 = arith.constant 0 : index
    %get3A_9 = arith.constant 0 : index
    %get3A_10 = vector.load %arg4[%get3A_7, %get3A_8, %get3A_9] : memref<1x2048x128xbf16, #tpu.memory_space<vmem>>, vector<1x2048x128xbf16>
    %get3A_11 = vector.shape_cast %get3A_10 : vector<1x2048x128xbf16> to vector<2048x128xbf16>
    %get3A_12 = arith.constant 0 : index
    %get3A_13 = arith.constant 0 : index
    %get3A_14 = arith.constant 0 : index
    %get3A_15 = vector.load %arg5[%get3A_12, %get3A_13, %get3A_14] : memref<1x2048x128xbf16, #tpu.memory_space<vmem>>, vector<1x2048x128xbf16>
    %get3A_16 = vector.shape_cast %get3A_15 : vector<1x2048x128xbf16> to vector<2048x128xbf16>
    %slice3A = vector.extract_strided_slice %mul3A_6 {offsets = [0, 0], sizes = [512, 64], strides = [1, 1]} : vector<512x128xbf16> to vector<512x64xbf16>
    %slice3A_17 = vector.extract_strided_slice %get3A_11 {offsets = [0, 0], sizes = [2048, 64], strides = [1, 1]} : vector<2048x128xbf16> to vector<2048x64xbf16>
    %dot_general3A = arith.constant dense<0.000000e+00> : vector<512x2048xf32>
    %dot_general3A_18 = tpu.matmul %slice3A, %slice3A_17, %dot_general3A {dimension_numbers = #tpu.dot_dimension_numbers<[1], [1], [0], [0], [0, 0, 1, 0], [], []>, transpose_lhs_hint = false} : vector<512x64xbf16>, vector<2048x64xbf16>, vector<512x2048xf32> -> vector<512x2048xf32>
    %exp3A = math.exp %dot_general3A_18 : vector<512x2048xf32>
    %convert_element_type3A = arith.truncf %exp3A : vector<512x2048xf32> to vector<512x2048xbf16>
    %slice3A_19 = vector.extract_strided_slice %get3A_16 {offsets = [0, 0], sizes = [2048, 64], strides = [1, 1]} : vector<2048x128xbf16> to vector<2048x64xbf16>
    %concatenate3A = tpu.concatenate %slice3A_19, %broadcast_in_dim3A_0 in 1 : vector<2048x64xbf16>, vector<2048x64xbf16> -> vector<2048x128xbf16>
    %dot_general3A_20 = arith.constant dense<0.000000e+00> : vector<512x128xf32>
    %dot_general3A_21 = tpu.matmul %convert_element_type3A, %concatenate3A, %dot_general3A_20 {dimension_numbers = #tpu.dot_dimension_numbers<[1], [0], [0], [1], [0, 0, 1, 1], [], []>, transpose_lhs_hint = false} : vector<512x2048xbf16>, vector<2048x128xbf16>, vector<512x128xf32> -> vector<512x128xf32>
    %slice3A_22 = vector.extract_strided_slice %dot_general3A_21 {offsets = [0, 0], sizes = [512, 64], strides = [1, 1]} : vector<512x128xf32> to vector<512x64xf32>
    %slice3A_23 = vector.extract_strided_slice %dot_general3A_21 {offsets = [0, 64], sizes = [512, 1], strides = [1, 1]} : vector<512x128xf32> to vector<512x1xf32>
    %div3A = vector.broadcast %slice3A_23 : vector<512x1xf32> to vector<512x64xf32>
    %div3A_24 = arith.divf %slice3A_22, %div3A : vector<512x64xf32>
    %slice3A_25 = vector.extract_strided_slice %mul3A_6 {offsets = [0, 64], sizes = [512, 64], strides = [1, 1]} : vector<512x128xbf16> to vector<512x64xbf16>
    %slice3A_26 = vector.extract_strided_slice %get3A_11 {offsets = [0, 64], sizes = [2048, 64], strides = [1, 1]} : vector<2048x128xbf16> to vector<2048x64xbf16>
    %dot_general3A_27 = arith.constant dense<0.000000e+00> : vector<512x2048xf32>
    %dot_general3A_28 = tpu.matmul %slice3A_25, %slice3A_26, %dot_general3A_27 {dimension_numbers = #tpu.dot_dimension_numbers<[1], [1], [0], [0], [0, 0, 1, 0], [], []>, transpose_lhs_hint = false} : vector<512x64xbf16>, vector<2048x64xbf16>, vector<512x2048xf32> -> vector<512x2048xf32>
    %exp3A_29 = math.exp %dot_general3A_28 : vector<512x2048xf32>
    %convert_element_type3A_30 = arith.truncf %exp3A_29 : vector<512x2048xf32> to vector<512x2048xbf16>
    %slice3A_31 = vector.extract_strided_slice %get3A_16 {offsets = [0, 64], sizes = [2048, 64], strides = [1, 1]} : vector<2048x128xbf16> to vector<2048x64xbf16>
    %concatenate3A_32 = tpu.concatenate %slice3A_31, %broadcast_in_dim3A_0 in 1 : vector<2048x64xbf16>, vector<2048x64xbf16> -> vector<2048x128xbf16>
    %dot_general3A_33 = arith.constant dense<0.000000e+00> : vector<512x128xf32>
    %dot_general3A_34 = tpu.matmul %convert_element_type3A_30, %concatenate3A_32, %dot_general3A_33 {dimension_numbers = #tpu.dot_dimension_numbers<[1], [0], [0], [1], [0, 0, 1, 1], [], []>, transpose_lhs_hint = false} : vector<512x2048xbf16>, vector<2048x128xbf16>, vector<512x128xf32> -> vector<512x128xf32>
    %slice3A_35 = vector.extract_strided_slice %dot_general3A_34 {offsets = [0, 0], sizes = [512, 64], strides = [1, 1]} : vector<512x128xf32> to vector<512x64xf32>
    %slice3A_36 = vector.extract_strided_slice %dot_general3A_34 {offsets = [0, 64], sizes = [512, 1], strides = [1, 1]} : vector<512x128xf32> to vector<512x1xf32>
    %div3A_37 = vector.broadcast %slice3A_36 : vector<512x1xf32> to vector<512x64xf32>
    %div3A_38 = arith.divf %slice3A_35, %div3A_37 : vector<512x64xf32>
    %concatenate3A_39 = tpu.concatenate %div3A_24, %div3A_38 in 1 : vector<512x64xf32>, vector<512x64xf32> -> vector<512x128xf32>
    %swap3A = arith.constant 0 : index
    %swap3A_40 = arith.constant 0 : index
    %swap3A_41 = arith.constant 0 : index
    %swap3A_42 = vector.load %arg6[%swap3A, %swap3A_40, %swap3A_41] : memref<1x512x128xf32, #tpu.memory_space<vmem>>, vector<1x512x128xf32>
    %swap3A_43 = vector.shape_cast %swap3A_42 : vector<1x512x128xf32> to vector<512x128xf32>
    %swap3A_44 = vector.shape_cast %concatenate3A_39 : vector<512x128xf32> to vector<1x512x128xf32>
    tpu.vector_store %arg6[%swap3A, %swap3A_40, %swap3A_41], %swap3A_44 {strides = array<i32>} : memref<1x512x128xf32, #tpu.memory_space<vmem>>, vector<1x512x128xf32>,
    return
  }
  func.func @transform_0(%arg0: i32, %arg1: i32, %arg2: i32) -> (i32, i32, i32) {
    %add3A = arith.constant 0 : i32
    %add3A_0 = arith.addi %add3A, %arg1 : i32
    %c0_i32 = arith.constant 0 : i32
    return %arg0, %arg2, %add3A_0 : i32, i32, i32
  }
  func.func @transform_1(%arg0: i32, %arg1: i32, %arg2: i32) -> (i32, i32, i32) {
    %add3A = arith.constant 6 : i32
    %add3A_0 = arith.addi %add3A, %arg1 : i32
    %c0_i32 = arith.constant 0 : i32
    %c0_i32_1 = arith.constant 0 : i32
    return %arg0, %c0_i32, %add3A_0 : i32, i32, i32
  }
  func.func @transform_2(%arg0: i32, %arg1: i32, %arg2: i32) -> (i32, i32, i32) {
    %add3A = arith.constant 12 : i32
    %add3A_0 = arith.addi %add3A, %arg1 : i32
    %c0_i32 = arith.constant 0 : i32
    %c0_i32_1 = arith.constant 0 : i32
    return %arg0, %c0_i32, %add3A_0 : i32, i32, i32
  }
  func.func @transform_3(%arg0: i32, %arg1: i32, %arg2: i32) -> (i32, i32, i32) {
    %c0_i32 = arith.constant 0 : i32
    return %arg0, %arg2, %arg1 : i32, i32, i32
  }
}

module attributes {stable_mosaic.version = 14 : i64} {
  func.func @_oproj_ln_body(%arg0: i32, %arg1: memref<512x768xf32, #tpu.memory_space<vmem>>, %arg2: memref<768x768xf32, #tpu.memory_space<vmem>>, %arg3: memref<1x768xf32, #tpu.memory_space<vmem>>, %arg4: memref<512x768xf32, #tpu.memory_space<vmem>>, %arg5: memref<1x768xf32, #tpu.memory_space<vmem>>, %arg6: memref<1x768xf32, #tpu.memory_space<vmem>>, %arg7: memref<512x768xf32, #tpu.memory_space<vmem>>) attributes {dimension_semantics = [#tpu.dimension_semantics<arbitrary>], iteration_bounds = array<i64: 8>, scalar_prefetch = 0 : i64, scratch_operands = 0 : i64, tpu.core_type = #tpu.core_type<tc>, window_params = [{transform_indices = @transform_0, window_bounds = array<i64: 512, 768>}, {pipeline_mode = #tpu.pipeline_mode<synchronous>, transform_indices = @transform_1, window_bounds = array<i64: 768, 768>}, {pipeline_mode = #tpu.pipeline_mode<synchronous>, transform_indices = @transform_2, window_bounds = array<i64: 1, 768>}, {transform_indices = @transform_3, window_bounds = array<i64: 512, 768>}, {pipeline_mode = #tpu.pipeline_mode<synchronous>, transform_indices = @transform_4, window_bounds = array<i64: 1, 768>}, {pipeline_mode = #tpu.pipeline_mode<synchronous>, transform_indices = @transform_5, window_bounds = array<i64: 1, 768>}, {transform_indices = @transform_6, window_bounds = array<i64: 512, 768>}]} {
    %get3A = arith.constant 0 : index
    %get3A_0 = arith.constant 0 : index
    %get3A_1 = vector.load %arg1[%get3A, %get3A_0] : memref<512x768xf32, #tpu.memory_space<vmem>>, vector<512x768xf32>
    %get3A_2 = arith.constant 0 : index
    %get3A_3 = arith.constant 0 : index
    %get3A_4 = vector.load %arg2[%get3A_2, %get3A_3] : memref<768x768xf32, #tpu.memory_space<vmem>>, vector<768x768xf32>
    %dot_general3A = arith.constant dense<0.000000e+00> : vector<512x768xf32>
    %dot_general3A_5 = tpu.matmul %get3A_1, %get3A_4, %dot_general3A {dimension_numbers = #tpu.dot_dimension_numbers<[1], [1], [0], [0], [0, 0, 1, 0], [], []>, transpose_lhs_hint = false} : vector<512x768xf32>, vector<768x768xf32>, vector<512x768xf32> -> vector<512x768xf32>
    %get3A_6 = arith.constant 0 : index
    %get3A_7 = arith.constant 0 : index
    %get3A_8 = vector.load %arg3[%get3A_6, %get3A_7] : memref<1x768xf32, #tpu.memory_space<vmem>>, vector<1x768xf32>
    %add3A = vector.broadcast %get3A_8 : vector<1x768xf32> to vector<512x768xf32>
    %add3A_9 = arith.addf %dot_general3A_5, %add3A : vector<512x768xf32>
    %get3A_10 = arith.constant 0 : index
    %get3A_11 = arith.constant 0 : index
    %get3A_12 = vector.load %arg4[%get3A_10, %get3A_11] : memref<512x768xf32, #tpu.memory_space<vmem>>, vector<512x768xf32>
    %add3A_13 = arith.addf %add3A_9, %get3A_12 : vector<512x768xf32>
    %reduce_sum3A = arith.constant dense<0.000000e+00> : vector<512xf32>
    %reduce_sum3A_14 = vector.multi_reduction <add>, %add3A_13, %reduce_sum3A [1] : vector<512x768xf32> to vector<512xf32>
    %broadcast_in_dim3A = vector.shape_cast %reduce_sum3A_14 : vector<512xf32> to vector<512x1xf32>
    %div3A = arith.constant 7.680000e+02 : f32
    %div3A_15 = vector.broadcast %div3A : f32 to vector<512x1xf32>
    %div3A_16 = arith.divf %broadcast_in_dim3A, %div3A_15 : vector<512x1xf32>
    %sub3A = vector.broadcast %div3A_16 : vector<512x1xf32> to vector<512x768xf32>
    %sub3A_17 = arith.subf %add3A_13, %sub3A : vector<512x768xf32>
    %mul3A = arith.mulf %sub3A_17, %sub3A_17 : vector<512x768xf32>
    %reduce_sum3A_18 = arith.constant dense<0.000000e+00> : vector<512xf32>
    %reduce_sum3A_19 = vector.multi_reduction <add>, %mul3A, %reduce_sum3A_18 [1] : vector<512x768xf32> to vector<512xf32>
    %broadcast_in_dim3A_20 = vector.shape_cast %reduce_sum3A_19 : vector<512xf32> to vector<512x1xf32>
    %div3A_21 = arith.constant 7.680000e+02 : f32
    %div3A_22 = vector.broadcast %div3A_21 : f32 to vector<512x1xf32>
    %div3A_23 = arith.divf %broadcast_in_dim3A_20, %div3A_22 : vector<512x1xf32>
    %add3A_24 = arith.constant 9.99999974E-6 : f32
    %add3A_25 = vector.broadcast %add3A_24 : f32 to vector<512x1xf32>
    %add3A_26 = arith.addf %div3A_23, %add3A_25 : vector<512x1xf32>
    %rsqrt3A = math.rsqrt %add3A_26 : vector<512x1xf32>
    %mul3A_27 = vector.broadcast %rsqrt3A : vector<512x1xf32> to vector<512x768xf32>
    %mul3A_28 = arith.mulf %sub3A_17, %mul3A_27 : vector<512x768xf32>
    %get3A_29 = arith.constant 0 : index
    %get3A_30 = arith.constant 0 : index
    %get3A_31 = vector.load %arg5[%get3A_29, %get3A_30] : memref<1x768xf32, #tpu.memory_space<vmem>>, vector<1x768xf32>
    %mul3A_32 = vector.broadcast %get3A_31 : vector<1x768xf32> to vector<512x768xf32>
    %mul3A_33 = arith.mulf %mul3A_28, %mul3A_32 : vector<512x768xf32>
    %get3A_34 = arith.constant 0 : index
    %get3A_35 = arith.constant 0 : index
    %get3A_36 = vector.load %arg6[%get3A_34, %get3A_35] : memref<1x768xf32, #tpu.memory_space<vmem>>, vector<1x768xf32>
    %add3A_37 = vector.broadcast %get3A_36 : vector<1x768xf32> to vector<512x768xf32>
    %add3A_38 = arith.addf %mul3A_33, %add3A_37 : vector<512x768xf32>
    %swap3A = arith.constant 0 : index
    %swap3A_39 = arith.constant 0 : index
    %swap3A_40 = vector.load %arg7[%swap3A, %swap3A_39] : memref<512x768xf32, #tpu.memory_space<vmem>>, vector<512x768xf32>
    tpu.vector_store %arg7[%swap3A, %swap3A_39], %add3A_38 {strides = array<i32>} : memref<512x768xf32, #tpu.memory_space<vmem>>, vector<512x768xf32>,
    return
  }
  func.func @transform_0(%arg0: i32) -> (i32, i32) {
    %c0_i32 = arith.constant 0 : i32
    %c0_i32_0 = arith.constant 0 : i32
    return %arg0, %c0_i32 : i32, i32
  }
  func.func @transform_1(%arg0: i32) -> (i32, i32) {
    %c0_i32 = arith.constant 0 : i32
    %c0_i32_0 = arith.constant 0 : i32
    %c0_i32_1 = arith.constant 0 : i32
    return %c0_i32, %c0_i32_0 : i32, i32
  }
  func.func @transform_2(%arg0: i32) -> (i32, i32) {
    %c0_i32 = arith.constant 0 : i32
    %c0_i32_0 = arith.constant 0 : i32
    %c0_i32_1 = arith.constant 0 : i32
    return %c0_i32, %c0_i32_0 : i32, i32
  }
  func.func @transform_3(%arg0: i32) -> (i32, i32) {
    %c0_i32 = arith.constant 0 : i32
    %c0_i32_0 = arith.constant 0 : i32
    return %arg0, %c0_i32 : i32, i32
  }
  func.func @transform_4(%arg0: i32) -> (i32, i32) {
    %c0_i32 = arith.constant 0 : i32
    %c0_i32_0 = arith.constant 0 : i32
    %c0_i32_1 = arith.constant 0 : i32
    return %c0_i32, %c0_i32_0 : i32, i32
  }
  func.func @transform_5(%arg0: i32) -> (i32, i32) {
    %c0_i32 = arith.constant 0 : i32
    %c0_i32_0 = arith.constant 0 : i32
    %c0_i32_1 = arith.constant 0 : i32
    return %c0_i32, %c0_i32_0 : i32, i32
  }
  func.func @transform_6(%arg0: i32) -> (i32, i32) {
    %c0_i32 = arith.constant 0 : i32
    %c0_i32_0 = arith.constant 0 : i32
    return %arg0, %c0_i32 : i32, i32
  }
}

module attributes {stable_mosaic.version = 14 : i64} {
  func.func @_proj_body(%arg0: i32, %arg1: memref<512x768xf32, #tpu.memory_space<vmem>>, %arg2: memref<2304x768xf32, #tpu.memory_space<vmem>>, %arg3: memref<1x768xf32, #tpu.memory_space<vmem>>, %arg4: memref<512x768xbf16, #tpu.memory_space<vmem>>) attributes {dimension_semantics = [#tpu.dimension_semantics<arbitrary>], iteration_bounds = array<i64: 8>, scalar_prefetch = 0 : i64, scratch_operands = 0 : i64, tpu.core_type = #tpu.core_type<tc>, window_params = [{transform_indices = @transform_0, window_bounds = array<i64: 512, 768>}, {pipeline_mode = #tpu.pipeline_mode<synchronous>, transform_indices = @transform_1, window_bounds = array<i64: 2304, 768>}, {pipeline_mode = #tpu.pipeline_mode<synchronous>, transform_indices = @transform_2, window_bounds = array<i64: 1, 768>}, {transform_indices = @transform_3, window_bounds = array<i64: 512, 768>}]} {
    %get3A = arith.constant 0 : index
    %get3A_0 = arith.constant 0 : index
    %get3A_1 = vector.load %arg2[%get3A, %get3A_0] : memref<2304x768xf32, #tpu.memory_space<vmem>>, vector<768x768xf32>
    %get3A_2 = arith.constant 0 : index
    %get3A_3 = arith.constant 0 : index
    %get3A_4 = vector.load %arg1[%get3A_2, %get3A_3] : memref<512x768xf32, #tpu.memory_space<vmem>>, vector<512x768xf32>
    %dot_general3A = arith.constant dense<0.000000e+00> : vector<512x768xf32>
    %dot_general3A_5 = tpu.matmul %get3A_4, %get3A_1, %dot_general3A {dimension_numbers = #tpu.dot_dimension_numbers<[1], [1], [0], [0], [0, 0, 1, 0], [], []>, transpose_lhs_hint = false} : vector<512x768xf32>, vector<768x768xf32>, vector<512x768xf32> -> vector<512x768xf32>
    %get3A_6 = arith.constant 0 : index
    %get3A_7 = arith.constant 0 : index
    %get3A_8 = vector.load %arg3[%get3A_6, %get3A_7] : memref<1x768xf32, #tpu.memory_space<vmem>>, vector<1x768xf32>
    %add3A = vector.broadcast %get3A_8 : vector<1x768xf32> to vector<512x768xf32>
    %add3A_9 = arith.addf %dot_general3A_5, %add3A : vector<512x768xf32>
    %convert_element_type3A = arith.truncf %add3A_9 : vector<512x768xf32> to vector<512x768xbf16>
    %swap3A = arith.constant 0 : index
    %swap3A_10 = arith.constant 0 : index
    %swap3A_11 = vector.load %arg4[%swap3A, %swap3A_10] : memref<512x768xbf16, #tpu.memory_space<vmem>>, vector<512x768xbf16>
    tpu.vector_store %arg4[%swap3A, %swap3A_10], %convert_element_type3A {strides = array<i32>} : memref<512x768xbf16, #tpu.memory_space<vmem>>, vector<512x768xbf16>,
    return
  }
  func.func @transform_0(%arg0: i32) -> (i32, i32) {
    %c0_i32 = arith.constant 0 : i32
    %c0_i32_0 = arith.constant 0 : i32
    return %arg0, %c0_i32 : i32, i32
  }
  func.func @transform_1(%arg0: i32) -> (i32, i32) {
    %c0_i32 = arith.constant 0 : i32
    %c0_i32_0 = arith.constant 0 : i32
    %c0_i32_1 = arith.constant 0 : i32
    return %c0_i32, %c0_i32_0 : i32, i32
  }
  func.func @transform_2(%arg0: i32) -> (i32, i32) {
    %c0_i32 = arith.constant 0 : i32
    %c0_i32_0 = arith.constant 0 : i32
    %c0_i32_1 = arith.constant 0 : i32
    return %c0_i32, %c0_i32_0 : i32, i32
  }
  func.func @transform_3(%arg0: i32) -> (i32, i32) {
    %c0_i32 = arith.constant 0 : i32
    %c0_i32_0 = arith.constant 0 : i32
    return %arg0, %c0_i32 : i32, i32
  }
}

module attributes {stable_mosaic.version = 14 : i64} {
  func.func @_attn_body(%arg0: i32, %arg1: i32, %arg2: i32, %arg3: memref<1x512x128xbf16, #tpu.memory_space<vmem>>, %arg4: memref<1x2048x128xbf16, #tpu.memory_space<vmem>>, %arg5: memref<1x2048x128xbf16, #tpu.memory_space<vmem>>, %arg6: memref<1x512x128xf32, #tpu.memory_space<vmem>>) attributes {dimension_semantics = [#tpu.dimension_semantics<arbitrary>, #tpu.dimension_semantics<arbitrary>, #tpu.dimension_semantics<arbitrary>], iteration_bounds = array<i64: 2, 6, 4>, scalar_prefetch = 0 : i64, scratch_operands = 0 : i64, tpu.core_type = #tpu.core_type<tc>, window_params = [{transform_indices = @transform_0, window_bounds = array<i64: 1, 512, 128>}, {transform_indices = @transform_1, window_bounds = array<i64: 1, 2048, 128>}, {transform_indices = @transform_2, window_bounds = array<i64: 1, 2048, 128>}, {transform_indices = @transform_3, window_bounds = array<i64: 1, 512, 128>}]} {
    %broadcast_in_dim3A = arith.constant 1.000000e+00 : bf16
    %broadcast_in_dim3A_0 = vector.broadcast %broadcast_in_dim3A : bf16 to vector<2048x64xbf16>
    %get3A = arith.constant 0 : index
    %get3A_1 = arith.constant 0 : index
    %get3A_2 = arith.constant 0 : index
    %get3A_3 = vector.load %arg3[%get3A, %get3A_1, %get3A_2] : memref<1x512x128xbf16, #tpu.memory_space<vmem>>, vector<1x512x128xbf16>
    %get3A_4 = vector.shape_cast %get3A_3 : vector<1x512x128xbf16> to vector<512x128xbf16>
    %mul3A = arith.constant 1.250000e-01 : bf16
    %mul3A_5 = vector.broadcast %mul3A : bf16 to vector<512x128xbf16>
    %mul3A_6 = arith.mulf %get3A_4, %mul3A_5 : vector<512x128xbf16>
    %get3A_7 = arith.constant 0 : index
    %get3A_8 = arith.constant 0 : index
    %get3A_9 = arith.constant 0 : index
    %get3A_10 = vector.load %arg4[%get3A_7, %get3A_8, %get3A_9] : memref<1x2048x128xbf16, #tpu.memory_space<vmem>>, vector<1x2048x128xbf16>
    %get3A_11 = vector.shape_cast %get3A_10 : vector<1x2048x128xbf16> to vector<2048x128xbf16>
    %get3A_12 = arith.constant 0 : index
    %get3A_13 = arith.constant 0 : index
    %get3A_14 = arith.constant 0 : index
    %get3A_15 = vector.load %arg5[%get3A_12, %get3A_13, %get3A_14] : memref<1x2048x128xbf16, #tpu.memory_space<vmem>>, vector<1x2048x128xbf16>
    %get3A_16 = vector.shape_cast %get3A_15 : vector<1x2048x128xbf16> to vector<2048x128xbf16>
    %slice3A = vector.extract_strided_slice %mul3A_6 {offsets = [0, 0], sizes = [512, 64], strides = [1, 1]} : vector<512x128xbf16> to vector<512x64xbf16>
    %slice3A_17 = vector.extract_strided_slice %get3A_11 {offsets = [0, 0], sizes = [2048, 64], strides = [1, 1]} : vector<2048x128xbf16> to vector<2048x64xbf16>
    %dot_general3A = arith.constant dense<0.000000e+00> : vector<512x2048xf32>
    %dot_general3A_18 = tpu.matmul %slice3A, %slice3A_17, %dot_general3A {dimension_numbers = #tpu.dot_dimension_numbers<[1], [1], [0], [0], [0, 0, 1, 0], [], []>, transpose_lhs_hint = false} : vector<512x64xbf16>, vector<2048x64xbf16>, vector<512x2048xf32> -> vector<512x2048xf32>
    %exp3A = math.exp %dot_general3A_18 : vector<512x2048xf32>
    %convert_element_type3A = arith.truncf %exp3A : vector<512x2048xf32> to vector<512x2048xbf16>
    %slice3A_19 = vector.extract_strided_slice %get3A_16 {offsets = [0, 0], sizes = [2048, 64], strides = [1, 1]} : vector<2048x128xbf16> to vector<2048x64xbf16>
    %concatenate3A = tpu.concatenate %slice3A_19, %broadcast_in_dim3A_0 in 1 : vector<2048x64xbf16>, vector<2048x64xbf16> -> vector<2048x128xbf16>
    %dot_general3A_20 = arith.constant dense<0.000000e+00> : vector<512x128xf32>
    %dot_general3A_21 = tpu.matmul %convert_element_type3A, %concatenate3A, %dot_general3A_20 {dimension_numbers = #tpu.dot_dimension_numbers<[1], [0], [0], [1], [0, 0, 1, 1], [], []>, transpose_lhs_hint = false} : vector<512x2048xbf16>, vector<2048x128xbf16>, vector<512x128xf32> -> vector<512x128xf32>
    %slice3A_22 = vector.extract_strided_slice %dot_general3A_21 {offsets = [0, 0], sizes = [512, 64], strides = [1, 1]} : vector<512x128xf32> to vector<512x64xf32>
    %slice3A_23 = vector.extract_strided_slice %dot_general3A_21 {offsets = [0, 64], sizes = [512, 1], strides = [1, 1]} : vector<512x128xf32> to vector<512x1xf32>
    %div3A = vector.broadcast %slice3A_23 : vector<512x1xf32> to vector<512x64xf32>
    %div3A_24 = arith.divf %slice3A_22, %div3A : vector<512x64xf32>
    %slice3A_25 = vector.extract_strided_slice %mul3A_6 {offsets = [0, 64], sizes = [512, 64], strides = [1, 1]} : vector<512x128xbf16> to vector<512x64xbf16>
    %slice3A_26 = vector.extract_strided_slice %get3A_11 {offsets = [0, 64], sizes = [2048, 64], strides = [1, 1]} : vector<2048x128xbf16> to vector<2048x64xbf16>
    %dot_general3A_27 = arith.constant dense<0.000000e+00> : vector<512x2048xf32>
    %dot_general3A_28 = tpu.matmul %slice3A_25, %slice3A_26, %dot_general3A_27 {dimension_numbers = #tpu.dot_dimension_numbers<[1], [1], [0], [0], [0, 0, 1, 0], [], []>, transpose_lhs_hint = false} : vector<512x64xbf16>, vector<2048x64xbf16>, vector<512x2048xf32> -> vector<512x2048xf32>
    %exp3A_29 = math.exp %dot_general3A_28 : vector<512x2048xf32>
    %convert_element_type3A_30 = arith.truncf %exp3A_29 : vector<512x2048xf32> to vector<512x2048xbf16>
    %slice3A_31 = vector.extract_strided_slice %get3A_16 {offsets = [0, 64], sizes = [2048, 64], strides = [1, 1]} : vector<2048x128xbf16> to vector<2048x64xbf16>
    %concatenate3A_32 = tpu.concatenate %slice3A_31, %broadcast_in_dim3A_0 in 1 : vector<2048x64xbf16>, vector<2048x64xbf16> -> vector<2048x128xbf16>
    %dot_general3A_33 = arith.constant dense<0.000000e+00> : vector<512x128xf32>
    %dot_general3A_34 = tpu.matmul %convert_element_type3A_30, %concatenate3A_32, %dot_general3A_33 {dimension_numbers = #tpu.dot_dimension_numbers<[1], [0], [0], [1], [0, 0, 1, 1], [], []>, transpose_lhs_hint = false} : vector<512x2048xbf16>, vector<2048x128xbf16>, vector<512x128xf32> -> vector<512x128xf32>
    %slice3A_35 = vector.extract_strided_slice %dot_general3A_34 {offsets = [0, 0], sizes = [512, 64], strides = [1, 1]} : vector<512x128xf32> to vector<512x64xf32>
    %slice3A_36 = vector.extract_strided_slice %dot_general3A_34 {offsets = [0, 64], sizes = [512, 1], strides = [1, 1]} : vector<512x128xf32> to vector<512x1xf32>
    %div3A_37 = vector.broadcast %slice3A_36 : vector<512x1xf32> to vector<512x64xf32>
    %div3A_38 = arith.divf %slice3A_35, %div3A_37 : vector<512x64xf32>
    %concatenate3A_39 = tpu.concatenate %div3A_24, %div3A_38 in 1 : vector<512x64xf32>, vector<512x64xf32> -> vector<512x128xf32>
    %swap3A = arith.constant 0 : index
    %swap3A_40 = arith.constant 0 : index
    %swap3A_41 = arith.constant 0 : index
    %swap3A_42 = vector.load %arg6[%swap3A, %swap3A_40, %swap3A_41] : memref<1x512x128xf32, #tpu.memory_space<vmem>>, vector<1x512x128xf32>
    %swap3A_43 = vector.shape_cast %swap3A_42 : vector<1x512x128xf32> to vector<512x128xf32>
    %swap3A_44 = vector.shape_cast %concatenate3A_39 : vector<512x128xf32> to vector<1x512x128xf32>
    tpu.vector_store %arg6[%swap3A, %swap3A_40, %swap3A_41], %swap3A_44 {strides = array<i32>} : memref<1x512x128xf32, #tpu.memory_space<vmem>>, vector<1x512x128xf32>,
    return
  }
  func.func @transform_0(%arg0: i32, %arg1: i32, %arg2: i32) -> (i32, i32, i32) {
    %add3A = arith.constant 0 : i32
    %add3A_0 = arith.addi %add3A, %arg1 : i32
    %c0_i32 = arith.constant 0 : i32
    return %arg0, %arg2, %add3A_0 : i32, i32, i32
  }
  func.func @transform_1(%arg0: i32, %arg1: i32, %arg2: i32) -> (i32, i32, i32) {
    %add3A = arith.constant 0 : i32
    %add3A_0 = arith.addi %add3A, %arg1 : i32
    %c0_i32 = arith.constant 0 : i32
    %c0_i32_1 = arith.constant 0 : i32
    return %arg0, %c0_i32, %add3A_0 : i32, i32, i32
  }
  func.func @transform_2(%arg0: i32, %arg1: i32, %arg2: i32) -> (i32, i32, i32) {
    %add3A = arith.constant 6 : i32
    %add3A_0 = arith.addi %add3A, %arg1 : i32
    %c0_i32 = arith.constant 0 : i32
    %c0_i32_1 = arith.constant 0 : i32
    return %arg0, %c0_i32, %add3A_0 : i32, i32, i32
  }
  func.func @transform_3(%arg0: i32, %arg1: i32, %arg2: i32) -> (i32, i32, i32) {
    %c0_i32 = arith.constant 0 : i32
    return %arg0, %arg2, %arg1 : i32, i32, i32
  }
}

module attributes {stable_mosaic.version = 14 : i64} {
  func.func @_route_body(%arg0: i32, %arg1: memref<512x768xf32, #tpu.memory_space<vmem>>, %arg2: memref<768x64xf32, #tpu.memory_space<vmem>>, %arg3: memref<512x1xi32, #tpu.memory_space<vmem>>, %arg4: memref<512x1xi32, #tpu.memory_space<vmem>>, %arg5: memref<512x1xf32, #tpu.memory_space<vmem>>, %arg6: memref<512x1xf32, #tpu.memory_space<vmem>>, %arg7: memref<512x1xf32, #tpu.memory_space<vmem>>, %arg8: memref<512x1xf32, #tpu.memory_space<vmem>>, %arg9: memref<1x64xf32, #tpu.memory_space<vmem>>, %arg10: memref<2x64xf32, #tpu.memory_space<vmem>>) attributes {dimension_semantics = [#tpu.dimension_semantics<arbitrary>], iteration_bounds = array<i64: 8>, scalar_prefetch = 0 : i64, scratch_operands = 1 : i64, tpu.core_type = #tpu.core_type<tc>, window_params = [{transform_indices = @transform_0, window_bounds = array<i64: 512, 768>}, {pipeline_mode = #tpu.pipeline_mode<synchronous>, transform_indices = @transform_1, window_bounds = array<i64: 768, 64>}, {transform_indices = @transform_2, window_bounds = array<i64: 512, 1>}, {transform_indices = @transform_3, window_bounds = array<i64: 512, 1>}, {transform_indices = @transform_4, window_bounds = array<i64: 512, 1>}, {transform_indices = @transform_5, window_bounds = array<i64: 512, 1>}, {transform_indices = @transform_6, window_bounds = array<i64: 512, 1>}, {transform_indices = @transform_7, window_bounds = array<i64: 512, 1>}, {pipeline_mode = #tpu.pipeline_mode<synchronous>, transform_indices = @transform_8, window_bounds = array<i64: 1, 64>}]} {
    %eq3A = arith.constant 0 : i32
    %eq3A_0 = arith.cmpi eq, %arg0, %eq3A : i32
    %convert_element_type3A = arith.extui %eq3A_0 : i1 to i32
    %cond3A = arith.constant 0 : i32
    %cond3A_1 = arith.cmpi ne, %convert_element_type3A, %cond3A : i32
    scf.if %cond3A_1 {
      %broadcast_in_dim3A_123 = arith.constant 0.000000e+00 : f32
      %broadcast_in_dim3A_124 = vector.broadcast %broadcast_in_dim3A_123 : f32 to vector<2x64xf32>
      %swap3A_125 = arith.constant 0 : index
      %swap3A_126 = arith.constant 0 : index
      %swap3A_127 = vector.load %arg10[%swap3A_125, %swap3A_126] : memref<2x64xf32, #tpu.memory_space<vmem>>, vector<2x64xf32>
      tpu.vector_store %arg10[%swap3A_125, %swap3A_126], %broadcast_in_dim3A_124 {strides = array<i32>} : memref<2x64xf32, #tpu.memory_space<vmem>>, vector<2x64xf32>,
    } else {
    }
    %get3A = arith.constant 0 : index
    %get3A_2 = arith.constant 0 : index
    %get3A_3 = vector.load %arg1[%get3A, %get3A_2] : memref<512x768xf32, #tpu.memory_space<vmem>>, vector<512x768xf32>
    %get3A_4 = arith.constant 0 : index
    %get3A_5 = arith.constant 0 : index
    %get3A_6 = vector.load %arg2[%get3A_4, %get3A_5] : memref<768x64xf32, #tpu.memory_space<vmem>>, vector<768x64xf32>
    %dot_general3A = arith.constant dense<0.000000e+00> : vector<512x64xf32>
    %dot_general3A_7 = tpu.matmul %get3A_3, %get3A_6, %dot_general3A {dimension_numbers = #tpu.dot_dimension_numbers<[1], [0], [0], [1], [0, 0, 1, 1], [], []>, transpose_lhs_hint = false} : vector<512x768xf32>, vector<768x64xf32>, vector<512x64xf32> -> vector<512x64xf32>
    %reduce_max3A = arith.constant dense<0xFF800000> : vector<512xf32>
    %reduce_max3A_8 = vector.multi_reduction <maximumf>, %dot_general3A_7, %reduce_max3A [1] : vector<512x64xf32> to vector<512xf32>
    %broadcast_in_dim3A = vector.shape_cast %reduce_max3A_8 : vector<512xf32> to vector<512x1xf32>
    %sub3A = vector.broadcast %broadcast_in_dim3A : vector<512x1xf32> to vector<512x64xf32>
    %sub3A_9 = arith.subf %dot_general3A_7, %sub3A : vector<512x64xf32>
    %exp3A = math.exp %sub3A_9 : vector<512x64xf32>
    %reduce_sum3A = arith.constant dense<0.000000e+00> : vector<512xf32>
    %reduce_sum3A_10 = vector.multi_reduction <add>, %exp3A, %reduce_sum3A [1] : vector<512x64xf32> to vector<512xf32>
    %broadcast_in_dim3A_11 = vector.shape_cast %reduce_sum3A_10 : vector<512xf32> to vector<512x1xf32>
    %div3A = vector.broadcast %broadcast_in_dim3A_11 : vector<512x1xf32> to vector<512x64xf32>
    %div3A_12 = arith.divf %exp3A, %div3A : vector<512x64xf32>
    %iota3A = tpu.iota {dimensions = array<i32: 1>} : vector<512x64xi32>
    %reduce_max3A_13 = arith.constant dense<0xFF800000> : vector<512xf32>
    %reduce_max3A_14 = vector.multi_reduction <maximumf>, %div3A_12, %reduce_max3A_13 [1] : vector<512x64xf32> to vector<512xf32>
    %broadcast_in_dim3A_15 = vector.shape_cast %reduce_max3A_14 : vector<512xf32> to vector<512x1xf32>
    %eq3A_16 = vector.broadcast %broadcast_in_dim3A_15 : vector<512x1xf32> to vector<512x64xf32>
    %eq3A_17 = arith.cmpf oeq, %div3A_12, %eq3A_16 : vector<512x64xf32>
    %jit3A = arith.constant 64 : i32
    %broadcast_in_dim3A_18 = vector.broadcast %jit3A : i32 to vector<512x64xi32>
    %select_n3A = arith.select %eq3A_17, %iota3A, %broadcast_in_dim3A_18 : vector<512x64xi1>, vector<512x64xi32>
    %reduce_min3A = arith.constant dense<2147483647> : vector<512xi32>
    %reduce_min3A_19 = vector.multi_reduction <minsi>, %select_n3A, %reduce_min3A [1] : vector<512x64xi32> to vector<512xi32>
    %broadcast_in_dim3A_20 = vector.shape_cast %reduce_min3A_19 : vector<512xi32> to vector<512x1xi32>
    %eq3A_21 = vector.broadcast %broadcast_in_dim3A_20 : vector<512x1xi32> to vector<512x64xi32>
    %eq3A_22 = arith.cmpi eq, %iota3A, %eq3A_21 : vector<512x64xi32>
    %convert_element_type3A_23 = arith.extui %eq3A_22 : vector<512x64xi1> to vector<512x64xi32>
    %convert_element_type3A_24 = arith.sitofp %convert_element_type3A_23 : vector<512x64xi32> to vector<512x64xf32>
    %convert_element_type3A_25 = arith.truncf %convert_element_type3A_24 : vector<512x64xf32> to vector<512x64xbf16>
    %convert_element_type3A_26 = arith.extf %convert_element_type3A_25 : vector<512x64xbf16> to vector<512x64xf32>
    %sub3A_27 = arith.constant 1.000000e+00 : f32
    %sub3A_28 = vector.broadcast %sub3A_27 : f32 to vector<512x64xf32>
    %sub3A_29 = arith.subf %sub3A_28, %convert_element_type3A_26 : vector<512x64xf32>
    %mul3A = arith.mulf %div3A_12, %sub3A_29 : vector<512x64xf32>
    %reduce_max3A_30 = arith.constant dense<0xFF800000> : vector<512xf32>
    %reduce_max3A_31 = vector.multi_reduction <maximumf>, %mul3A, %reduce_max3A_30 [1] : vector<512x64xf32> to vector<512xf32>
    %broadcast_in_dim3A_32 = vector.shape_cast %reduce_max3A_31 : vector<512xf32> to vector<512x1xf32>
    %eq3A_33 = vector.broadcast %broadcast_in_dim3A_32 : vector<512x1xf32> to vector<512x64xf32>
    %eq3A_34 = arith.cmpf oeq, %mul3A, %eq3A_33 : vector<512x64xf32>
    %jit3A_35 = arith.constant 64 : i32
    %broadcast_in_dim3A_36 = vector.broadcast %jit3A_35 : i32 to vector<512x64xi32>
    %select_n3A_37 = arith.select %eq3A_34, %iota3A, %broadcast_in_dim3A_36 : vector<512x64xi1>, vector<512x64xi32>
    %reduce_min3A_38 = arith.constant dense<2147483647> : vector<512xi32>
    %reduce_min3A_39 = vector.multi_reduction <minsi>, %select_n3A_37, %reduce_min3A_38 [1] : vector<512x64xi32> to vector<512xi32>
    %broadcast_in_dim3A_40 = vector.shape_cast %reduce_min3A_39 : vector<512xi32> to vector<512x1xi32>
    %eq3A_41 = vector.broadcast %broadcast_in_dim3A_40 : vector<512x1xi32> to vector<512x64xi32>
    %eq3A_42 = arith.cmpi eq, %iota3A, %eq3A_41 : vector<512x64xi32>
    %convert_element_type3A_43 = arith.extui %eq3A_42 : vector<512x64xi1> to vector<512x64xi32>
    %convert_element_type3A_44 = arith.sitofp %convert_element_type3A_43 : vector<512x64xi32> to vector<512x64xf32>
    %convert_element_type3A_45 = arith.truncf %convert_element_type3A_44 : vector<512x64xf32> to vector<512x64xbf16>
    %add3A = arith.addf %broadcast_in_dim3A_15, %broadcast_in_dim3A_32 : vector<512x1xf32>
    %add3A_46 = arith.constant 9.99999971E-10 : f32
    %add3A_47 = vector.broadcast %add3A_46 : f32 to vector<512x1xf32>
    %add3A_48 = arith.addf %add3A, %add3A_47 : vector<512x1xf32>
    %iota3A_49 = tpu.iota {dimensions = array<i32: 0>} : vector<512x512xi32>
    %iota3A_50 = tpu.iota {dimensions = array<i32: 1>} : vector<512x512xi32>
    %gt3A = arith.cmpi sgt, %iota3A_49, %iota3A_50 : vector<512x512xi32>
    %convert_element_type3A_51 = arith.extui %gt3A : vector<512x512xi1> to vector<512x512xi32>
    %convert_element_type3A_52 = arith.sitofp %convert_element_type3A_51 : vector<512x512xi32> to vector<512x512xf32>
    %convert_element_type3A_53 = arith.truncf %convert_element_type3A_52 : vector<512x512xf32> to vector<512x512xbf16>
    %dot_general3A_54 = arith.constant dense<0.000000e+00> : vector<512x64xf32>
    %dot_general3A_55 = tpu.matmul %convert_element_type3A_53, %convert_element_type3A_25, %dot_general3A_54 {dimension_numbers = #tpu.dot_dimension_numbers<[1], [0], [0], [1], [0, 0, 1, 1], [], []>, transpose_lhs_hint = false} : vector<512x512xbf16>, vector<512x64xbf16>, vector<512x64xf32> -> vector<512x64xf32>
    %dot_general3A_56 = arith.constant dense<0.000000e+00> : vector<512x64xf32>
    %dot_general3A_57 = tpu.matmul %convert_element_type3A_53, %convert_element_type3A_45, %dot_general3A_56 {dimension_numbers = #tpu.dot_dimension_numbers<[1], [0], [0], [1], [0, 0, 1, 1], [], []>, transpose_lhs_hint = false} : vector<512x512xbf16>, vector<512x64xbf16>, vector<512x64xf32> -> vector<512x64xf32>
    %convert_element_type3A_58 = arith.extf %convert_element_type3A_25 : vector<512x64xbf16> to vector<512x64xf32>
    %convert_element_type3A_59 = arith.extf %convert_element_type3A_45 : vector<512x64xbf16> to vector<512x64xf32>
    %get3A_60 = arith.constant 0 : index
    %get3A_61 = arith.constant 0 : index
    %get3A_62 = vector.load %arg10[%get3A_60, %get3A_61] : memref<2x64xf32, #tpu.memory_space<vmem>>, vector<1x64xf32>
    %add3A_63 = vector.broadcast %get3A_62 : vector<1x64xf32> to vector<512x64xf32>
    %add3A_64 = arith.addf %dot_general3A_55, %add3A_63 : vector<512x64xf32>
    %mul3A_65 = arith.mulf %add3A_64, %convert_element_type3A_58 : vector<512x64xf32>
    %reduce_sum3A_66 = arith.constant dense<0.000000e+00> : vector<512xf32>
    %reduce_sum3A_67 = vector.multi_reduction <add>, %mul3A_65, %reduce_sum3A_66 [1] : vector<512x64xf32> to vector<512xf32>
    %broadcast_in_dim3A_68 = vector.shape_cast %reduce_sum3A_67 : vector<512xf32> to vector<512x1xf32>
    %get3A_69 = arith.constant 1 : index
    %get3A_70 = arith.constant 0 : index
    %get3A_71 = vector.load %arg10[%get3A_69, %get3A_70] : memref<2x64xf32, #tpu.memory_space<vmem>>, vector<1x64xf32>
    %add3A_72 = vector.broadcast %get3A_71 : vector<1x64xf32> to vector<512x64xf32>
    %add3A_73 = arith.addf %dot_general3A_57, %add3A_72 : vector<512x64xf32>
    %mul3A_74 = arith.mulf %add3A_73, %convert_element_type3A_59 : vector<512x64xf32>
    %reduce_sum3A_75 = arith.constant dense<0.000000e+00> : vector<512xf32>
    %reduce_sum3A_76 = vector.multi_reduction <add>, %mul3A_74, %reduce_sum3A_75 [1] : vector<512x64xf32> to vector<512xf32>
    %broadcast_in_dim3A_77 = vector.shape_cast %reduce_sum3A_76 : vector<512xf32> to vector<512x1xf32>
    %get3A_78 = arith.constant 0 : index
    %get3A_79 = arith.constant 0 : index
    %get3A_80 = vector.load %arg10[%get3A_78, %get3A_79] : memref<2x64xf32, #tpu.memory_space<vmem>>, vector<1x64xf32>
    %reduce_sum3A_81 = arith.constant dense<0.000000e+00> : vector<64xf32>
    %reduce_sum3A_82 = vector.multi_reduction <add>, %convert_element_type3A_58, %reduce_sum3A_81 [0] : vector<512x64xf32> to vector<64xf32>
    %broadcast_in_dim3A_83 = vector.shape_cast %reduce_sum3A_82 : vector<64xf32> to vector<1x64xf32>
    %add3A_84 = arith.addf %get3A_80, %broadcast_in_dim3A_83 : vector<1x64xf32>
    %swap3A = arith.constant 0 : index
    %swap3A_85 = arith.constant 0 : index
    %swap3A_86 = vector.load %arg10[%swap3A, %swap3A_85] : memref<2x64xf32, #tpu.memory_space<vmem>>, vector<1x64xf32>
    tpu.vector_store %arg10[%swap3A, %swap3A_85], %add3A_84 {strides = array<i32>} : memref<2x64xf32, #tpu.memory_space<vmem>>, vector<1x64xf32>,
    %get3A_87 = arith.constant 1 : index
    %get3A_88 = arith.constant 0 : index
    %get3A_89 = vector.load %arg10[%get3A_87, %get3A_88] : memref<2x64xf32, #tpu.memory_space<vmem>>, vector<1x64xf32>
    %reduce_sum3A_90 = arith.constant dense<0.000000e+00> : vector<64xf32>
    %reduce_sum3A_91 = vector.multi_reduction <add>, %convert_element_type3A_59, %reduce_sum3A_90 [0] : vector<512x64xf32> to vector<64xf32>
    %broadcast_in_dim3A_92 = vector.shape_cast %reduce_sum3A_91 : vector<64xf32> to vector<1x64xf32>
    %add3A_93 = arith.addf %get3A_89, %broadcast_in_dim3A_92 : vector<1x64xf32>
    %swap3A_94 = arith.constant 1 : index
    %swap3A_95 = arith.constant 0 : index
    %swap3A_96 = vector.load %arg10[%swap3A_94, %swap3A_95] : memref<2x64xf32, #tpu.memory_space<vmem>>, vector<1x64xf32>
    tpu.vector_store %arg10[%swap3A_94, %swap3A_95], %add3A_93 {strides = array<i32>} : memref<2x64xf32, #tpu.memory_space<vmem>>, vector<1x64xf32>,
    %get3A_97 = arith.constant 0 : index
    %get3A_98 = arith.constant 0 : index
    %get3A_99 = vector.load %arg10[%get3A_97, %get3A_98] : memref<2x64xf32, #tpu.memory_space<vmem>>, vector<1x64xf32>
    %swap3A_100 = arith.constant 0 : index
    %swap3A_101 = arith.constant 0 : index
    %swap3A_102 = vector.load %arg9[%swap3A_100, %swap3A_101] : memref<1x64xf32, #tpu.memory_space<vmem>>, vector<1x64xf32>
    tpu.vector_store %arg9[%swap3A_100, %swap3A_101], %get3A_99 {strides = array<i32>} : memref<1x64xf32, #tpu.memory_space<vmem>>, vector<1x64xf32>,
    %swap3A_103 = arith.constant 0 : index
    %swap3A_104 = arith.constant 0 : index
    %swap3A_105 = vector.load %arg3[%swap3A_103, %swap3A_104] : memref<512x1xi32, #tpu.memory_space<vmem>>, vector<512x1xi32>
    tpu.vector_store %arg3[%swap3A_103, %swap3A_104], %broadcast_in_dim3A_20 {strides = array<i32>} : memref<512x1xi32, #tpu.memory_space<vmem>>, vector<512x1xi32>,
    %swap3A_106 = arith.constant 0 : index
    %swap3A_107 = arith.constant 0 : index
    %swap3A_108 = vector.load %arg4[%swap3A_106, %swap3A_107] : memref<512x1xi32, #tpu.memory_space<vmem>>, vector<512x1xi32>
    tpu.vector_store %arg4[%swap3A_106, %swap3A_107], %broadcast_in_dim3A_40 {strides = array<i32>} : memref<512x1xi32, #tpu.memory_space<vmem>>, vector<512x1xi32>,
    %div3A_109 = arith.divf %broadcast_in_dim3A_15, %add3A_48 : vector<512x1xf32>
    %swap3A_110 = arith.constant 0 : index
    %swap3A_111 = arith.constant 0 : index
    %swap3A_112 = vector.load %arg5[%swap3A_110, %swap3A_111] : memref<512x1xf32, #tpu.memory_space<vmem>>, vector<512x1xf32>
    tpu.vector_store %arg5[%swap3A_110, %swap3A_111], %div3A_109 {strides = array<i32>} : memref<512x1xf32, #tpu.memory_space<vmem>>, vector<512x1xf32>,
    %div3A_113 = arith.divf %broadcast_in_dim3A_32, %add3A_48 : vector<512x1xf32>
    %swap3A_114 = arith.constant 0 : index
    %swap3A_115 = arith.constant 0 : index
    %swap3A_116 = vector.load %arg6[%swap3A_114, %swap3A_115] : memref<512x1xf32, #tpu.memory_space<vmem>>, vector<512x1xf32>
    tpu.vector_store %arg6[%swap3A_114, %swap3A_115], %div3A_113 {strides = array<i32>} : memref<512x1xf32, #tpu.memory_space<vmem>>, vector<512x1xf32>,
    %swap3A_117 = arith.constant 0 : index
    %swap3A_118 = arith.constant 0 : index
    %swap3A_119 = vector.load %arg7[%swap3A_117, %swap3A_118] : memref<512x1xf32, #tpu.memory_space<vmem>>, vector<512x1xf32>
    tpu.vector_store %arg7[%swap3A_117, %swap3A_118], %broadcast_in_dim3A_68 {strides = array<i32>} : memref<512x1xf32, #tpu.memory_space<vmem>>, vector<512x1xf32>,
    %swap3A_120 = arith.constant 0 : index
    %swap3A_121 = arith.constant 0 : index
    %swap3A_122 = vector.load %arg8[%swap3A_120, %swap3A_121] : memref<512x1xf32, #tpu.memory_space<vmem>>, vector<512x1xf32>
    tpu.vector_store %arg8[%swap3A_120, %swap3A_121], %broadcast_in_dim3A_77 {strides = array<i32>} : memref<512x1xf32, #tpu.memory_space<vmem>>, vector<512x1xf32>,
    return
  }
  func.func @transform_0(%arg0: i32) -> (i32, i32) {
    %c0_i32 = arith.constant 0 : i32
    %c0_i32_0 = arith.constant 0 : i32
    return %arg0, %c0_i32 : i32, i32
  }
  func.func @transform_1(%arg0: i32) -> (i32, i32) {
    %c0_i32 = arith.constant 0 : i32
    %c0_i32_0 = arith.constant 0 : i32
    %c0_i32_1 = arith.constant 0 : i32
    return %c0_i32, %c0_i32_0 : i32, i32
  }
  func.func @transform_2(%arg0: i32) -> (i32, i32) {
    %c0_i32 = arith.constant 0 : i32
    %c0_i32_0 = arith.constant 0 : i32
    return %arg0, %c0_i32 : i32, i32
  }
  func.func @transform_3(%arg0: i32) -> (i32, i32) {
    %c0_i32 = arith.constant 0 : i32
    %c0_i32_0 = arith.constant 0 : i32
    return %arg0, %c0_i32 : i32, i32
  }
  func.func @transform_4(%arg0: i32) -> (i32, i32) {
    %c0_i32 = arith.constant 0 : i32
    %c0_i32_0 = arith.constant 0 : i32
    return %arg0, %c0_i32 : i32, i32
  }
  func.func @transform_5(%arg0: i32) -> (i32, i32) {
    %c0_i32 = arith.constant 0 : i32
    %c0_i32_0 = arith.constant 0 : i32
    return %arg0, %c0_i32 : i32, i32
  }
  func.func @transform_6(%arg0: i32) -> (i32, i32) {
    %c0_i32 = arith.constant 0 : i32
    %c0_i32_0 = arith.constant 0 : i32
    return %arg0, %c0_i32 : i32, i32
  }
  func.func @transform_7(%arg0: i32) -> (i32, i32) {
    %c0_i32 = arith.constant 0 : i32
    %c0_i32_0 = arith.constant 0 : i32
    return %arg0, %c0_i32 : i32, i32
  }
  func.func @transform_8(%arg0: i32) -> (i32, i32) {
    %c0_i32 = arith.constant 0 : i32
    %c0_i32_0 = arith.constant 0 : i32
    %c0_i32_1 = arith.constant 0 : i32
    return %c0_i32, %c0_i32_0 : i32, i32
  }
}

module attributes {stable_mosaic.version = 14 : i64} {
  func.func @_route_b_body(%arg0: memref<4096x1xi32, #tpu.memory_space<vmem>>, %arg1: memref<4096x1xi32, #tpu.memory_space<vmem>>, %arg2: memref<4096x1xf32, #tpu.memory_space<vmem>>, %arg3: memref<4096x1xf32, #tpu.memory_space<vmem>>, %arg4: memref<4096x1xf32, #tpu.memory_space<vmem>>, %arg5: memref<4096x1xf32, #tpu.memory_space<vmem>>, %arg6: memref<1x64xf32, #tpu.memory_space<vmem>>, %arg7: memref<8192x2xi32, #tpu.memory_space<vmem>>, %arg8: memref<8192x2xi32, #tpu.memory_space<vmem>>, %arg9: memref<4096x1xf32, #tpu.memory_space<vmem>>, %arg10: memref<4096x1xf32, #tpu.memory_space<vmem>>) attributes {dimension_semantics = [], scalar_prefetch = 0 : i64, scratch_operands = 0 : i64, tpu.core_type = #tpu.core_type<tc>} {
    %get3A = arith.constant 0 : index
    %get3A_0 = arith.constant 0 : index
    %get3A_1 = vector.load %arg0[%get3A, %get3A_0] : memref<4096x1xi32, #tpu.memory_space<vmem>>, vector<4096x1xi32>
    %get3A_2 = arith.constant 0 : index
    %get3A_3 = arith.constant 0 : index
    %get3A_4 = vector.load %arg1[%get3A_2, %get3A_3] : memref<4096x1xi32, #tpu.memory_space<vmem>>, vector<4096x1xi32>
    %get3A_5 = arith.constant 0 : index
    %get3A_6 = arith.constant 0 : index
    %get3A_7 = vector.load %arg4[%get3A_5, %get3A_6] : memref<4096x1xf32, #tpu.memory_space<vmem>>, vector<4096x1xf32>
    %iota3A = tpu.iota {dimensions = array<i32: 0>} : vector<4096x1xi32>
    %lt3A = arith.constant 1.280000e+02 : f32
    %lt3A_8 = vector.broadcast %lt3A : f32 to vector<4096x1xf32>
    %lt3A_9 = arith.cmpf olt, %get3A_7, %lt3A_8 : vector<4096x1xf32>
    %mul3A = arith.constant 128 : i32
    %mul3A_10 = vector.broadcast %mul3A : i32 to vector<4096x1xi32>
    %mul3A_11 = arith.muli %get3A_1, %mul3A_10 : vector<4096x1xi32>
    %convert_element_type3A = arith.fptosi %get3A_7 : vector<4096x1xf32> to vector<4096x1xi32>
    %add3A = arith.addi %mul3A_11, %convert_element_type3A : vector<4096x1xi32>
    %add3A_12 = arith.constant 8192 : i32
    %add3A_13 = vector.broadcast %add3A_12 : i32 to vector<4096x1xi32>
    %add3A_14 = arith.addi %add3A_13, %iota3A : vector<4096x1xi32>
    %select_n3A = arith.select %lt3A_9, %add3A, %add3A_14 : vector<4096x1xi1>, vector<4096x1xi32>
    %jit3A = arith.constant 0 : i32
    %broadcast_in_dim3A = vector.broadcast %jit3A : i32 to vector<4096x1xi32>
    %select_n3A_15 = arith.select %lt3A_9, %add3A, %broadcast_in_dim3A : vector<4096x1xi1>, vector<4096x1xi32>
    %get3A_16 = arith.constant 0 : index
    %get3A_17 = arith.constant 0 : index
    %get3A_18 = vector.load %arg2[%get3A_16, %get3A_17] : memref<4096x1xf32, #tpu.memory_space<vmem>>, vector<4096x1xf32>
    %jit3A_19 = arith.constant 0.000000e+00 : f32
    %broadcast_in_dim3A_20 = vector.broadcast %jit3A_19 : f32 to vector<4096x1xf32>
    %select_n3A_21 = arith.select %lt3A_9, %get3A_18, %broadcast_in_dim3A_20 : vector<4096x1xi1>, vector<4096x1xf32>
    %swap3A = arith.constant 0 : index
    %swap3A_22 = arith.constant 0 : index
    %swap3A_23 = vector.load %arg9[%swap3A, %swap3A_22] : memref<4096x1xf32, #tpu.memory_space<vmem>>, vector<4096x1xf32>
    tpu.vector_store %arg9[%swap3A, %swap3A_22], %select_n3A_21 {strides = array<i32>} : memref<4096x1xf32, #tpu.memory_space<vmem>>, vector<4096x1xf32>,
    %iota3A_24 = tpu.iota {dimensions = array<i32: 1>} : vector<4096x64xi32>
    %eq3A = vector.broadcast %get3A_4 : vector<4096x1xi32> to vector<4096x64xi32>
    %eq3A_25 = arith.cmpi eq, %iota3A_24, %eq3A : vector<4096x64xi32>
    %get3A_26 = arith.constant 0 : index
    %get3A_27 = arith.constant 0 : index
    %get3A_28 = vector.load %arg6[%get3A_26, %get3A_27] : memref<1x64xf32, #tpu.memory_space<vmem>>, vector<1x64xf32>
    %jit3A_29 = arith.constant 0.000000e+00 : f32
    %broadcast_in_dim3A_30 = vector.shape_cast %get3A_28 : vector<1x64xf32> to vector<1x64xf32>
    %broadcast_in_dim3A_31 = vector.broadcast %broadcast_in_dim3A_30 : vector<1x64xf32> to vector<4096x64xf32>
    %broadcast_in_dim3A_32 = vector.broadcast %jit3A_29 : f32 to vector<4096x64xf32>
    %select_n3A_33 = arith.select %eq3A_25, %broadcast_in_dim3A_31, %broadcast_in_dim3A_32 : vector<4096x64xi1>, vector<4096x64xf32>
    %reduce_sum3A = arith.constant dense<0.000000e+00> : vector<4096xf32>
    %reduce_sum3A_34 = vector.multi_reduction <add>, %select_n3A_33, %reduce_sum3A [1] : vector<4096x64xf32> to vector<4096xf32>
    %broadcast_in_dim3A_35 = vector.shape_cast %reduce_sum3A_34 : vector<4096xf32> to vector<4096x1xf32>
    %get3A_36 = arith.constant 0 : index
    %get3A_37 = arith.constant 0 : index
    %get3A_38 = vector.load %arg5[%get3A_36, %get3A_37] : memref<4096x1xf32, #tpu.memory_space<vmem>>, vector<4096x1xf32>
    %add3A_39 = arith.addf %get3A_38, %broadcast_in_dim3A_35 : vector<4096x1xf32>
    %lt3A_40 = arith.constant 1.280000e+02 : f32
    %lt3A_41 = vector.broadcast %lt3A_40 : f32 to vector<4096x1xf32>
    %lt3A_42 = arith.cmpf olt, %add3A_39, %lt3A_41 : vector<4096x1xf32>
    %mul3A_43 = arith.constant 128 : i32
    %mul3A_44 = vector.broadcast %mul3A_43 : i32 to vector<4096x1xi32>
    %mul3A_45 = arith.muli %get3A_4, %mul3A_44 : vector<4096x1xi32>
    %convert_element_type3A_46 = arith.fptosi %add3A_39 : vector<4096x1xf32> to vector<4096x1xi32>
    %add3A_47 = arith.addi %mul3A_45, %convert_element_type3A_46 : vector<4096x1xi32>
    %add3A_48 = arith.constant 12288 : i32
    %add3A_49 = vector.broadcast %add3A_48 : i32 to vector<4096x1xi32>
    %add3A_50 = arith.addi %add3A_49, %iota3A : vector<4096x1xi32>
    %select_n3A_51 = arith.select %lt3A_42, %add3A_47, %add3A_50 : vector<4096x1xi1>, vector<4096x1xi32>
    %jit3A_52 = arith.constant 0 : i32
    %broadcast_in_dim3A_53 = vector.broadcast %jit3A_52 : i32 to vector<4096x1xi32>
    %select_n3A_54 = arith.select %lt3A_42, %add3A_47, %broadcast_in_dim3A_53 : vector<4096x1xi1>, vector<4096x1xi32>
    %get3A_55 = arith.constant 0 : index
    %get3A_56 = arith.constant 0 : index
    %get3A_57 = vector.load %arg3[%get3A_55, %get3A_56] : memref<4096x1xf32, #tpu.memory_space<vmem>>, vector<4096x1xf32>
    %jit3A_58 = arith.constant 0.000000e+00 : f32
    %broadcast_in_dim3A_59 = vector.broadcast %jit3A_58 : f32 to vector<4096x1xf32>
    %select_n3A_60 = arith.select %lt3A_42, %get3A_57, %broadcast_in_dim3A_59 : vector<4096x1xi1>, vector<4096x1xf32>
    %swap3A_61 = arith.constant 0 : index
    %swap3A_62 = arith.constant 0 : index
    %swap3A_63 = vector.load %arg10[%swap3A_61, %swap3A_62] : memref<4096x1xf32, #tpu.memory_space<vmem>>, vector<4096x1xf32>
    tpu.vector_store %arg10[%swap3A_61, %swap3A_62], %select_n3A_60 {strides = array<i32>} : memref<4096x1xf32, #tpu.memory_space<vmem>>, vector<4096x1xf32>,
    %concatenate3A = tpu.concatenate %select_n3A, %select_n3A_51 in 0 : vector<4096x1xi32>, vector<4096x1xi32> -> vector<8192x1xi32>
    %concatenate3A_64 = tpu.concatenate %select_n3A_15, %select_n3A_54 in 0 : vector<4096x1xi32>, vector<4096x1xi32> -> vector<8192x1xi32>
    %mul3A_65 = arith.constant 2 : i32
    %mul3A_66 = vector.broadcast %mul3A_65 : i32 to vector<8192x1xi32>
    %mul3A_67 = arith.muli %mul3A_66, %concatenate3A : vector<8192x1xi32>
    %mul3A_68 = arith.constant 2 : i32
    %mul3A_69 = vector.broadcast %mul3A_68 : i32 to vector<8192x1xi32>
    %mul3A_70 = arith.muli %mul3A_69, %concatenate3A : vector<8192x1xi32>
    %add3A_71 = arith.constant 1 : i32
    %add3A_72 = vector.broadcast %add3A_71 : i32 to vector<8192x1xi32>
    %add3A_73 = arith.addi %mul3A_70, %add3A_72 : vector<8192x1xi32>
    %concatenate3A_74 = tpu.concatenate %mul3A_67, %add3A_73 in 1 : vector<8192x1xi32>, vector<8192x1xi32> -> vector<8192x2xi32>
    %swap3A_75 = arith.constant 0 : index
    %swap3A_76 = arith.constant 0 : index
    %swap3A_77 = vector.load %arg7[%swap3A_75, %swap3A_76] : memref<8192x2xi32, #tpu.memory_space<vmem>>, vector<8192x2xi32>
    tpu.vector_store %arg7[%swap3A_75, %swap3A_76], %concatenate3A_74 {strides = array<i32>} : memref<8192x2xi32, #tpu.memory_space<vmem>>, vector<8192x2xi32>,
    %mul3A_78 = arith.constant 2 : i32
    %mul3A_79 = vector.broadcast %mul3A_78 : i32 to vector<8192x1xi32>
    %mul3A_80 = arith.muli %mul3A_79, %concatenate3A_64 : vector<8192x1xi32>
    %mul3A_81 = arith.constant 2 : i32
    %mul3A_82 = vector.broadcast %mul3A_81 : i32 to vector<8192x1xi32>
    %mul3A_83 = arith.muli %mul3A_82, %concatenate3A_64 : vector<8192x1xi32>
    %add3A_84 = arith.constant 1 : i32
    %add3A_85 = vector.broadcast %add3A_84 : i32 to vector<8192x1xi32>
    %add3A_86 = arith.addi %mul3A_83, %add3A_85 : vector<8192x1xi32>
    %concatenate3A_87 = tpu.concatenate %mul3A_80, %add3A_86 in 1 : vector<8192x1xi32>, vector<8192x1xi32> -> vector<8192x2xi32>
    %swap3A_88 = arith.constant 0 : index
    %swap3A_89 = arith.constant 0 : index
    %swap3A_90 = vector.load %arg8[%swap3A_88, %swap3A_89] : memref<8192x2xi32, #tpu.memory_space<vmem>>, vector<8192x2xi32>
    tpu.vector_store %arg8[%swap3A_88, %swap3A_89], %concatenate3A_87 {strides = array<i32>} : memref<8192x2xi32, #tpu.memory_space<vmem>>, vector<8192x2xi32>,
    return
  }
}

module attributes {stable_mosaic.version = 14 : i64} {
  func.func @_ffn_body(%arg0: i32, %arg1: memref<128x768xf32, #tpu.memory_space<vmem>>, %arg2: memref<1x768x2048xf32, #tpu.memory_space<vmem>>, %arg3: memref<1x1x2048xf32, #tpu.memory_space<vmem>>, %arg4: memref<1x2048x768xf32, #tpu.memory_space<vmem>>, %arg5: memref<1x1x768xf32, #tpu.memory_space<vmem>>, %arg6: memref<128x768xf32, #tpu.memory_space<vmem>>) attributes {dimension_semantics = [#tpu.dimension_semantics<arbitrary>], iteration_bounds = array<i64: 64>, scalar_prefetch = 0 : i64, scratch_operands = 0 : i64, tpu.core_type = #tpu.core_type<tc>, window_params = [{transform_indices = @transform_0, window_bounds = array<i64: 128, 768>}, {transform_indices = @transform_1, window_bounds = array<i64: 1, 768, 2048>}, {transform_indices = @transform_2, window_bounds = array<i64: 1, 1, 2048>}, {transform_indices = @transform_3, window_bounds = array<i64: 1, 2048, 768>}, {transform_indices = @transform_4, window_bounds = array<i64: 1, 1, 768>}, {transform_indices = @transform_5, window_bounds = array<i64: 128, 768>}]} {
    %get3A = arith.constant 0 : index
    %get3A_0 = arith.constant 0 : index
    %get3A_1 = vector.load %arg1[%get3A, %get3A_0] : memref<128x768xf32, #tpu.memory_space<vmem>>, vector<128x768xf32>
    %convert_element_type3A = arith.truncf %get3A_1 : vector<128x768xf32> to vector<128x768xbf16>
    %get3A_2 = arith.constant 0 : index
    %get3A_3 = arith.constant 0 : index
    %get3A_4 = arith.constant 0 : index
    %get3A_5 = vector.load %arg2[%get3A_2, %get3A_3, %get3A_4] : memref<1x768x2048xf32, #tpu.memory_space<vmem>>, vector<1x768x2048xf32>
    %get3A_6 = vector.shape_cast %get3A_5 : vector<1x768x2048xf32> to vector<768x2048xf32>
    %convert_element_type3A_7 = arith.truncf %get3A_6 : vector<768x2048xf32> to vector<768x2048xbf16>
    %dot_general3A = arith.constant dense<0.000000e+00> : vector<128x2048xf32>
    %dot_general3A_8 = tpu.matmul %convert_element_type3A, %convert_element_type3A_7, %dot_general3A {dimension_numbers = #tpu.dot_dimension_numbers<[1], [0], [0], [1], [0, 0, 1, 1], [], []>, transpose_lhs_hint = false} : vector<128x768xbf16>, vector<768x2048xbf16>, vector<128x2048xf32> -> vector<128x2048xf32>
    %get3A_9 = arith.constant 0 : index
    %get3A_10 = arith.constant 0 : index
    %get3A_11 = arith.constant 0 : index
    %get3A_12 = vector.load %arg3[%get3A_9, %get3A_10, %get3A_11] : memref<1x1x2048xf32, #tpu.memory_space<vmem>>, vector<1x1x2048xf32>
    %get3A_13 = vector.shape_cast %get3A_12 : vector<1x1x2048xf32> to vector<1x2048xf32>
    %add3A = vector.broadcast %get3A_13 : vector<1x2048xf32> to vector<128x2048xf32>
    %add3A_14 = arith.addf %dot_general3A_8, %add3A : vector<128x2048xf32>
    %max3A = arith.constant 0.000000e+00 : f32
    %max3A_15 = vector.broadcast %max3A : f32 to vector<128x2048xf32>
    %max3A_16 = arith.maximumf %add3A_14, %max3A_15 : vector<128x2048xf32>
    %convert_element_type3A_17 = arith.truncf %max3A_16 : vector<128x2048xf32> to vector<128x2048xbf16>
    %get3A_18 = arith.constant 0 : index
    %get3A_19 = arith.constant 0 : index
    %get3A_20 = arith.constant 0 : index
    %get3A_21 = vector.load %arg4[%get3A_18, %get3A_19, %get3A_20] : memref<1x2048x768xf32, #tpu.memory_space<vmem>>, vector<1x2048x768xf32>
    %get3A_22 = vector.shape_cast %get3A_21 : vector<1x2048x768xf32> to vector<2048x768xf32>
    %convert_element_type3A_23 = arith.truncf %get3A_22 : vector<2048x768xf32> to vector<2048x768xbf16>
    %dot_general3A_24 = arith.constant dense<0.000000e+00> : vector<128x768xf32>
    %dot_general3A_25 = tpu.matmul %convert_element_type3A_17, %convert_element_type3A_23, %dot_general3A_24 {dimension_numbers = #tpu.dot_dimension_numbers<[1], [0], [0], [1], [0, 0, 1, 1], [], []>, transpose_lhs_hint = false} : vector<128x2048xbf16>, vector<2048x768xbf16>, vector<128x768xf32> -> vector<128x768xf32>
    %get3A_26 = arith.constant 0 : index
    %get3A_27 = arith.constant 0 : index
    %get3A_28 = arith.constant 0 : index
    %get3A_29 = vector.load %arg5[%get3A_26, %get3A_27, %get3A_28] : memref<1x1x768xf32, #tpu.memory_space<vmem>>, vector<1x1x768xf32>
    %get3A_30 = vector.shape_cast %get3A_29 : vector<1x1x768xf32> to vector<1x768xf32>
    %add3A_31 = vector.broadcast %get3A_30 : vector<1x768xf32> to vector<128x768xf32>
    %add3A_32 = arith.addf %dot_general3A_25, %add3A_31 : vector<128x768xf32>
    %swap3A = arith.constant 0 : index
    %swap3A_33 = arith.constant 0 : index
    %swap3A_34 = vector.load %arg6[%swap3A, %swap3A_33] : memref<128x768xf32, #tpu.memory_space<vmem>>, vector<128x768xf32>
    tpu.vector_store %arg6[%swap3A, %swap3A_33], %add3A_32 {strides = array<i32>} : memref<128x768xf32, #tpu.memory_space<vmem>>, vector<128x768xf32>,
    return
  }
  func.func @transform_0(%arg0: i32) -> (i32, i32) {
    %c0_i32 = arith.constant 0 : i32
    %c0_i32_0 = arith.constant 0 : i32
    return %arg0, %c0_i32 : i32, i32
  }
  func.func @transform_1(%arg0: i32) -> (i32, i32, i32) {
    %c0_i32 = arith.constant 0 : i32
    %c0_i32_0 = arith.constant 0 : i32
    %c0_i32_1 = arith.constant 0 : i32
    return %arg0, %c0_i32, %c0_i32_0 : i32, i32, i32
  }
  func.func @transform_2(%arg0: i32) -> (i32, i32, i32) {
    %c0_i32 = arith.constant 0 : i32
    %c0_i32_0 = arith.constant 0 : i32
    %c0_i32_1 = arith.constant 0 : i32
    return %arg0, %c0_i32, %c0_i32_0 : i32, i32, i32
  }
  func.func @transform_3(%arg0: i32) -> (i32, i32, i32) {
    %c0_i32 = arith.constant 0 : i32
    %c0_i32_0 = arith.constant 0 : i32
    %c0_i32_1 = arith.constant 0 : i32
    return %arg0, %c0_i32, %c0_i32_0 : i32, i32, i32
  }
  func.func @transform_4(%arg0: i32) -> (i32, i32, i32) {
    %c0_i32 = arith.constant 0 : i32
    %c0_i32_0 = arith.constant 0 : i32
    %c0_i32_1 = arith.constant 0 : i32
    return %arg0, %c0_i32, %c0_i32_0 : i32, i32, i32
  }
  func.func @transform_5(%arg0: i32) -> (i32, i32) {
    %c0_i32 = arith.constant 0 : i32
    %c0_i32_0 = arith.constant 0 : i32
    return %arg0, %c0_i32 : i32, i32
  }
}

module attributes {stable_mosaic.version = 14 : i64} {
  func.func @_final_body(%arg0: i32, %arg1: memref<512x768xf32, #tpu.memory_space<vmem>>, %arg2: memref<512x768xf32, #tpu.memory_space<vmem>>, %arg3: memref<512x768xf32, #tpu.memory_space<vmem>>, %arg4: memref<512x1xf32, #tpu.memory_space<vmem>>, %arg5: memref<512x1xf32, #tpu.memory_space<vmem>>, %arg6: memref<1x768xf32, #tpu.memory_space<vmem>>, %arg7: memref<1x768xf32, #tpu.memory_space<vmem>>, %arg8: memref<512x768xf32, #tpu.memory_space<vmem>>) attributes {dimension_semantics = [#tpu.dimension_semantics<arbitrary>], iteration_bounds = array<i64: 8>, scalar_prefetch = 0 : i64, scratch_operands = 0 : i64, tpu.core_type = #tpu.core_type<tc>, window_params = [{transform_indices = @transform_0, window_bounds = array<i64: 512, 768>}, {transform_indices = @transform_1, window_bounds = array<i64: 512, 768>}, {transform_indices = @transform_2, window_bounds = array<i64: 512, 768>}, {transform_indices = @transform_3, window_bounds = array<i64: 512, 1>}, {transform_indices = @transform_4, window_bounds = array<i64: 512, 1>}, {pipeline_mode = #tpu.pipeline_mode<synchronous>, transform_indices = @transform_5, window_bounds = array<i64: 1, 768>}, {pipeline_mode = #tpu.pipeline_mode<synchronous>, transform_indices = @transform_6, window_bounds = array<i64: 1, 768>}, {transform_indices = @transform_7, window_bounds = array<i64: 512, 768>}]} {
    %get3A = arith.constant 0 : index
    %get3A_0 = arith.constant 0 : index
    %get3A_1 = vector.load %arg4[%get3A, %get3A_0] : memref<512x1xf32, #tpu.memory_space<vmem>>, vector<512x1xf32>
    %get3A_2 = arith.constant 0 : index
    %get3A_3 = arith.constant 0 : index
    %get3A_4 = vector.load %arg5[%get3A_2, %get3A_3] : memref<512x1xf32, #tpu.memory_space<vmem>>, vector<512x1xf32>
    %gt3A = arith.constant 0.000000e+00 : f32
    %gt3A_5 = vector.broadcast %gt3A : f32 to vector<512x1xf32>
    %gt3A_6 = arith.cmpf ogt, %get3A_1, %gt3A_5 : vector<512x1xf32>
    %get3A_7 = arith.constant 0 : index
    %get3A_8 = arith.constant 0 : index
    %get3A_9 = vector.load %arg2[%get3A_7, %get3A_8] : memref<512x768xf32, #tpu.memory_space<vmem>>, vector<512x768xf32>
    %mul3A = vector.broadcast %get3A_1 : vector<512x1xf32> to vector<512x768xf32>
    %mul3A_10 = arith.mulf %mul3A, %get3A_9 : vector<512x768xf32>
    %jit3A = arith.constant 0.000000e+00 : f32
    %broadcast_in_dim3A = vector.shape_cast %gt3A_6 : vector<512x1xi1> to vector<512x1xi1>
    %broadcast_in_dim3A_11 = vector.broadcast %broadcast_in_dim3A : vector<512x1xi1> to vector<512x768xi1>
    %broadcast_in_dim3A_12 = vector.broadcast %jit3A : f32 to vector<512x768xf32>
    %select_n3A = arith.select %broadcast_in_dim3A_11, %mul3A_10, %broadcast_in_dim3A_12 : vector<512x768xi1>, vector<512x768xf32>
    %gt3A_13 = arith.constant 0.000000e+00 : f32
    %gt3A_14 = vector.broadcast %gt3A_13 : f32 to vector<512x1xf32>
    %gt3A_15 = arith.cmpf ogt, %get3A_4, %gt3A_14 : vector<512x1xf32>
    %get3A_16 = arith.constant 0 : index
    %get3A_17 = arith.constant 0 : index
    %get3A_18 = vector.load %arg3[%get3A_16, %get3A_17] : memref<512x768xf32, #tpu.memory_space<vmem>>, vector<512x768xf32>
    %mul3A_19 = vector.broadcast %get3A_4 : vector<512x1xf32> to vector<512x768xf32>
    %mul3A_20 = arith.mulf %mul3A_19, %get3A_18 : vector<512x768xf32>
    %jit3A_21 = arith.constant 0.000000e+00 : f32
    %broadcast_in_dim3A_22 = vector.shape_cast %gt3A_15 : vector<512x1xi1> to vector<512x1xi1>
    %broadcast_in_dim3A_23 = vector.broadcast %broadcast_in_dim3A_22 : vector<512x1xi1> to vector<512x768xi1>
    %broadcast_in_dim3A_24 = vector.broadcast %jit3A_21 : f32 to vector<512x768xf32>
    %select_n3A_25 = arith.select %broadcast_in_dim3A_23, %mul3A_20, %broadcast_in_dim3A_24 : vector<512x768xi1>, vector<512x768xf32>
    %add3A = arith.addf %select_n3A, %select_n3A_25 : vector<512x768xf32>
    %get3A_26 = arith.constant 0 : index
    %get3A_27 = arith.constant 0 : index
    %get3A_28 = vector.load %arg1[%get3A_26, %get3A_27] : memref<512x768xf32, #tpu.memory_space<vmem>>, vector<512x768xf32>
    %add3A_29 = arith.addf %get3A_28, %add3A : vector<512x768xf32>
    %reduce_sum3A = arith.constant dense<0.000000e+00> : vector<512xf32>
    %reduce_sum3A_30 = vector.multi_reduction <add>, %add3A_29, %reduce_sum3A [1] : vector<512x768xf32> to vector<512xf32>
    %broadcast_in_dim3A_31 = vector.shape_cast %reduce_sum3A_30 : vector<512xf32> to vector<512x1xf32>
    %div3A = arith.constant 7.680000e+02 : f32
    %div3A_32 = vector.broadcast %div3A : f32 to vector<512x1xf32>
    %div3A_33 = arith.divf %broadcast_in_dim3A_31, %div3A_32 : vector<512x1xf32>
    %sub3A = vector.broadcast %div3A_33 : vector<512x1xf32> to vector<512x768xf32>
    %sub3A_34 = arith.subf %add3A_29, %sub3A : vector<512x768xf32>
    %mul3A_35 = arith.mulf %sub3A_34, %sub3A_34 : vector<512x768xf32>
    %reduce_sum3A_36 = arith.constant dense<0.000000e+00> : vector<512xf32>
    %reduce_sum3A_37 = vector.multi_reduction <add>, %mul3A_35, %reduce_sum3A_36 [1] : vector<512x768xf32> to vector<512xf32>
    %broadcast_in_dim3A_38 = vector.shape_cast %reduce_sum3A_37 : vector<512xf32> to vector<512x1xf32>
    %div3A_39 = arith.constant 7.680000e+02 : f32
    %div3A_40 = vector.broadcast %div3A_39 : f32 to vector<512x1xf32>
    %div3A_41 = arith.divf %broadcast_in_dim3A_38, %div3A_40 : vector<512x1xf32>
    %add3A_42 = arith.constant 9.99999974E-6 : f32
    %add3A_43 = vector.broadcast %add3A_42 : f32 to vector<512x1xf32>
    %add3A_44 = arith.addf %div3A_41, %add3A_43 : vector<512x1xf32>
    %rsqrt3A = math.rsqrt %add3A_44 : vector<512x1xf32>
    %mul3A_45 = vector.broadcast %rsqrt3A : vector<512x1xf32> to vector<512x768xf32>
    %mul3A_46 = arith.mulf %sub3A_34, %mul3A_45 : vector<512x768xf32>
    %get3A_47 = arith.constant 0 : index
    %get3A_48 = arith.constant 0 : index
    %get3A_49 = vector.load %arg6[%get3A_47, %get3A_48] : memref<1x768xf32, #tpu.memory_space<vmem>>, vector<1x768xf32>
    %mul3A_50 = vector.broadcast %get3A_49 : vector<1x768xf32> to vector<512x768xf32>
    %mul3A_51 = arith.mulf %mul3A_46, %mul3A_50 : vector<512x768xf32>
    %get3A_52 = arith.constant 0 : index
    %get3A_53 = arith.constant 0 : index
    %get3A_54 = vector.load %arg7[%get3A_52, %get3A_53] : memref<1x768xf32, #tpu.memory_space<vmem>>, vector<1x768xf32>
    %add3A_55 = vector.broadcast %get3A_54 : vector<1x768xf32> to vector<512x768xf32>
    %add3A_56 = arith.addf %mul3A_51, %add3A_55 : vector<512x768xf32>
    %swap3A = arith.constant 0 : index
    %swap3A_57 = arith.constant 0 : index
    %swap3A_58 = vector.load %arg8[%swap3A, %swap3A_57] : memref<512x768xf32, #tpu.memory_space<vmem>>, vector<512x768xf32>
    tpu.vector_store %arg8[%swap3A, %swap3A_57], %add3A_56 {strides = array<i32>} : memref<512x768xf32, #tpu.memory_space<vmem>>, vector<512x768xf32>,
    return
  }
  func.func @transform_0(%arg0: i32) -> (i32, i32) {
    %c0_i32 = arith.constant 0 : i32
    %c0_i32_0 = arith.constant 0 : i32
    return %arg0, %c0_i32 : i32, i32
  }
  func.func @transform_1(%arg0: i32) -> (i32, i32) {
    %c0_i32 = arith.constant 0 : i32
    %c0_i32_0 = arith.constant 0 : i32
    return %arg0, %c0_i32 : i32, i32
  }
  func.func @transform_2(%arg0: i32) -> (i32, i32) {
    %add3A = arith.constant 8 : i32
    %add3A_0 = arith.addi %arg0, %add3A : i32
    %c0_i32 = arith.constant 0 : i32
    %c0_i32_1 = arith.constant 0 : i32
    return %add3A_0, %c0_i32 : i32, i32
  }
  func.func @transform_3(%arg0: i32) -> (i32, i32) {
    %c0_i32 = arith.constant 0 : i32
    %c0_i32_0 = arith.constant 0 : i32
    return %arg0, %c0_i32 : i32, i32
  }
  func.func @transform_4(%arg0: i32) -> (i32, i32) {
    %c0_i32 = arith.constant 0 : i32
    %c0_i32_0 = arith.constant 0 : i32
    return %arg0, %c0_i32 : i32, i32
  }
  func.func @transform_5(%arg0: i32) -> (i32, i32) {
    %c0_i32 = arith.constant 0 : i32
    %c0_i32_0 = arith.constant 0 : i32
    %c0_i32_1 = arith.constant 0 : i32
    return %c0_i32, %c0_i32_0 : i32, i32
  }
  func.func @transform_6(%arg0: i32) -> (i32, i32) {
    %c0_i32 = arith.constant 0 : i32
    %c0_i32_0 = arith.constant 0 : i32
    %c0_i32_1 = arith.constant 0 : i32
    return %c0_i32, %c0_i32_0 : i32, i32
  }
  func.func @transform_7(%arg0: i32) -> (i32, i32) {
    %c0_i32 = arith.constant 0 : i32
    %c0_i32_0 = arith.constant 0 : i32
    return %arg0, %c0_i32 : i32, i32
  }
}

</mosaic_0001>

<sc_bundles>
// kernel: kernel.15.cloned.1.call-start
scs
__scs_entry_jumppad:
0x0: {  	(pc) =	sbr.rel $0x88, $3  }
0x1: {  	(tag) =	ssettag $0x0;
	lr =	simm.s32 $0x1  }
0x2: {  	[smem:$0x3F8C] =	sst lr;
	_ =	strace $0xD0000000  }
0x3: {  	_ = 	snop  }
0x4: {  	_ = 	snop  }
0x5: {  	_ = 	snop  }
0x6: {  	_ = 	snop  }
0x7: {  	_ = 	snop  }
__scs_overlays_trampoline_lowered:
0x8: {  	[smem:$0x3F9B] =	sst s0  }
0x9: {  	[smem:$0x3F9C] =	sst s1  }
0xa: {  	[smem:$0x3F9D] =	sst s2  }
0xb: {  	[smem:$0x3F9E] =	sst s3  }
0xc: {  	[smem:$0x3F9F] =	sst s4  }
0xd: {  	[smem:$0x3FA0] =	sst s5  }
0xe: {  	[smem:$0x3FA1] =	sst s6  }
0xf: {  	[smem:$0x3FA2] =	sst s7  }
0x10: {  	[smem:$0x3FA3] =	sst s8  }
0x11: {  	[smem:$0x3FA4] =	sst s9;
	s0 =	simm.s32 @!p0 $0x0  }
0x12: {  	s1 =	sld [smem:$0x3F8A];
	s0 =	simm.s32 @p0 $0x1  }
0x13: {  	[smem:$0x3FA5] =	sst s0;
	s0 =	simm.s32 @!p1 $0x0  }
0x14: {  	s2 =	sld [smem:$0x3F89];
	s0 =	simm.s32 @p1 $0x1  }
0x15: {  	[smem:$0x3FA6] =	sst s0;
	s0 =	simm.s32 @!p2 $0x0  }
0x16: {  	s3 =	sld [smem:$0x3FDB];
	s0 =	simm.s32 @p2 $0x1  }
0x17: {  	s4 =	simm.s32 $0x1BF5;
	[smem:$0x3FA8] =	sst s0  }
0x18: {  	s0 =	sld [smem:$0x3F8B];
	_ =	swait.ge [sflag:s4], $0x0  }
0x19: {  	s7 =	sld [smem:$0x3F8C]  }
0x1a: {  	s8 =	sadd.s32 $0xFFFFE003, lr  }
0x1b: {  	s9 =	sadd.s32 $0xFFFFFEF7, lr;
	s5 =	simm.s32 $0xFFFFFFFF;
	p2 =	slt.u32 s8, $0xFFFFF086  }
0x1c: {  	p1 =	slt.u32 s9, $0xF7A;
	s5 =	simm.s32 @!p2 $0x0  }
0x1d: {  	s5 =	simm.s32 @p1 $0x1;
	p0 =	seq.s32 s7, s2  }
0x1e: {  	s7 =	smul.u32 @!p0 $0xF7A, s2;
	p2 =	seq.s32 @!p0 s5, $0x0  }
0x1f: {  	s9 =	smul.u32 $0xF7A, s1;
	s8 =	simm.s32 @!p0 $0x1BF5;
	p2 =	por !p2, p0  }
0x20: {  	[sflag:s8] =	ssyncset.s32 @!p0 $0xFFFFF086;
	s6 =	sadd.s32 @!p0 s3, s7;
	s7 =	simm.s32 @!p0 $0x108  }
0x21: {  	s3 =	sadd.s32 s3, s9;
	s6 =	sadd.s32 @!p0 $0x88, s6;
	s7 =	simm.s32 @p2 $0x1082  }
0x22: {  	[simem:s7], [sflag:s8] =	dma.local @!p0 [hbm:s6], $0xF7A  }
0x23: {  	s9 =	sor.u32 $0xD0000000, s2;
	s6 =	simm.s32 $0x108;
	_ =	swait.ge @!p0 [sflag:s8], $0x0  }
0x24: {  	s3 =	sadd.s32 $0x88, s3;
	s6 =	simm.s32 @!p1 $0x1082;
	[sflag:s4] =	ssyncset.s32 $0xFFFFF086  }
0x25: {  	[simem:s6], [sflag:s4] =	dma.local [hbm:s3], $0xF7A  }
0x26: {  	[smem:$0x3F8C] =	sst s1;
	(tag) =	ssettag s2;
	_ =	strace s9  }
0x27: {  	s1 =	sld [smem:$0x3F9C]  }
0x28: {  	s2 =	sld [smem:$0x3F9D]  }
0x29: {  	s4 =	sld [smem:$0x3F9F]  }
0x2a: {  	p0 =	seq.s32 s5, $0x0;
	s5 =	sld [smem:$0x3FA0]  }
0x2b: {  	s6 =	sld [smem:$0x3FA1]  }
0x2c: {  	s7 =	sld [smem:$0x3FA2]  }
0x2d: {  	s3 =	simm.s32 $0x108;
	s8 =	sld [smem:$0x3FA3]  }
0x2e: {  	s3 =	simm.s32 @!p0 $0x1082;
	s9 =	sld [smem:$0x3FA4]  }
0x2f: {  	lr =	sadd.s32 s0, s3;
	s0 =	sld [smem:$0x3F9B]  }
0x30: {  	s3 =	sld [smem:$0x3F9E]  }
0x31: {  	[smem:$0x3FA7] =	sst s10  }
0x32: {  	s10 =	sld [smem:$0x3FA5];
	_ =	sdelay $0x3  }
0x33: {  	p0 =	seq.s32 s10, $0x1;
	s10 =	sld [smem:$0x3FA7];
	_ =	sdelay $0x3  }
0x34: {  	[smem:$0x3FA7] =	sst s10  }
0x35: {  	s10 =	sld [smem:$0x3FA6];
	_ =	sdelay $0x3  }
0x36: {  	p1 =	seq.s32 s10, $0x1;
	s10 =	sld [smem:$0x3FA7];
	_ =	sdelay $0x3  }
0x37: {  	[smem:$0x3FA7] =	sst s10  }
0x38: {  	s10 =	sld [smem:$0x3FA8]  }
0x39: {  	_ = 	snop;
	(pc) =	sbr.ind lr, $3  }
0x3a: {  	_ = 	snop  }
0x3b: {  	_ = 	snop  }
0x3c: {  	p2 =	seq.s32 s10, $0x1;
	s10 =	sld [smem:$0x3FA7]  }
0x3d: {  	_ =	shalt  }
0x3e: {  	_ =	shalt  }
0x3f: {  	_ =	shalt  }
0x40: {  	_ =	shalt  }
0x41: {  	_ =	shalt  }
0x42: {  	_ =	shalt  }
0x43: {  	_ =	shalt  }
0x44: {  	_ =	shalt  }
0x45: {  	_ =	shalt  }
0x46: {  	_ =	shalt  }
0x47: {  	_ =	shalt  }
0x48: {  	_ =	shalt  }
0x49: {  	_ =	shalt  }
0x4a: {  	_ =	shalt  }
0x4b: {  	_ =	shalt  }
0x4c: {  	_ =	shalt  }
0x4d: {  	_ =	shalt  }
0x4e: {  	_ =	shalt  }
0x4f: {  	_ =	shalt  }
0x50: {  	_ =	shalt  }
0x51: {  	_ =	shalt  }
0x52: {  	_ =	shalt  }
0x53: {  	_ =	shalt  }
0x54: {  	_ =	shalt  }
0x55: {  	_ =	shalt  }
0x56: {  	_ =	shalt  }
0x57: {  	_ =	shalt  }
0x58: {  	_ =	shalt  }
0x59: {  	_ =	shalt  }
0x5a: {  	_ =	shalt  }
0x5b: {  	_ =	shalt  }
0x5c: {  	_ =	shalt  }
0x5d: {  	_ =	shalt  }
0x5e: {  	_ =	shalt  }
0x5f: {  	_ =	shalt  }
0x60: {  	_ =	shalt  }
0x61: {  	_ =	shalt  }
0x62: {  	_ =	shalt  }
0x63: {  	_ =	shalt  }
0x64: {  	_ =	shalt  }
0x65: {  	_ =	shalt  }
0x66: {  	_ =	shalt  }
0x67: {  	_ =	shalt  }
0x68: {  	_ =	shalt  }
0x69: {  	_ =	shalt  }
0x6a: {  	_ =	shalt  }
0x6b: {  	_ =	shalt  }
0x6c: {  	_ =	shalt  }
0x6d: {  	_ =	shalt  }
0x6e: {  	_ =	shalt  }
0x6f: {  	_ =	shalt  }
0x70: {  	_ =	shalt  }
0x71: {  	_ =	shalt  }
0x72: {  	_ =	shalt  }
0x73: {  	_ =	shalt  }
0x74: {  	_ =	shalt  }
0x75: {  	_ =	shalt  }
0x76: {  	_ =	shalt  }
0x77: {  	_ =	shalt  }
0x78: {  	_ =	shalt  }
0x79: {  	_ =	shalt  }
0x7a: {  	_ =	shalt  }
0x7b: {  	_ =	shalt  }
0x7c: {  	_ =	shalt  }
0x7d: {  	_ =	shalt  }
0x7e: {  	_ =	shalt  }
0x7f: {  	_ =	shalt  }
0x80: {  	_ =	shalt  }
0x81: {  	_ =	shalt  }
0x82: {  	_ =	shalt  }
0x83: {  	_ =	shalt  }
0x84: {  	_ =	shalt  }
0x85: {  	_ =	shalt  }
0x86: {  	_ =	shalt  }
0x87: {  	_ =	shalt  }
.Lfunc_end0:
.L_simem_size_0:
called_computation_lowered:
.L_overlay_start_0:
0x88: {  	s2 =	sld [smem:$0x3FD9]  }
0x89: {  	s3 =	sld [smem:$0x3FFE];
	_ =	sdelay $0x1  }
0x8a: {  	s1 =	srdreg.scid  }
0x8b: {  	s0 =	sand.u32 $0x1, s1  }
0x8c: {  	s16 =	sshll.u32 s0, $0xA;
	s2 =	sadd.s32 s3, s2  }
0x8d: {  	s2 =	sadd.s32 s2, s16  }
0x8e: {  	[smem:$0x3FB3] =	sst s2  }
0x8f: {  	_ = 	snop  }
0x90: {  	(tm) =	ssettm $0x1  }
0x91: {  	s17 =	sld [smem:$0x3FFB];
	_ =	sdelay $0x3  }
0x92: {  	_ =	strace s17  }
0x93: {  	s2 =	sld [smem:$0x3FFC];
	_ =	sdelay $0x3  }
0x94: {  	_ =	strace s2  }
0x95: {  	s2 =	sld [smem:$0x3FFD];
	_ =	sdelay $0x3  }
0x96: {  	_ =	strace s2  }
0x97: {  	_ =	strace $0x8FFFFFFF  }
0x98: {  	s18 =	sld [smem:$0x3FDB];
	_ =	sdelay $0x1  }
0x99: {  	s19 =	simm.s32 $_scs_section_size  }
0x9a: {  	s4 =	simm.s32 $_size__tile_overlayer_lowered;
	s5 =	simm.s32 $_tile_overlayer_lowered  }
0x9b: {  	s22 =	simm.s32 $0x1BFF;
	s21 =	sshll.u32 s5, $0x1;
	s2 =	sadd.s32 s19, s18  }
0x9c: {  	s6 =	simm.s32 $0x0;
	s20 =	sshll.u32 s4, $0x1;
	s4 =	sadd.s32 s21, s2  }
0x9d: {  	[timem:s6], [sflag:s22] =	dma.local [hbm:s4], s20  }
0x9e: {  	_ =	swait.ge [sflag:s22], s20  }
0x9f: {  	s3 =	ssub.s32 $0x0, s20;
	[sflag:s22] =	ssyncset.done $0x0  }
0xa0: {  	[sflag:s22] =	ssyncadd.s32 s3;
	_ =	sdelay $0x1  }
0xa1: {  	s23 =	simm.s32 $0x1B8B  }
0xa2: {  	_ =	swait.ge [sflag:s23], $0x1  }
0xa3: {  	[sflag:s23] =	ssyncset.done $0x0  }
0xa4: {  	s25 =	simm.s32 $0x1B8E;
	s24 =	sld [smem:$0x3FFE];
	[sflag:s23] =	ssyncadd.s32 $0xFFFFFFFF  }
0xa5: {  	s26 =	simm.s32 $execute0_lowered;
	[smem:$0x3FD2] =	sst s25  }
0xa6: {  	s4 =	sshll.u32 s26, $0x1;
	_ =	strace $0x80000046;
	[dreg:$0x1] =	wrdreg $0xFFFFFFFF  }
0xa7: {  	s28 =	simm.s32 $_size_execute0_lowered;
	s2 =	sadd.s32 s2, s4;
	[dreg:$0x0] =	wrdreg $0x0  }
0xa8: {  	s4 =	sshll.u32 s28, $0x1;
	[dreg:$0x2] =	wrdreg s2  }
0xa9: {  	[dreg:$0x3] =	wrdreg s4  }
0xaa: {  	[dreg:$0x4] =	wrdreg $0xC0  }
0xab: {  	_ =	task [dreg:s6], $0x5FFFF  }
0xac: {  	[dreg:$0x1] =	wrdreg $0xFFFFFFFF  }
0xad: {  	[dreg:$0x0] =	wrdreg $0x60  }
0xae: {  	[dreg:$0x2] =	wrdreg s24  }
0xaf: {  	[dreg:$0x3] =	wrdreg $0x9  }
0xb0: {  	_ =	task.clear_ibuf [dreg:s6], $0x4FFFF;
	_ =	strace $0x90000046  }
0xb1: {  	s29 =	simm.s32 $0x9;
	_ =	strace $0x8000004E  }
0xb2: {  	_ =	swait.ge [sflag:s29], $0x1  }
0xb3: {  	[sflag:s29] =	ssyncadd.s32 $0xFFFFFFFF  }
0xb4: {  	_ =	strace $0x9000004E  }
0xb5: {  	_ =	sfence  }
0xb6: {  	s30 =	sld [smem:$0x0];
	_ =	sdelay $0x2  }
0xb7: {  	s31 =	sshll.u32 s1, $0xD;
	s1 =	sshrl.u32 s1, $0x2  }
0xb8: {  	s3 =	sand.u32 $0x4000, s31;
	s1 =	sadd.s32 s1, s30  }
0xb9: {  	s0 =	sor.u32 s3, s0;
	s1 =	sshll.u32 s1, $0x11  }
0xba: {  	s0 =	sor.u32 s1, s0  }
0xbb: {  	s0 =	sadd.s32 $0x8F2B, s0  }
0xbc: {  	[sflag:s0] =	ssyncadd.remote.s32 $0x1  }
0xbd: {  	_ =	sfence.sel $0xFFFF  }
0xbe: {  	[dreg:$0x0] =	wrdreg $0xFFFFFFFF;
	(pc) =	sbr.abs _section_cstart, $3  }
0xbf: {  	[dreg:$0x1] =	wrdreg $0xFFFFFFFF  }
0xc0: {  	_ =	task.clear_ibuf [dreg:s6], $0x2FFFF;
	_ =	strace $0x9FFFFFFF  }
0xc1: {  	(tm) =	ssettm $0x7FFFFFFF  }
tec
execute0_lowered:
.L_overlay_start_1:
0x0: {  	(tag) =	ssettag $0x1  }
0x1: {  	s9 =	rddreg [dreg:$0x0]  }
0x2: {  	s0 =	rddreg [dreg:$0x1]  }
0x3: {  	s1 =	simm.s32 $0x0;
	s2 =	srdreg.scid;
	s12 =	simm.s32 $0x5  }
0x4: {  	s13 =	simm.s32 $0x0;
	[smem:$0x7FF] =	sst s1;
	s3 =	sadd.s32 $0x8000, s9  }
0x5: {  	s5 =	sand.u32 $0x1, s2;
	s4 =	sadd.s32 $0x4A00, s9;
	s2 =	stileid.u32  }
0x6: {  	_ =	strace $0x80000047;
	s6 =	ssub.s32 $0x2, s5;
	s8 =	sshll.u32 s5, $0x4  }
0x7: {  	s10 =	smul.u32 $0x6000, s2;
	s5 =	sadd.s32 $0xA8000, s9;
	s7 =	sshrl.u32 s6, $0x1  }
0x8: {  	v2 =	vlaneseq.u32;
	s9 =	sadd.s32 $0xA8100, s9;
	s8 =	sor.u32 s2, s8;
	s11 =	ssub.s32 s6, s7  }
0x9: {  	vm0 =	vmmov $0xffff;
	vm1 =	vmmov $0xff;
	v1 =	vshrl.u32 v2, $0x3;
	s6 =	sshll.u32 s8, $0x2;
	s7 =	sadd.s32 s3, s10;
	s8 =	sshll.u32 s8, $0x6  }
0xa: {  	v0 =	vand.u32 $0x7, v2;
	v2 =	vor.u32 $0x8, v2;
	v1 =	vmul.u32 $0x8, v1;
	s8 =	sadd.s32 s4, s8;
	s10 =	smax.u32 s11, $0x1;
	s11 =	simm.s32 $0x18000  }
.LBB2_1:
0xb: {  	_ =	strace $0x80000048;
	s14 =	simm.s32 $0x4  }
0xc: {  	[tilespmem:s1], [sflag:$0x1] =	stream.linear.gather [hbm4b:s7+s1], $0xC000, $0x200038;
	[tilespmem:$0x18100] =	vst v63  }
0xd: {  	s15 =	simm.s32 $0x0;
	s16 =	simm.s32 $0x0;
	s17 =	simm.s32 $0x1  }
0xe: {  	[tilespmem:s11], [sflag:$0x3] =	stream.linear.gather [hbm4b:s8+s1], $0x80, $0x200038;
	[tilespmem:$0x18100] =	vst v63  }
0xf: {  	s18 =	simm.s32 $0x0;
	s19 =	simm.s32 $0x1;
	_ =	strace $0x90000048  }
.LBB2_2:
0x10: {  	s20 =	smov.u32 s15;
	s15 =	sadd.s32 $0x1, s15  }
0x11: {  	p0 =	seq.s32 s15, $0x4  }
0x12: {  	s15 =	simm.s32 @p0 $0x0  }
0x13: {  	s21 =	sadd.s32 s6, s20;
	s22 =	sadd.s32 s6, s15  }
0x14: {  	s23 =	sshra.s32 s21, $0x1F;
	s24 =	sshra.s32 s22, $0x1F  }
0x15: {  	s23 =	sshrl.u32 s23, $0x1A;
	s24 =	sshrl.u32 s24, $0x1A  }
0x16: {  	s23 =	sadd.s32 s23, s21;
	s24 =	sadd.s32 s24, s22  }
0x17: {  	s23 =	sand.u32 $0xFFFFFFC0, s23;
	s24 =	sand.u32 $0xFFFFFFC0, s24  }
0x18: {  	s21 =	ssub.s32 s21, s23;
	s23 =	ssub.s32 s22, s24  }
0x19: {  	p3 =	sne.s32 s14, $0x1;
	p0 =	sne.s32 s21, s23  }
0x1a: {  	p1 =	por !p3, !p0  }
0x1b: {  	p4 =	seq.s32 s20, $0x0;
	p2 =	por !p1, !p1  }
0x1c: {  	p1 =	sne.s32 s20, s15;
	s24 =	sand.u32 @p2 $0x1, s19;
	s23 =	smul.u32 @p2 $0x1800, s23  }
0x1d: {  	_ =	strace @p2 $0x80000049;
	p3 =	por !p3, !p1;
	s25 =	smul.u32 @p2 $0x30000, s24  }
0x1e: {  	s26 =	simm.s32 @p2 $0x0;
	s24 =	sadd.s32 @p2 $0x1, s24;
	p3 =	por !p3, !p3  }
0x1f: {  	s23 =	sadd.s32 @p2 s3, s23;
	s22 =	sshll.u32 @p3 s22, $0x4;
	s25 =	sshrl.u32 @p2 s25, $0x2  }
0x20: {  	[tilespmem:s25], [sflag:s24] =	stream.linear.gather @p2 [hbm4b:s23+s26], $0xC000, $0x200038;
	[tilespmem:$0x18100] =	vst v63  }
0x21: {  	s22 =	sand.u32 @p3 $0x1FFFFFF0, s22;
	s23 =	sadd.s32 $0xFFFFFFFF, s20;
	s20 =	sand.u32 @p3 $0x1, s17  }
0x22: {  	s22 =	sadd.s32 @p3 s4, s22;
	s25 =	simm.s32 @p3 $0x0;
	s23 =	simm.s32 @p4 $0x3  }
0x23: {  	_ =	strace @p2 $0x90000049;
	s24 =	sshll.u32 @p3 s20, $0x7;
	s20 =	sadd.s32 @p3 $0x3, s20  }
0x24: {  	_ =	strace @p3 $0x8000004A;
	s23 =	sadd.s32 s6, s23;
	s24 =	sor.u32 @p3 $0x18000, s24  }
0x25: {  	[tilespmem:s24], [sflag:s20] =	stream.linear.gather @p3 [hbm4b:s22+s25], $0x80, $0x200038;
	[tilespmem:$0x18100] =	vst v63  }
0x26: {  	s22 =	sshra.s32 s23, $0x1F  }
0x27: {  	s20 =	sshrl.u32 s22, $0x1A  }
0x28: {  	s20 =	sadd.s32 s20, s23  }
0x29: {  	s20 =	sand.u32 $0xFFFFFFC0, s20  }
0x2a: {  	p4 =	seq.s32 s14, $0x4;
	s20 =	ssub.s32 s23, s20  }
0x2b: {  	p5 =	seq.s32 @!p4 s21, s20  }
0x2c: {  	_ =	strace @p3 $0x9000004A;
	s20 =	sand.u32 $0x1, s18;
	p4 =	por p4, !p5  }
0x2d: {  	_ =	strace @p4 $0x8000004B;
	s21 =	sadd.s32 @p4 $0x1, s20  }
0x2e: {  	_ =	swait.ge @p4 [sflag:s21], $0xC000  }
0x2f: {  	[sflag:s21] =	ssyncset.done @p4 $0x0  }
0x30: {  	[sflag:s21] =	ssyncadd.s32 @p4 $0xFFFF4000  }
0x31: {  	s23 =	sand.u32 $0x1, s16;
	_ =	strace @p4 $0x9000004B  }
0x32: {  	s21 =	sadd.s32 $0x3, s23;
	_ =	strace $0x8000004C  }
0x33: {  	_ =	swait.ge [sflag:s21], $0x80  }
0x34: {  	[sflag:s21] =	ssyncset.done $0x0  }
0x35: {  	[sflag:s21] =	ssyncadd.s32 $0xFFFFFF80  }
0x36: {  	s24 =	sshll.u32 s16, $0x7;
	_ =	strace $0x9000004C  }
0x37: {  	s21 =	sand.u32 $0x80, s24;
	_ =	strace $0x8000004D  }
0x38: {  	v3 =	vld [tilespmem:s21+$0x18000];
	_ =	sdelay $0x4  }
0x39: {  	v4 =	vshrl.u32 v3, $0x3  }
0x3a: {  	v4 =	vmul.u32 $0x18, v4  }
0x3b: {  	v3 =	vand.u32 $0x7, v3  }
0x3c: {  	v3 =	vor.u32 v3, v4  }
0x3d: {  	v4 =	vperm.xlane v3, v0;
	_ =	sdelay $0x1  }
0x3e: {  	v4 =	vadd.s32 v1, v4;
	_ =	sdelay $0x1  }
0x3f: {  	v3 =	vperm.xlane v3, v2  }
0x40: {  	p4 =	seq.s32 s20, $0x1;
	s20 =	simm.s32 $0xC000  }
0x41: {  	s20 =	simm.s32 @!p4 $0x0;
	v3 =	vadd.s32 v1, v3  }
0x42: {  	[hbm4b:s5+s1] =	stream.indirect_vreg.scatter [tilespmem:s20], [sflag:$0x5], $0x80, v4, vm0, $0x2000b8;
	[tilespmem:$0x18100] =	vst v63  }
0x43: {  	s25 =	sor.u32 $0x800, s20  }
0x44: {  	[hbm4b:s9+s1] =	stream.indirect_vreg.scatter [tilespmem:s25], [sflag:$0x5], $0x80, v4, vm1, $0x2000b8;
	[tilespmem:$0x18100] =	vst v63  }
0x45: {  	s26 =	sor.u32 $0xC00, s20  }
0x46: {  	[hbm4b:s5+s1] =	stream.indirect_vreg.scatter [tilespmem:s26], [sflag:$0x5], $0x80, v3, vm0, $0x2000b8;
	[tilespmem:$0x18100] =	vst v63  }
0x47: {  	s28 =	sor.u32 $0x1400, s20  }
0x48: {  	[hbm4b:s9+s1] =	stream.indirect_vreg.scatter [tilespmem:s28], [sflag:$0x5], $0x80, v3, vm1, $0x2000b8;
	[tilespmem:$0x18100] =	vst v63  }
0x49: {  	v3 =	vld [tilespmem:s21+$0x18010];
	_ =	sdelay $0x4  }
0x4a: {  	v57 =	vshrl.u32 v3, $0x3  }
0x4b: {  	v4 =	vmul.u32 $0x18, v57  }
0x4c: {  	v3 =	vand.u32 $0x7, v3  }
0x4d: {  	v3 =	vor.u32 v3, v4  }
0x4e: {  	v4 =	vperm.xlane v3, v0;
	_ =	sdelay $0x1  }
0x4f: {  	v4 =	vadd.s32 v1, v4;
	_ =	sdelay $0x1  }
0x50: {  	v3 =	vperm.xlane v3, v2;
	_ =	sdelay $0x1  }
0x51: {  	s29 =	sor.u32 $0x1800, s20;
	v3 =	vadd.s32 v1, v3  }
0x52: {  	[hbm4b:s5+s1] =	stream.indirect_vreg.scatter [tilespmem:s29], [sflag:$0x5], $0x80, v4, vm0, $0x2000b8;
	[tilespmem:$0x18100] =	vst v63  }
0x53: {  	s30 =	sor.u32 $0x2000, s20  }
0x54: {  	[hbm4b:s9+s1] =	stream.indirect_vreg.scatter [tilespmem:s30], [sflag:$0x5], $0x80, v4, vm1, $0x2000b8;
	[tilespmem:$0x18100] =	vst v63  }
0x55: {  	s31 =	sor.u32 $0x2400, s20  }
0x56: {  	[hbm4b:s5+s1] =	stream.indirect_vreg.scatter [tilespmem:s31], [sflag:$0x5], $0x80, v3, vm0, $0x2000b8;
	[tilespmem:$0x18100] =	vst v63  }
0x57: {  	s23 =	sor.u32 $0x2C00, s20  }
0x58: {  	[hbm4b:s9+s1] =	stream.indirect_vreg.scatter [tilespmem:s23], [sflag:$0x5], $0x80, v3, vm1, $0x2000b8;
	[tilespmem:$0x18100] =	vst v63  }
0x59: {  	v3 =	vld [tilespmem:s21+$0x18020];
	_ =	sdelay $0x4  }
0x5a: {  	v58 =	vshrl.u32 v3, $0x3  }
0x5b: {  	v4 =	vmul.u32 $0x18, v58  }
0x5c: {  	v3 =	vand.u32 $0x7, v3  }
0x5d: {  	v3 =	vor.u32 v3, v4  }
0x5e: {  	v4 =	vperm.xlane v3, v0;
	_ =	sdelay $0x1  }
0x5f: {  	v4 =	vadd.s32 v1, v4;
	_ =	sdelay $0x1  }
0x60: {  	v3 =	vperm.xlane v3, v2;
	_ =	sdelay $0x1  }
0x61: {  	s24 =	sor.u32 $0x3000, s20;
	v3 =	vadd.s32 v1, v3  }
0x62: {  	[hbm4b:s5+s1] =	stream.indirect_vreg.scatter [tilespmem:s24], [sflag:$0x5], $0x80, v4, vm0, $0x2000b8;
	[tilespmem:$0x18100] =	vst v63  }
0x63: {  	s25 =	sor.u32 $0x3800, s20  }
0x64: {  	[hbm4b:s9+s1] =	stream.indirect_vreg.scatter [tilespmem:s25], [sflag:$0x5], $0x80, v4, vm1, $0x2000b8;
	[tilespmem:$0x18100] =	vst v63  }
0x65: {  	s26 =	sor.u32 $0x3C00, s20  }
0x66: {  	[hbm4b:s5+s1] =	stream.indirect_vreg.scatter [tilespmem:s26], [sflag:$0x5], $0x80, v3, vm0, $0x2000b8;
	[tilespmem:$0x18100] =	vst v63  }
0x67: {  	s28 =	sadd.s32 $0x4400, s20  }
0x68: {  	[hbm4b:s9+s1] =	stream.indirect_vreg.scatter [tilespmem:s28], [sflag:$0x5], $0x80, v3, vm1, $0x2000b8;
	[tilespmem:$0x18100] =	vst v63  }
0x69: {  	v3 =	vld [tilespmem:s21+$0x18030];
	_ =	sdelay $0x4  }
0x6a: {  	v59 =	vshrl.u32 v3, $0x3  }
0x6b: {  	v4 =	vmul.u32 $0x18, v59  }
0x6c: {  	v3 =	vand.u32 $0x7, v3  }
0x6d: {  	v3 =	vor.u32 v3, v4  }
0x6e: {  	v4 =	vperm.xlane v3, v0;
	_ =	sdelay $0x1  }
0x6f: {  	v4 =	vadd.s32 v1, v4;
	_ =	sdelay $0x1  }
0x70: {  	v3 =	vperm.xlane v3, v2;
	_ =	sdelay $0x1  }
0x71: {  	s29 =	sadd.s32 $0x4800, s20;
	v3 =	vadd.s32 v1, v3  }
0x72: {  	[hbm4b:s5+s1] =	stream.indirect_vreg.scatter [tilespmem:s29], [sflag:$0x5], $0x80, v4, vm0, $0x2000b8;
	[tilespmem:$0x18100] =	vst v63  }
0x73: {  	s30 =	sadd.s32 $0x5000, s20  }
0x74: {  	[hbm4b:s9+s1] =	stream.indirect_vreg.scatter [tilespmem:s30], [sflag:$0x5], $0x80, v4, vm1, $0x2000b8;
	[tilespmem:$0x18100] =	vst v63  }
0x75: {  	s31 =	sadd.s32 $0x5400, s20  }
0x76: {  	[hbm4b:s5+s1] =	stream.indirect_vreg.scatter [tilespmem:s31], [sflag:$0x5], $0x80, v3, vm0, $0x2000b8;
	[tilespmem:$0x18100] =	vst v63  }
0x77: {  	s23 =	sadd.s32 $0x5C00, s20  }
0x78: {  	[hbm4b:s9+s1] =	stream.indirect_vreg.scatter [tilespmem:s23], [sflag:$0x5], $0x80, v3, vm1, $0x2000b8;
	[tilespmem:$0x18100] =	vst v63  }
0x79: {  	v3 =	vld [tilespmem:s21+$0x18040];
	_ =	sdelay $0x4  }
0x7a: {  	v60 =	vshrl.u32 v3, $0x3  }
0x7b: {  	v4 =	vmul.u32 $0x18, v60  }
0x7c: {  	v3 =	vand.u32 $0x7, v3  }
0x7d: {  	v3 =	vor.u32 v3, v4  }
0x7e: {  	v4 =	vperm.xlane v3, v0;
	_ =	sdelay $0x1  }
0x7f: {  	v4 =	vadd.s32 v1, v4;
	_ =	sdelay $0x1  }
0x80: {  	v3 =	vperm.xlane v3, v2;
	_ =	sdelay $0x1  }
0x81: {  	s24 =	sadd.s32 $0x6000, s20;
	v3 =	vadd.s32 v1, v3  }
0x82: {  	[hbm4b:s5+s1] =	stream.indirect_vreg.scatter [tilespmem:s24], [sflag:$0x5], $0x80, v4, vm0, $0x2000b8;
	[tilespmem:$0x18100] =	vst v63  }
0x83: {  	s25 =	sadd.s32 $0x6800, s20  }
0x84: {  	[hbm4b:s9+s1] =	stream.indirect_vreg.scatter [tilespmem:s25], [sflag:$0x5], $0x80, v4, vm1, $0x2000b8;
	[tilespmem:$0x18100] =	vst v63  }
0x85: {  	s26 =	sadd.s32 $0x6C00, s20  }
0x86: {  	[hbm4b:s5+s1] =	stream.indirect_vreg.scatter [tilespmem:s26], [sflag:$0x5], $0x80, v3, vm0, $0x2000b8;
	[tilespmem:$0x18100] =	vst v63  }
0x87: {  	s28 =	sadd.s32 $0x7400, s20  }
0x88: {  	[hbm4b:s9+s1] =	stream.indirect_vreg.scatter [tilespmem:s28], [sflag:$0x5], $0x80, v3, vm1, $0x2000b8;
	[tilespmem:$0x18100] =	vst v63  }
0x89: {  	v3 =	vld [tilespmem:s21+$0x18050];
	_ =	sdelay $0x4  }
0x8a: {  	v61 =	vshrl.u32 v3, $0x3  }
0x8b: {  	v4 =	vmul.u32 $0x18, v61  }
0x8c: {  	v3 =	vand.u32 $0x7, v3  }
0x8d: {  	v3 =	vor.u32 v3, v4  }
0x8e: {  	v4 =	vperm.xlane v3, v0;
	_ =	sdelay $0x1  }
0x8f: {  	v4 =	vadd.s32 v1, v4;
	_ =	sdelay $0x1  }
0x90: {  	v3 =	vperm.xlane v3, v2;
	_ =	sdelay $0x1  }
0x91: {  	s29 =	sadd.s32 $0x7800, s20;
	v3 =	vadd.s32 v1, v3  }
0x92: {  	[hbm4b:s5+s1] =	stream.indirect_vreg.scatter [tilespmem:s29], [sflag:$0x5], $0x80, v4, vm0, $0x2000b8;
	[tilespmem:$0x18100] =	vst v63  }
0x93: {  	s30 =	sadd.s32 $0x8000, s20  }
0x94: {  	[hbm4b:s9+s1] =	stream.indirect_vreg.scatter [tilespmem:s30], [sflag:$0x5], $0x80, v4, vm1, $0x2000b8;
	[tilespmem:$0x18100] =	vst v63  }
0x95: {  	s31 =	sadd.s32 $0x8400, s20  }
0x96: {  	[hbm4b:s5+s1] =	stream.indirect_vreg.scatter [tilespmem:s31], [sflag:$0x5], $0x80, v3, vm0, $0x2000b8;
	[tilespmem:$0x18100] =	vst v63  }
0x97: {  	s23 =	sadd.s32 $0x8C00, s20  }
0x98: {  	[hbm4b:s9+s1] =	stream.indirect_vreg.scatter [tilespmem:s23], [sflag:$0x5], $0x80, v3, vm1, $0x2000b8;
	[tilespmem:$0x18100] =	vst v63  }
0x99: {  	v3 =	vld [tilespmem:s21+$0x18060];
	_ =	sdelay $0x4  }
0x9a: {  	v62 =	vshrl.u32 v3, $0x3  }
0x9b: {  	v4 =	vmul.u32 $0x18, v62  }
0x9c: {  	v3 =	vand.u32 $0x7, v3  }
0x9d: {  	v3 =	vor.u32 v3, v4  }
0x9e: {  	v4 =	vperm.xlane v3, v0;
	_ =	sdelay $0x1  }
0x9f: {  	v4 =	vadd.s32 v1, v4;
	_ =	sdelay $0x1  }
0xa0: {  	v3 =	vperm.xlane v3, v2;
	_ =	sdelay $0x1  }
0xa1: {  	s24 =	sadd.s32 $0x9000, s20;
	v3 =	vadd.s32 v1, v3  }
0xa2: {  	[hbm4b:s5+s1] =	stream.indirect_vreg.scatter [tilespmem:s24], [sflag:$0x5], $0x80, v4, vm0, $0x2000b8;
	[tilespmem:$0x18100] =	vst v63  }
0xa3: {  	s25 =	sadd.s32 $0x9800, s20  }
0xa4: {  	[hbm4b:s9+s1] =	stream.indirect_vreg.scatter [tilespmem:s25], [sflag:$0x5], $0x80, v4, vm1, $0x2000b8;
	[tilespmem:$0x18100] =	vst v63  }
0xa5: {  	s26 =	sadd.s32 $0x9C00, s20  }
0xa6: {  	[hbm4b:s5+s1] =	stream.indirect_vreg.scatter [tilespmem:s26], [sflag:$0x5], $0x80, v3, vm0, $0x2000b8;
	[tilespmem:$0x18100] =	vst v63  }
0xa7: {  	s28 =	sadd.s32 $0xA400, s20  }
0xa8: {  	[hbm4b:s9+s1] =	stream.indirect_vreg.scatter [tilespmem:s28], [sflag:$0x5], $0x80, v3, vm1, $0x2000b8;
	[tilespmem:$0x18100] =	vst v63  }
0xa9: {  	v3 =	vld [tilespmem:s21+$0x18070];
	_ =	sdelay $0x4  }
0xaa: {  	v63 =	vshrl.u32 v3, $0x3  }
0xab: {  	v4 =	vmul.u32 $0x18, v63  }
0xac: {  	v3 =	vand.u32 $0x7, v3  }
0xad: {  	v3 =	vor.u32 v3, v4  }
0xae: {  	v4 =	vperm.xlane v3, v0;
	_ =	sdelay $0x1  }
0xaf: {  	v4 =	vadd.s32 v1, v4;
	_ =	sdelay $0x1  }
0xb0: {  	v3 =	vperm.xlane v3, v2;
	_ =	sdelay $0x1  }
0xb1: {  	s29 =	sadd.s32 $0xA800, s20;
	v3 =	vadd.s32 v1, v3  }
0xb2: {  	[hbm4b:s5+s1] =	stream.indirect_vreg.scatter [tilespmem:s29], [sflag:$0x5], $0x80, v4, vm0, $0x2000b8;
	[tilespmem:$0x18100] =	vst v63  }
0xb3: {  	s30 =	sadd.s32 $0xB000, s20  }
0xb4: {  	[hbm4b:s9+s1] =	stream.indirect_vreg.scatter [tilespmem:s30], [sflag:$0x5], $0x80, v4, vm1, $0x2000b8;
	[tilespmem:$0x18100] =	vst v63  }
0xb5: {  	s31 =	sadd.s32 $0xB400, s20  }
0xb6: {  	[hbm4b:s5+s1] =	stream.indirect_vreg.scatter [tilespmem:s31], [sflag:$0x5], $0x80, v3, vm0, $0x2000b8;
	[tilespmem:$0x18100] =	vst v63  }
0xb7: {  	p6 =	seq.s32 s14, $0x1;
	s20 =	sadd.s32 $0xBC00, s20  }
0xb8: {  	[hbm4b:s9+s1] =	stream.indirect_vreg.scatter [tilespmem:s20], [sflag:$0x5], $0x80, v3, vm1, $0x2000b8;
	[tilespmem:$0x18100] =	vst v63  }
0xb9: {  	p0 =	por p6, p0;
	s14 =	sadd.s32 $0xFFFFFFFF, s14;
	s20 =	simm.s32 $0x1  }
0xba: {  	p1 =	por p6, p1;
	s20 =	simm.s32 @!p0 $0x0;
	p0 =	sne.s32 s14, $0x0  }
.Ltmp0:
0xbb: {  	s22 =	simm.s32 $0x1;
	s21 =	simm.s32 $0x1;
	(pc) =	sbr.rel @p0 .LBB2_2-.Ltmp0, $4  }
0xbc: {  	s22 =	simm.s32 @!p3 $0x0;
	s21 =	simm.s32 @!p2 $0x0;
	_ =	swait.ge [sflag:s12], $0xC000  }
0xbd: {  	s19 =	sadd.s32 s21, s19;
	s21 =	simm.s32 $0x1;
	[sflag:s12] =	ssyncset.done $0x0  }
0xbe: {  	s17 =	sadd.s32 s22, s17;
	s21 =	simm.s32 @!p1 $0x0;
	[sflag:s12] =	ssyncadd.s32 $0xFFFF4000  }
0xbf: {  	s16 =	sadd.s32 s21, s16;
	s18 =	sadd.s32 s20, s18;
	_ =	strace $0x9000004D  }
0xc0: {  	s13 =	sadd.s32 $0x1, s13  }
0xc1: {  	p0 =	sne.s32 s13, s10  }
.Ltmp1:
0xc2: {  	_ = 	snop;
	(pc) =	sbr.rel @p0 .LBB2_1-.Ltmp1, $1  }
0xc3: {  	_ =	sdelay $0x3  }
0xc4: {  	_ =	sfence.sel $0x180000  }
0xc5: {  	[bflag:$0x0] =	sbarrier.arrive $0xFFFF  }
0xc6: {  	p0 =	sne.s32 s2, $0x0;
	_ =	strace $0x90000047  }
0xc7: {  	s0 =	sadd.s32 @!p0 $0x100000, s0;
	[bflag:$0x2] =	sbarrier.arrive $0xFFFF  }
0xc8: {  	[sflag:s0] =	ssyncadd.tile.s32 @!p0 $0x1;
	_ =	shalt  }
.Lfunc_end2:
_tile_overlayer_lowered:
.L_overlay_start_2:
0xc9: {  	(tag) =	ssettag $0x2  }
0xca: {  	s0 =	rddreg [dreg:$0x0];
	s2 =	stileid.u32  }
0xcb: {  	s1 =	rddreg [dreg:$0x1];
	p0 =	sne.s32 s2, $0x0  }
0xcc: {  	s3 =	rddreg [dreg:$0x2];
	[bflag:$0x3] =	sbarrier.arrive $0xFFFF;
	s2 =	simm.s32 @!p0 $0x1C01  }
0xcd: {  	[timem:s3], [sflag:s2] =	dma.local @!p0 [hbm:s0], s1  }
0xce: {  	s0 =	simm.s32 @!p0 $0x1  }
0xcf: {  	_ =	swait.ge @!p0 [sflag:s0], s1  }
0xd0: {  	s1 =	ssub.s32 @!p0 $0x0, s1;
	[sflag:s0] =	ssyncset.done @!p0 $0x0  }
0xd1: {  	[sflag:s0] =	ssyncadd.s32 @!p0 s1  }
0xd2: {  	[bflag:$0x3] =	sbarrier.arrive $0xFFFF  }
0xd3: {  	_ =	shalt  }

// kernel: kernel.18.cloned.1.call-start
scs
__scs_entry_jumppad:
0x0: {  	(pc) =	sbr.rel $0x88, $3  }
0x1: {  	(tag) =	ssettag $0x0;
	lr =	simm.s32 $0x1  }
0x2: {  	[smem:$0x3F8C] =	sst lr;
	_ =	strace $0xD0000000  }
0x3: {  	_ = 	snop  }
0x4: {  	_ = 	snop  }
0x5: {  	_ = 	snop  }
0x6: {  	_ = 	snop  }
0x7: {  	_ = 	snop  }
__scs_overlays_trampoline_lowered:
0x8: {  	[smem:$0x3F9B] =	sst s0  }
0x9: {  	[smem:$0x3F9C] =	sst s1  }
0xa: {  	[smem:$0x3F9D] =	sst s2  }
0xb: {  	[smem:$0x3F9E] =	sst s3  }
0xc: {  	[smem:$0x3F9F] =	sst s4  }
0xd: {  	[smem:$0x3FA0] =	sst s5  }
0xe: {  	[smem:$0x3FA1] =	sst s6  }
0xf: {  	[smem:$0x3FA2] =	sst s7  }
0x10: {  	[smem:$0x3FA3] =	sst s8  }
0x11: {  	[smem:$0x3FA4] =	sst s9;
	s0 =	simm.s32 @!p0 $0x0  }
0x12: {  	s1 =	sld [smem:$0x3F8A];
	s0 =	simm.s32 @p0 $0x1  }
0x13: {  	[smem:$0x3FA5] =	sst s0;
	s0 =	simm.s32 @!p1 $0x0  }
0x14: {  	s2 =	sld [smem:$0x3F89];
	s0 =	simm.s32 @p1 $0x1  }
0x15: {  	[smem:$0x3FA6] =	sst s0;
	s0 =	simm.s32 @!p2 $0x0  }
0x16: {  	s3 =	sld [smem:$0x3FDB];
	s0 =	simm.s32 @p2 $0x1  }
0x17: {  	s4 =	simm.s32 $0x1BF5;
	[smem:$0x3FA8] =	sst s0  }
0x18: {  	s0 =	sld [smem:$0x3F8B];
	_ =	swait.ge [sflag:s4], $0x0  }
0x19: {  	s7 =	sld [smem:$0x3F8C]  }
0x1a: {  	s8 =	sadd.s32 $0xFFFFE003, lr  }
0x1b: {  	s9 =	sadd.s32 $0xFFFFFEF7, lr;
	s5 =	simm.s32 $0xFFFFFFFF;
	p2 =	slt.u32 s8, $0xFFFFF086  }
0x1c: {  	p1 =	slt.u32 s9, $0xF7A;
	s5 =	simm.s32 @!p2 $0x0  }
0x1d: {  	s5 =	simm.s32 @p1 $0x1;
	p0 =	seq.s32 s7, s2  }
0x1e: {  	s7 =	smul.u32 @!p0 $0xF7A, s2;
	p2 =	seq.s32 @!p0 s5, $0x0  }
0x1f: {  	s9 =	smul.u32 $0xF7A, s1;
	s8 =	simm.s32 @!p0 $0x1BF5;
	p2 =	por !p2, p0  }
0x20: {  	[sflag:s8] =	ssyncset.s32 @!p0 $0xFFFFF086;
	s6 =	sadd.s32 @!p0 s3, s7;
	s7 =	simm.s32 @!p0 $0x108  }
0x21: {  	s3 =	sadd.s32 s3, s9;
	s6 =	sadd.s32 @!p0 $0x88, s6;
	s7 =	simm.s32 @p2 $0x1082  }
0x22: {  	[simem:s7], [sflag:s8] =	dma.local @!p0 [hbm:s6], $0xF7A  }
0x23: {  	s9 =	sor.u32 $0xD0000000, s2;
	s6 =	simm.s32 $0x108;
	_ =	swait.ge @!p0 [sflag:s8], $0x0  }
0x24: {  	s3 =	sadd.s32 $0x88, s3;
	s6 =	simm.s32 @!p1 $0x1082;
	[sflag:s4] =	ssyncset.s32 $0xFFFFF086  }
0x25: {  	[simem:s6], [sflag:s4] =	dma.local [hbm:s3], $0xF7A  }
0x26: {  	[smem:$0x3F8C] =	sst s1;
	(tag) =	ssettag s2;
	_ =	strace s9  }
0x27: {  	s1 =	sld [smem:$0x3F9C]  }
0x28: {  	s2 =	sld [smem:$0x3F9D]  }
0x29: {  	s4 =	sld [smem:$0x3F9F]  }
0x2a: {  	p0 =	seq.s32 s5, $0x0;
	s5 =	sld [smem:$0x3FA0]  }
0x2b: {  	s6 =	sld [smem:$0x3FA1]  }
0x2c: {  	s7 =	sld [smem:$0x3FA2]  }
0x2d: {  	s3 =	simm.s32 $0x108;
	s8 =	sld [smem:$0x3FA3]  }
0x2e: {  	s3 =	simm.s32 @!p0 $0x1082;
	s9 =	sld [smem:$0x3FA4]  }
0x2f: {  	lr =	sadd.s32 s0, s3;
	s0 =	sld [smem:$0x3F9B]  }
0x30: {  	s3 =	sld [smem:$0x3F9E]  }
0x31: {  	[smem:$0x3FA7] =	sst s10  }
0x32: {  	s10 =	sld [smem:$0x3FA5];
	_ =	sdelay $0x3  }
0x33: {  	p0 =	seq.s32 s10, $0x1;
	s10 =	sld [smem:$0x3FA7];
	_ =	sdelay $0x3  }
0x34: {  	[smem:$0x3FA7] =	sst s10  }
0x35: {  	s10 =	sld [smem:$0x3FA6];
	_ =	sdelay $0x3  }
0x36: {  	p1 =	seq.s32 s10, $0x1;
	s10 =	sld [smem:$0x3FA7];
	_ =	sdelay $0x3  }
0x37: {  	[smem:$0x3FA7] =	sst s10  }
0x38: {  	s10 =	sld [smem:$0x3FA8]  }
0x39: {  	_ = 	snop;
	(pc) =	sbr.ind lr, $3  }
0x3a: {  	_ = 	snop  }
0x3b: {  	_ = 	snop  }
0x3c: {  	p2 =	seq.s32 s10, $0x1;
	s10 =	sld [smem:$0x3FA7]  }
0x3d: {  	_ =	shalt  }
0x3e: {  	_ =	shalt  }
0x3f: {  	_ =	shalt  }
0x40: {  	_ =	shalt  }
0x41: {  	_ =	shalt  }
0x42: {  	_ =	shalt  }
0x43: {  	_ =	shalt  }
0x44: {  	_ =	shalt  }
0x45: {  	_ =	shalt  }
0x46: {  	_ =	shalt  }
0x47: {  	_ =	shalt  }
0x48: {  	_ =	shalt  }
0x49: {  	_ =	shalt  }
0x4a: {  	_ =	shalt  }
0x4b: {  	_ =	shalt  }
0x4c: {  	_ =	shalt  }
0x4d: {  	_ =	shalt  }
0x4e: {  	_ =	shalt  }
0x4f: {  	_ =	shalt  }
0x50: {  	_ =	shalt  }
0x51: {  	_ =	shalt  }
0x52: {  	_ =	shalt  }
0x53: {  	_ =	shalt  }
0x54: {  	_ =	shalt  }
0x55: {  	_ =	shalt  }
0x56: {  	_ =	shalt  }
0x57: {  	_ =	shalt  }
0x58: {  	_ =	shalt  }
0x59: {  	_ =	shalt  }
0x5a: {  	_ =	shalt  }
0x5b: {  	_ =	shalt  }
0x5c: {  	_ =	shalt  }
0x5d: {  	_ =	shalt  }
0x5e: {  	_ =	shalt  }
0x5f: {  	_ =	shalt  }
0x60: {  	_ =	shalt  }
0x61: {  	_ =	shalt  }
0x62: {  	_ =	shalt  }
0x63: {  	_ =	shalt  }
0x64: {  	_ =	shalt  }
0x65: {  	_ =	shalt  }
0x66: {  	_ =	shalt  }
0x67: {  	_ =	shalt  }
0x68: {  	_ =	shalt  }
0x69: {  	_ =	shalt  }
0x6a: {  	_ =	shalt  }
0x6b: {  	_ =	shalt  }
0x6c: {  	_ =	shalt  }
0x6d: {  	_ =	shalt  }
0x6e: {  	_ =	shalt  }
0x6f: {  	_ =	shalt  }
0x70: {  	_ =	shalt  }
0x71: {  	_ =	shalt  }
0x72: {  	_ =	shalt  }
0x73: {  	_ =	shalt  }
0x74: {  	_ =	shalt  }
0x75: {  	_ =	shalt  }
0x76: {  	_ =	shalt  }
0x77: {  	_ =	shalt  }
0x78: {  	_ =	shalt  }
0x79: {  	_ =	shalt  }
0x7a: {  	_ =	shalt  }
0x7b: {  	_ =	shalt  }
0x7c: {  	_ =	shalt  }
0x7d: {  	_ =	shalt  }
0x7e: {  	_ =	shalt  }
0x7f: {  	_ =	shalt  }
0x80: {  	_ =	shalt  }
0x81: {  	_ =	shalt  }
0x82: {  	_ =	shalt  }
0x83: {  	_ =	shalt  }
0x84: {  	_ =	shalt  }
0x85: {  	_ =	shalt  }
0x86: {  	_ =	shalt  }
0x87: {  	_ =	shalt  }
.Lfunc_end0:
.L_simem_size_0:
called_computation.1_lowered:
.L_overlay_start_0:
0x88: {  	s2 =	sld [smem:$0x3FD9]  }
0x89: {  	s3 =	sld [smem:$0x3FFE];
	_ =	sdelay $0x1  }
0x8a: {  	s1 =	srdreg.scid  }
0x8b: {  	s0 =	sand.u32 $0x1, s1  }
0x8c: {  	s16 =	sshll.u32 s0, $0xA;
	s2 =	sadd.s32 s3, s2  }
0x8d: {  	s2 =	sadd.s32 s2, s16  }
0x8e: {  	[smem:$0x3FB3] =	sst s2  }
0x8f: {  	_ = 	snop  }
0x90: {  	(tm) =	ssettm $0x1  }
0x91: {  	s17 =	sld [smem:$0x3FFB];
	_ =	sdelay $0x3  }
0x92: {  	_ =	strace s17  }
0x93: {  	s2 =	sld [smem:$0x3FFC];
	_ =	sdelay $0x3  }
0x94: {  	_ =	strace s2  }
0x95: {  	s2 =	sld [smem:$0x3FFD];
	_ =	sdelay $0x3  }
0x96: {  	_ =	strace s2  }
0x97: {  	_ =	strace $0x8FFFFFFF  }
0x98: {  	s18 =	sld [smem:$0x3FDB];
	_ =	sdelay $0x1  }
0x99: {  	s19 =	simm.s32 $_scs_section_size  }
0x9a: {  	s4 =	simm.s32 $_size__tile_overlayer_lowered;
	s5 =	simm.s32 $_tile_overlayer_lowered  }
0x9b: {  	s22 =	simm.s32 $0x1BFF;
	s21 =	sshll.u32 s5, $0x1;
	s2 =	sadd.s32 s19, s18  }
0x9c: {  	s6 =	simm.s32 $0x0;
	s20 =	sshll.u32 s4, $0x1;
	s4 =	sadd.s32 s21, s2  }
0x9d: {  	[timem:s6], [sflag:s22] =	dma.local [hbm:s4], s20  }
0x9e: {  	_ =	swait.ge [sflag:s22], s20  }
0x9f: {  	s3 =	ssub.s32 $0x0, s20;
	[sflag:s22] =	ssyncset.done $0x0  }
0xa0: {  	[sflag:s22] =	ssyncadd.s32 s3;
	_ =	sdelay $0x1  }
0xa1: {  	s23 =	simm.s32 $0x1B8B  }
0xa2: {  	_ =	swait.ge [sflag:s23], $0x1  }
0xa3: {  	[sflag:s23] =	ssyncset.done $0x0  }
0xa4: {  	s25 =	simm.s32 $0x1B8E;
	s24 =	sld [smem:$0x3FFE];
	[sflag:s23] =	ssyncadd.s32 $0xFFFFFFFF  }
0xa5: {  	s26 =	simm.s32 $execute0_lowered;
	[smem:$0x3FD2] =	sst s25  }
0xa6: {  	s4 =	sshll.u32 s26, $0x1;
	_ =	strace $0x8000004F;
	[dreg:$0x1] =	wrdreg $0xFFFFFFFF  }
0xa7: {  	s28 =	simm.s32 $_size_execute0_lowered;
	s2 =	sadd.s32 s2, s4;
	[dreg:$0x0] =	wrdreg $0x0  }
0xa8: {  	s4 =	sshll.u32 s28, $0x1;
	[dreg:$0x2] =	wrdreg s2  }
0xa9: {  	[dreg:$0x3] =	wrdreg s4  }
0xaa: {  	[dreg:$0x4] =	wrdreg $0xC0  }
0xab: {  	_ =	task [dreg:s6], $0x5FFFF  }
0xac: {  	[dreg:$0x1] =	wrdreg $0xFFFFFFFF  }
0xad: {  	[dreg:$0x0] =	wrdreg $0x60  }
0xae: {  	[dreg:$0x2] =	wrdreg s24  }
0xaf: {  	[dreg:$0x3] =	wrdreg $0x9  }
0xb0: {  	_ =	task.clear_ibuf [dreg:s6], $0x4FFFF;
	_ =	strace $0x9000004F  }
0xb1: {  	s29 =	simm.s32 $0x9;
	_ =	strace $0x80000058  }
0xb2: {  	_ =	swait.ge [sflag:s29], $0x1  }
0xb3: {  	[sflag:s29] =	ssyncadd.s32 $0xFFFFFFFF  }
0xb4: {  	_ =	strace $0x90000058  }
0xb5: {  	_ =	sfence  }
0xb6: {  	s30 =	sld [smem:$0x0];
	_ =	sdelay $0x2  }
0xb7: {  	s31 =	sshll.u32 s1, $0xD;
	s1 =	sshrl.u32 s1, $0x2  }
0xb8: {  	s3 =	sand.u32 $0x4000, s31;
	s1 =	sadd.s32 s1, s30  }
0xb9: {  	s0 =	sor.u32 s3, s0;
	s1 =	sshll.u32 s1, $0x11  }
0xba: {  	s0 =	sor.u32 s1, s0  }
0xbb: {  	s0 =	sadd.s32 $0x8F2B, s0  }
0xbc: {  	[sflag:s0] =	ssyncadd.remote.s32 $0x1  }
0xbd: {  	_ =	sfence.sel $0xFFFF  }
0xbe: {  	[dreg:$0x0] =	wrdreg $0xFFFFFFFF;
	(pc) =	sbr.abs _section_cstart, $3  }
0xbf: {  	[dreg:$0x1] =	wrdreg $0xFFFFFFFF  }
0xc0: {  	_ =	task.clear_ibuf [dreg:s6], $0x2FFFF;
	_ =	strace $0x9FFFFFFF  }
0xc1: {  	(tm) =	ssettm $0x7FFFFFFF  }
tec
execute0_lowered:
.L_overlay_start_1:
0x0: {  	(tag) =	ssettag $0x1  }
0x1: {  	s7 =	rddreg [dreg:$0x0]  }
0x2: {  	s0 =	rddreg [dreg:$0x1];
	s1 =	simm.s32 $0x0;
	s3 =	srdreg.scid  }
0x3: {  	s9 =	simm.s32 $0x5;
	s10 =	simm.s32 $0x4;
	s11 =	simm.s32 $0x0  }
0x4: {  	[smem:$0x7FF] =	sst s1;
	s2 =	sadd.s32 $0x168000, s7;
	s4 =	sadd.s32 $0x5200, s7  }
0x5: {  	s5 =	sadd.s32 $0xA8000, s7;
	s6 =	sand.u32 $0x1, s3;
	s3 =	stileid.u32  }
0x6: {  	_ =	strace $0x80000050;
	s8 =	ssub.s32 $0x2, s6;
	s6 =	sshll.u32 s6, $0x4  }
0x7: {  	v2 =	vlaneseq.u32;
	[dreg:$0x2] =	wrdreg s5;
	s31 =	sshrl.u32 s8, $0x1;
	s6 =	sor.u32 s3, s6  }
0x8: {  	vm0 =	vmmov $0xffff;
	vm1 =	vmmov $0xff;
	v1 =	vshrl.u32 v2, $0x3;
	s8 =	ssub.s32 s8, s31;
	s5 =	sshll.u32 s6, $0x2;
	s6 =	sshll.u32 s6, $0x6  }
0x9: {  	s7 =	sadd.s32 $0x168100, s7;
	v0 =	vand.u32 $0x7, v2;
	v2 =	vor.u32 $0x8, v2;
	v1 =	vmul.u32 $0x8, v1;
	s6 =	sadd.s32 s4, s6;
	s8 =	smax.u32 s8, $0x1  }
.LBB2_1:
0xa: {  	_ =	strace $0x80000051;
	s12 =	simm.s32 $0x4  }
0xb: {  	s13 =	simm.s32 $0x0;
	s14 =	simm.s32 $0x0;
	s15 =	simm.s32 $0x0  }
0xc: {  	[tilespmem:s1], [sflag:$0x1] =	stream.linear.gather [hbm4b:s6+s1], $0x80, $0x200038;
	[tilespmem:$0x18100] =	vst v63  }
0xd: {  	s16 =	simm.s32 $0x0;
	s17 =	simm.s32 $0x1;
	_ =	strace $0x90000051  }
.LBB2_2:
0xe: {  	s18 =	smov.u32 s13;
	s13 =	sadd.s32 $0x1, s13  }
0xf: {  	p0 =	seq.s32 s13, $0x4  }
0x10: {  	s13 =	simm.s32 @p0 $0x0  }
0x11: {  	p6 =	sne.s32 s12, $0x1;
	p1 =	sne.s32 s18, s13  }
0x12: {  	p0 =	por !p6, !p1  }
0x13: {  	p0 =	por !p0, !p0  }
0x14: {  	s19 =	sadd.s32 @p0 s5, s13  }
0x15: {  	s20 =	sand.u32 @p0 $0x1, s17;
	s19 =	sshll.u32 @p0 s19, $0x4  }
0x16: {  	_ =	strace @p0 $0x80000052;
	s22 =	simm.s32 @p0 $0x0;
	s19 =	sand.u32 @p0 $0x1FFFFFF0, s19  }
0x17: {  	s21 =	sshll.u32 @p0 s20, $0x7;
	s20 =	sadd.s32 @p0 $0x1, s20;
	s19 =	sadd.s32 @p0 s4, s19  }
0x18: {  	[tilespmem:s21], [sflag:s20] =	stream.linear.gather @p0 [hbm4b:s19+s22], $0x80, $0x200038;
	[tilespmem:$0x18100] =	vst v63  }
0x19: {  	s28 =	sand.u32 $0x1, s16;
	_ =	strace @p0 $0x90000052  }
0x1a: {  	s19 =	sadd.s32 $0x1, s28;
	_ =	strace $0x80000053  }
0x1b: {  	_ =	swait.ge [sflag:s19], $0x80  }
0x1c: {  	[sflag:s19] =	ssyncset.done $0x0  }
0x1d: {  	[sflag:s19] =	ssyncadd.s32 $0xFFFFFF80  }
0x1e: {  	s29 =	sshll.u32 s16, $0x7;
	_ =	strace $0x90000053  }
0x1f: {  	s22 =	sand.u32 $0x80, s29;
	_ =	strace $0x80000054  }
0x20: {  	v3 =	vld [tilespmem:s22+$0x0];
	_ =	sdelay $0x4  }
0x21: {  	v4 =	vshrl.u32 v3, $0x3  }
0x22: {  	v4 =	vmul.u32 $0x18, v4  }
0x23: {  	v3 =	vand.u32 $0x7, v3  }
0x24: {  	v3 =	vor.u32 v3, v4  }
0x25: {  	v4 =	vperm.xlane v3, v0;
	_ =	sdelay $0x1  }
0x26: {  	s19 =	sand.u32 $0x1, s15;
	v4 =	vadd.s32 v1, v4  }
0x27: {  	s30 =	smul.u32 $0x30000, s19  }
0x28: {  	v3 =	vperm.xlane v3, v2  }
0x29: {  	s21 =	sshrl.u32 s30, $0x2  }
0x2a: {  	s20 =	sor.u32 $0x100, s21;
	v3 =	vadd.s32 v1, v3  }
0x2b: {  	[tilespmem:s20], [sflag:$0x5] =	stream.indirect_vreg.gather [hbm4b:s2+s1], $0x80, v4, vm0, $0x2000b8;
	[tilespmem:$0x18100] =	vst v63  }
0x2c: {  	s23 =	sor.u32 $0x900, s21  }
0x2d: {  	[tilespmem:s23], [sflag:$0x5] =	stream.indirect_vreg.gather [hbm4b:s7+s1], $0x80, v4, vm1, $0x2000b8;
	[tilespmem:$0x18100] =	vst v63  }
0x2e: {  	s31 =	sor.u32 $0xD00, s21  }
0x2f: {  	[tilespmem:s31], [sflag:$0x5] =	stream.indirect_vreg.gather [hbm4b:s2+s1], $0x80, v3, vm0, $0x2000b8;
	[tilespmem:$0x18100] =	vst v63  }
0x30: {  	s24 =	sor.u32 $0x1500, s21  }
0x31: {  	[tilespmem:s24], [sflag:$0x5] =	stream.indirect_vreg.gather [hbm4b:s7+s1], $0x80, v3, vm1, $0x2000b8;
	[tilespmem:$0x18100] =	vst v63  }
0x32: {  	v3 =	vld [tilespmem:s22+$0x10];
	_ =	sdelay $0x4  }
0x33: {  	v57 =	vshrl.u32 v3, $0x3  }
0x34: {  	v4 =	vmul.u32 $0x18, v57  }
0x35: {  	v3 =	vand.u32 $0x7, v3  }
0x36: {  	v3 =	vor.u32 v3, v4  }
0x37: {  	v4 =	vperm.xlane v3, v0;
	_ =	sdelay $0x1  }
0x38: {  	v4 =	vadd.s32 v1, v4;
	_ =	sdelay $0x1  }
0x39: {  	v3 =	vperm.xlane v3, v2;
	_ =	sdelay $0x1  }
0x3a: {  	s25 =	sor.u32 $0x1900, s21;
	v3 =	vadd.s32 v1, v3  }
0x3b: {  	[tilespmem:s25], [sflag:$0x5] =	stream.indirect_vreg.gather [hbm4b:s2+s1], $0x80, v4, vm0, $0x2000b8;
	[tilespmem:$0x18100] =	vst v63  }
0x3c: {  	s26 =	sor.u32 $0x2100, s21  }
0x3d: {  	[tilespmem:s26], [sflag:$0x5] =	stream.indirect_vreg.gather [hbm4b:s7+s1], $0x80, v4, vm1, $0x2000b8;
	[tilespmem:$0x18100] =	vst v63  }
0x3e: {  	s28 =	sor.u32 $0x2500, s21  }
0x3f: {  	[tilespmem:s28], [sflag:$0x5] =	stream.indirect_vreg.gather [hbm4b:s2+s1], $0x80, v3, vm0, $0x2000b8;
	[tilespmem:$0x18100] =	vst v63  }
0x40: {  	s29 =	sor.u32 $0x2D00, s21  }
0x41: {  	[tilespmem:s29], [sflag:$0x5] =	stream.indirect_vreg.gather [hbm4b:s7+s1], $0x80, v3, vm1, $0x2000b8;
	[tilespmem:$0x18100] =	vst v63  }
0x42: {  	v3 =	vld [tilespmem:s22+$0x20];
	_ =	sdelay $0x4  }
0x43: {  	v58 =	vshrl.u32 v3, $0x3  }
0x44: {  	v4 =	vmul.u32 $0x18, v58  }
0x45: {  	v3 =	vand.u32 $0x7, v3  }
0x46: {  	v3 =	vor.u32 v3, v4  }
0x47: {  	v4 =	vperm.xlane v3, v0;
	_ =	sdelay $0x1  }
0x48: {  	v4 =	vadd.s32 v1, v4;
	_ =	sdelay $0x1  }
0x49: {  	v3 =	vperm.xlane v3, v2;
	_ =	sdelay $0x1  }
0x4a: {  	s30 =	sor.u32 $0x3100, s21;
	v3 =	vadd.s32 v1, v3  }
0x4b: {  	[tilespmem:s30], [sflag:$0x5] =	stream.indirect_vreg.gather [hbm4b:s2+s1], $0x80, v4, vm0, $0x2000b8;
	[tilespmem:$0x18100] =	vst v63  }
0x4c: {  	s31 =	sor.u32 $0x3900, s21  }
0x4d: {  	[tilespmem:s31], [sflag:$0x5] =	stream.indirect_vreg.gather [hbm4b:s7+s1], $0x80, v4, vm1, $0x2000b8;
	[tilespmem:$0x18100] =	vst v63  }
0x4e: {  	s24 =	sor.u32 $0x3D00, s21  }
0x4f: {  	[tilespmem:s24], [sflag:$0x5] =	stream.indirect_vreg.gather [hbm4b:s2+s1], $0x80, v3, vm0, $0x2000b8;
	[tilespmem:$0x18100] =	vst v63  }
0x50: {  	s25 =	sadd.s32 $0x4500, s21  }
0x51: {  	[tilespmem:s25], [sflag:$0x5] =	stream.indirect_vreg.gather [hbm4b:s7+s1], $0x80, v3, vm1, $0x2000b8;
	[tilespmem:$0x18100] =	vst v63  }
0x52: {  	v3 =	vld [tilespmem:s22+$0x30];
	_ =	sdelay $0x4  }
0x53: {  	v59 =	vshrl.u32 v3, $0x3  }
0x54: {  	v4 =	vmul.u32 $0x18, v59  }
0x55: {  	v3 =	vand.u32 $0x7, v3  }
0x56: {  	v3 =	vor.u32 v3, v4  }
0x57: {  	v4 =	vperm.xlane v3, v0;
	_ =	sdelay $0x1  }
0x58: {  	v4 =	vadd.s32 v1, v4;
	_ =	sdelay $0x1  }
0x59: {  	v3 =	vperm.xlane v3, v2;
	_ =	sdelay $0x1  }
0x5a: {  	s26 =	sadd.s32 $0x4900, s21;
	v3 =	vadd.s32 v1, v3  }
0x5b: {  	[tilespmem:s26], [sflag:$0x5] =	stream.indirect_vreg.gather [hbm4b:s2+s1], $0x80, v4, vm0, $0x2000b8;
	[tilespmem:$0x18100] =	vst v63  }
0x5c: {  	s28 =	sadd.s32 $0x5100, s21  }
0x5d: {  	[tilespmem:s28], [sflag:$0x5] =	stream.indirect_vreg.gather [hbm4b:s7+s1], $0x80, v4, vm1, $0x2000b8;
	[tilespmem:$0x18100] =	vst v63  }
0x5e: {  	s29 =	sadd.s32 $0x5500, s21  }
0x5f: {  	[tilespmem:s29], [sflag:$0x5] =	stream.indirect_vreg.gather [hbm4b:s2+s1], $0x80, v3, vm0, $0x2000b8;
	[tilespmem:$0x18100] =	vst v63  }
0x60: {  	s30 =	sadd.s32 $0x5D00, s21  }
0x61: {  	[tilespmem:s30], [sflag:$0x5] =	stream.indirect_vreg.gather [hbm4b:s7+s1], $0x80, v3, vm1, $0x2000b8;
	[tilespmem:$0x18100] =	vst v63  }
0x62: {  	v3 =	vld [tilespmem:s22+$0x40];
	_ =	sdelay $0x4  }
0x63: {  	v60 =	vshrl.u32 v3, $0x3  }
0x64: {  	v4 =	vmul.u32 $0x18, v60  }
0x65: {  	v3 =	vand.u32 $0x7, v3  }
0x66: {  	v3 =	vor.u32 v3, v4  }
0x67: {  	v4 =	vperm.xlane v3, v0;
	_ =	sdelay $0x1  }
0x68: {  	v4 =	vadd.s32 v1, v4;
	_ =	sdelay $0x1  }
0x69: {  	v3 =	vperm.xlane v3, v2;
	_ =	sdelay $0x1  }
0x6a: {  	s31 =	sadd.s32 $0x6100, s21;
	v3 =	vadd.s32 v1, v3  }
0x6b: {  	[tilespmem:s31], [sflag:$0x5] =	stream.indirect_vreg.gather [hbm4b:s2+s1], $0x80, v4, vm0, $0x2000b8;
	[tilespmem:$0x18100] =	vst v63  }
0x6c: {  	s24 =	sadd.s32 $0x6900, s21  }
0x6d: {  	[tilespmem:s24], [sflag:$0x5] =	stream.indirect_vreg.gather [hbm4b:s7+s1], $0x80, v4, vm1, $0x2000b8;
	[tilespmem:$0x18100] =	vst v63  }
0x6e: {  	s25 =	sadd.s32 $0x6D00, s21  }
0x6f: {  	[tilespmem:s25], [sflag:$0x5] =	stream.indirect_vreg.gather [hbm4b:s2+s1], $0x80, v3, vm0, $0x2000b8;
	[tilespmem:$0x18100] =	vst v63  }
0x70: {  	s26 =	sadd.s32 $0x7500, s21  }
0x71: {  	[tilespmem:s26], [sflag:$0x5] =	stream.indirect_vreg.gather [hbm4b:s7+s1], $0x80, v3, vm1, $0x2000b8;
	[tilespmem:$0x18100] =	vst v63  }
0x72: {  	v3 =	vld [tilespmem:s22+$0x50];
	_ =	sdelay $0x4  }
0x73: {  	v61 =	vshrl.u32 v3, $0x3  }
0x74: {  	v4 =	vmul.u32 $0x18, v61  }
0x75: {  	v3 =	vand.u32 $0x7, v3  }
0x76: {  	v3 =	vor.u32 v3, v4  }
0x77: {  	v4 =	vperm.xlane v3, v0;
	_ =	sdelay $0x1  }
0x78: {  	v4 =	vadd.s32 v1, v4;
	_ =	sdelay $0x1  }
0x79: {  	v3 =	vperm.xlane v3, v2;
	_ =	sdelay $0x1  }
0x7a: {  	s28 =	sadd.s32 $0x7900, s21;
	v3 =	vadd.s32 v1, v3  }
0x7b: {  	[tilespmem:s28], [sflag:$0x5] =	stream.indirect_vreg.gather [hbm4b:s2+s1], $0x80, v4, vm0, $0x2000b8;
	[tilespmem:$0x18100] =	vst v63  }
0x7c: {  	s29 =	sadd.s32 $0x8100, s21  }
0x7d: {  	[tilespmem:s29], [sflag:$0x5] =	stream.indirect_vreg.gather [hbm4b:s7+s1], $0x80, v4, vm1, $0x2000b8;
	[tilespmem:$0x18100] =	vst v63  }
0x7e: {  	s30 =	sadd.s32 $0x8500, s21  }
0x7f: {  	[tilespmem:s30], [sflag:$0x5] =	stream.indirect_vreg.gather [hbm4b:s2+s1], $0x80, v3, vm0, $0x2000b8;
	[tilespmem:$0x18100] =	vst v63  }
0x80: {  	s31 =	sadd.s32 $0x8D00, s21  }
0x81: {  	[tilespmem:s31], [sflag:$0x5] =	stream.indirect_vreg.gather [hbm4b:s7+s1], $0x80, v3, vm1, $0x2000b8;
	[tilespmem:$0x18100] =	vst v63  }
0x82: {  	v3 =	vld [tilespmem:s22+$0x60];
	_ =	sdelay $0x4  }
0x83: {  	v62 =	vshrl.u32 v3, $0x3  }
0x84: {  	v4 =	vmul.u32 $0x18, v62  }
0x85: {  	v3 =	vand.u32 $0x7, v3  }
0x86: {  	v3 =	vor.u32 v3, v4  }
0x87: {  	v4 =	vperm.xlane v3, v0;
	_ =	sdelay $0x1  }
0x88: {  	v4 =	vadd.s32 v1, v4;
	_ =	sdelay $0x1  }
0x89: {  	v3 =	vperm.xlane v3, v2;
	_ =	sdelay $0x1  }
0x8a: {  	s24 =	sadd.s32 $0x9100, s21;
	v3 =	vadd.s32 v1, v3  }
0x8b: {  	[tilespmem:s24], [sflag:$0x5] =	stream.indirect_vreg.gather [hbm4b:s2+s1], $0x80, v4, vm0, $0x2000b8;
	[tilespmem:$0x18100] =	vst v63  }
0x8c: {  	s25 =	sadd.s32 $0x9900, s21  }
0x8d: {  	[tilespmem:s25], [sflag:$0x5] =	stream.indirect_vreg.gather [hbm4b:s7+s1], $0x80, v4, vm1, $0x2000b8;
	[tilespmem:$0x18100] =	vst v63  }
0x8e: {  	s26 =	sadd.s32 $0x9D00, s21  }
0x8f: {  	[tilespmem:s26], [sflag:$0x5] =	stream.indirect_vreg.gather [hbm4b:s2+s1], $0x80, v3, vm0, $0x2000b8;
	[tilespmem:$0x18100] =	vst v63  }
0x90: {  	s28 =	sadd.s32 $0xA500, s21  }
0x91: {  	[tilespmem:s28], [sflag:$0x5] =	stream.indirect_vreg.gather [hbm4b:s7+s1], $0x80, v3, vm1, $0x2000b8;
	[tilespmem:$0x18100] =	vst v63  }
0x92: {  	v3 =	vld [tilespmem:s22+$0x70];
	_ =	sdelay $0x4  }
0x93: {  	v63 =	vshrl.u32 v3, $0x3  }
0x94: {  	v4 =	vmul.u32 $0x18, v63  }
0x95: {  	v3 =	vand.u32 $0x7, v3  }
0x96: {  	v3 =	vor.u32 v3, v4  }
0x97: {  	v4 =	vperm.xlane v3, v0;
	_ =	sdelay $0x1  }
0x98: {  	v4 =	vadd.s32 v1, v4;
	_ =	sdelay $0x1  }
0x99: {  	v3 =	vperm.xlane v3, v2;
	_ =	sdelay $0x1  }
0x9a: {  	s29 =	sadd.s32 $0xA900, s21;
	v3 =	vadd.s32 v1, v3  }
0x9b: {  	[tilespmem:s29], [sflag:$0x5] =	stream.indirect_vreg.gather [hbm4b:s2+s1], $0x80, v4, vm0, $0x2000b8;
	[tilespmem:$0x18100] =	vst v63  }
0x9c: {  	s30 =	sadd.s32 $0xB100, s21  }
0x9d: {  	[tilespmem:s30], [sflag:$0x5] =	stream.indirect_vreg.gather [hbm4b:s7+s1], $0x80, v4, vm1, $0x2000b8;
	[tilespmem:$0x18100] =	vst v63  }
0x9e: {  	s31 =	sadd.s32 $0xB500, s21  }
0x9f: {  	[tilespmem:s31], [sflag:$0x5] =	stream.indirect_vreg.gather [hbm4b:s2+s1], $0x80, v3, vm0, $0x2000b8;
	[tilespmem:$0x18100] =	vst v63  }
0xa0: {  	s21 =	sadd.s32 $0xBD00, s21  }
0xa1: {  	[tilespmem:s21], [sflag:$0x5] =	stream.indirect_vreg.gather [hbm4b:s7+s1], $0x80, v3, vm1, $0x2000b8;
	[tilespmem:$0x18100] =	vst v63  }
0xa2: {  	_ =	swait.ge [sflag:s9], $0xC000  }
0xa3: {  	[sflag:s9] =	ssyncset.done $0x0  }
0xa4: {  	p2 =	seq.s32 s12, $0x1;
	[sflag:s9] =	ssyncadd.s32 $0xFFFF4000  }
0xa5: {  	s18 =	sadd.s32 s5, s18;
	p1 =	por p2, p1;
	_ =	strace $0x90000054  }
0xa6: {  	s18 =	smul.u32 @p1 $0x1800, s18;
	s22 =	simm.s32 $0x1;
	_ =	strace @p1 $0x80000055  }
0xa7: {  	s19 =	sadd.s32 @p1 $0x3, s19;
	s22 =	simm.s32 @!p0 $0x0;
	s21 =	rddreg [dreg:$0x2]  }
0xa8: {  	p0 =	seq.s32 s12, $0x4;
	s18 =	sadd.s32 @p1 s21, s18;
	s21 =	simm.s32 @p1 $0x0  }
0xa9: {  	[hbm4b:s18+s21] =	stream.linear.scatter @p1 [tilespmem:s20], [sflag:s19], $0xC000, $0x200038;
	[tilespmem:$0x18100] =	vst v63  }
0xaa: {  	s18 =	simm.s32 $0x1;
	s20 =	simm.s32 $0x1;
	_ =	strace @p1 $0x90000055  }
0xab: {  	s18 =	simm.s32 @!p1 $0x0;
	p1 =	sne.s32 s12, $0x4;
	s12 =	sadd.s32 $0xFFFFFFFF, s12  }
0xac: {  	s19 =	sand.u32 @!p0 $0x1, s14;
	s20 =	simm.s32 @!p1 $0x0;
	p1 =	sne.s32 s12, $0x0  }
.Ltmp0:
0xad: {  	s19 =	sadd.s32 @!p0 $0x3, s19;
	_ =	strace @!p0 $0x80000056;
	(pc) =	sbr.rel @p1 .LBB2_2-.Ltmp0, $4  }
0xae: {  	_ =	swait.ge @!p0 [sflag:s19], $0xC000  }
0xaf: {  	[sflag:s19] =	ssyncset.done @!p0 $0x0  }
0xb0: {  	s17 =	sadd.s32 s22, s17;
	s15 =	sadd.s32 s18, s15;
	[sflag:s19] =	ssyncadd.s32 @!p0 $0xFFFF4000  }
0xb1: {  	s16 =	sadd.s32 s18, s16;
	s14 =	sadd.s32 s20, s14;
	_ =	strace @!p0 $0x90000056  }
0xb2: {  	s11 =	sadd.s32 $0x1, s11  }
0xb3: {  	p0 =	sne.s32 s11, s8  }
.Ltmp1:
0xb4: {  	_ =	strace $0x80000057;
	(pc) =	sbr.rel @p0 .LBB2_1-.Ltmp1, $4  }
0xb5: {  	_ =	swait.ge [sflag:s10], $0xC000  }
0xb6: {  	[sflag:s10] =	ssyncset.done $0x0  }
0xb7: {  	[sflag:s10] =	ssyncadd.s32 $0xFFFF4000  }
0xb8: {  	_ =	strace $0x90000057  }
0xb9: {  	_ =	sfence.sel $0x180000  }
0xba: {  	[bflag:$0x0] =	sbarrier.arrive $0xFFFF  }
0xbb: {  	p0 =	sne.s32 s3, $0x0;
	_ =	strace $0x90000050  }
0xbc: {  	s0 =	sadd.s32 @!p0 $0x100000, s0;
	[bflag:$0x2] =	sbarrier.arrive $0xFFFF  }
0xbd: {  	[sflag:s0] =	ssyncadd.tile.s32 @!p0 $0x1;
	_ =	shalt  }
.Lfunc_end2:
_tile_overlayer_lowered:
.L_overlay_start_2:
0xbe: {  	(tag) =	ssettag $0x2  }
0xbf: {  	s0 =	rddreg [dreg:$0x0];
	s2 =	stileid.u32  }
0xc0: {  	s1 =	rddreg [dreg:$0x1];
	p0 =	sne.s32 s2, $0x0  }
0xc1: {  	s3 =	rddreg [dreg:$0x2];
	[bflag:$0x3] =	sbarrier.arrive $0xFFFF;
	s2 =	simm.s32 @!p0 $0x1C01  }
0xc2: {  	[timem:s3], [sflag:s2] =	dma.local @!p0 [hbm:s0], s1  }
0xc3: {  	s0 =	simm.s32 @!p0 $0x1  }
0xc4: {  	_ =	swait.ge @!p0 [sflag:s0], s1  }
0xc5: {  	s1 =	ssub.s32 @!p0 $0x0, s1;
	[sflag:s0] =	ssyncset.done @!p0 $0x0  }
0xc6: {  	[sflag:s0] =	ssyncadd.s32 @!p0 s1  }
0xc7: {  	[bflag:$0x3] =	sbarrier.arrive $0xFFFF  }
0xc8: {  	_ =	shalt  }

</sc_bundles>
